<compile_context>
chip_gen: v7x
topology: tpu7x:2x2x1
jax: 0.10.2.dev20260603
libtpu: 0.0.44.dev20260713+nightly
codegen_flags: <defaults>
</compile_context>

<pallas_src>
import functools

import jax
import jax.numpy as jnp
from jax import lax
from jax.experimental import pallas as pl
from jax.experimental.pallas import tpu as pltpu
from jax.experimental.pallas import tpu_sc as plsc

THRES_STATIC = 0.001
THRES_DIST = 0.002

B, N, M = 4, 4096, 4096
MT = 512
L = 16
NW = 32
MSC = 512
MW = MSC * B // NW
SUB = MW // L
NSUB = 1
CH = 512


def _rne_bf16(v):
    t = v * 65537.0
    return t - (t - v)


def _sc_dist2_body(xs_hbm, yc_hbm, out_hbm, yv, xb, wb, av, dv):
    wid = lax.axis_index("s") * 2 + lax.axis_index("c")
    b = wid // (NW // B)
    part = wid % (NW // B)
    m0 = part * MW

    for c in range(3):
        pltpu.sync_copy(yc_hbm.at[pl.ds((b * 3 + c) * M + m0, MW)],
                        yv.at[pl.ds(c * MW, MW)])

    def yprep(j, _):
        o = j * L
        y0 = yv[pl.ds(o, L)]
        y1 = yv[pl.ds(MW + o, L)]
        y2 = yv[pl.ds(2 * MW + o, L)]
        dv[pl.ds(o, L)] = y0 * y0 + y1 * y1 + y2 * y2
        yv[pl.ds(o, L)] = _rne_bf16(y0)
        yv[pl.ds(MW + o, L)] = _rne_bf16(y1)
        yv[pl.ds(2 * MW + o, L)] = _rne_bf16(y2)
        return 0

    lax.fori_loop(0, MW // L, yprep, 0)

    inf16 = jnp.full((L,), jnp.inf, jnp.float32)

    def ainit(i, _):
        av[pl.ds(i * L, L)] = inf16
        return 0

    lax.fori_loop(0, NSUB * SUB, ainit, 0)

    for cc in range(N // CH):
        pltpu.sync_copy(
            xs_hbm.at[pl.ds((b * N + cc * CH) * 3 * L, CH * 3 * L)], xb)

        def xprep(j, _):
            o = j * 3 * L
            q = j * 4 * L
            a0 = xb[pl.ds(o, L)]
            a1 = xb[pl.ds(o + L, L)]
            a2 = xb[pl.ds(o + 2 * L, L)]
            wb[pl.ds(q + 3 * L, L)] = a0 * a0 + a1 * a1 + a2 * a2
            wb[pl.ds(q, L)] = -2.0 * _rne_bf16(a0)
            wb[pl.ds(q + L, L)] = -2.0 * _rne_bf16(a1)
            wb[pl.ds(q + 2 * L, L)] = -2.0 * _rne_bf16(a2)
            return 0

        lax.fori_loop(0, CH, xprep, 0)

        for sg in range(NSUB):
            sb = sg * SUB * L
            ys = []
            for k in range(SUB):
                ys.append((yv[pl.ds(sb + k * L, L)],
                           yv[pl.ds(MW + sb + k * L, L)],
                           yv[pl.ds(2 * MW + sb + k * L, L)]))

            def inner(j, accs):
                q = j * 4 * L
                w0 = wb[pl.ds(q, L)]
                w1 = wb[pl.ds(q + L, L)]
                w2 = wb[pl.ds(q + 2 * L, L)]
                u = wb[pl.ds(q + 3 * L, L)]
                out = []
                for k in range(SUB):
                    y0, y1, y2 = ys[k]
                    t = u + w0 * y0 + w1 * y1 + w2 * y2
                    out.append(jnp.minimum(accs[k], t))
                return tuple(out)

            accs = lax.fori_loop(
                0, CH, inner,
                tuple(av[pl.ds(sb + k * L, L)] for k in range(SUB)))
            for k in range(SUB):
                av[pl.ds(sb + k * L, L)] = accs[k]

    def fin(i, _):
        o = i * L
        dv[pl.ds(o, L)] = jnp.maximum(av[pl.ds(o, L)] + dv[pl.ds(o, L)], 0.0)
        return 0

    lax.fori_loop(0, MW // L, fin, 0)
    pltpu.sync_copy(dv, out_hbm.at[pl.ds(b * MSC + m0, MW)])


def _sc_dist2(xs, yc):
    mesh = plsc.VectorSubcoreMesh(core_axis_name="c", subcore_axis_name="s")
    f = pl.kernel(
        _sc_dist2_body,
        out_type=jax.ShapeDtypeStruct((B * MSC,), jnp.float32),
        mesh=mesh,
        scratch_types=[
            pltpu.VMEM((3 * MW,), jnp.float32),
            pltpu.VMEM((CH * 3 * L,), jnp.float32),
            pltpu.VMEM((CH * 4 * L,), jnp.float32),
            pltpu.VMEM((NSUB * SUB * L,), jnp.float32),
            pltpu.VMEM((MW,), jnp.float32),
        ],
    )
    return f(xs, yc)


def _dist2_body(x_ref, w_ref, y_ref, y8_ref, out_ref):
    a = x_ref[0]
    yb = y_ref[0]
    aa = jnp.sum(a * a, axis=1, keepdims=True)
    ab = jax.lax.dot_general(
        w_ref[0], y8_ref[0],
        (((1,), (0,)), ((), ())),
        preferred_element_type=jnp.float32,
    )
    t = ab + aa
    tmin = jnp.min(t, axis=0, keepdims=True)
    bb = jnp.sum(yb * yb, axis=0, keepdims=True)
    out_ref[...] = jnp.maximum(tmin + bb, 0.0)[None]


def _loss_body(d2_ref, y0_ref, y1_ref, sdyn_ref, cdyn_ref, sst_ref, cst_ref):
    d2 = d2_ref[...]
    pos = d2 < THRES_DIST
    neg = d2 > THRES_STATIC
    sq = jnp.zeros_like(d2)
    sst = jnp.float32(0.0)
    cst = jnp.float32(0.0)
    for c in range(3):
        diff = y1_ref[c * B:(c + 1) * B, :] - y0_ref[c * B:(c + 1) * B, :]
        sq = sq + diff * diff
        sel_st = jnp.logical_and(neg, diff > 0.0)
        sst = sst + jnp.sum(jnp.where(sel_st, diff * diff, 0.0))
        cst = cst + jnp.sum(sel_st.astype(jnp.float32))
    sel_dyn = jnp.logical_and(pos, sq > 0.0)
    norm = jnp.sqrt(jnp.where(sel_dyn, sq, 1.0))
    z = 0.1 - norm
    sp = jnp.maximum(z, 0.0) + jnp.log1p(jnp.exp(-jnp.abs(z)))
    sdyn_ref[0, 0] = jnp.sum(jnp.where(sel_dyn, sp, 0.0))
    cdyn_ref[0, 0] = jnp.sum(sel_dyn.astype(jnp.float32))
    sst_ref[0, 0] = sst
    cst_ref[0, 0] = cst


@jax.jit
def kernel(x, y_hat0, y_hat1):
    xp = x[:, 0, :, :3].astype(jnp.float32)
    y0p = y_hat0[:, 0].astype(jnp.float32)
    yt = jnp.transpose(y0p, (0, 2, 1))
    wp = jnp.zeros((B, N, 8), jnp.bfloat16).at[:, :, :3].set(
        (-2.0 * xp).astype(jnp.bfloat16))
    y8 = jnp.zeros((B, 8, M), jnp.bfloat16).at[:, :3, :].set(
        yt.astype(jnp.bfloat16))

    xs = jnp.broadcast_to(xp[..., None], (B, N, 3, L)).reshape(-1)
    ycm = jnp.transpose(y0p, (0, 2, 1)).reshape(-1)
    d2sc = _sc_dist2(xs, ycm).reshape(B, MSC)

    MR = M - MSC
    d2tc = pl.pallas_call(
        _dist2_body,
        grid=(B, MR // MT),
        in_specs=[
            pl.BlockSpec((1, N, 3), lambda b, m: (b, 0, 0)),
            pl.BlockSpec((1, N, 8), lambda b, m: (b, 0, 0)),
            pl.BlockSpec((1, 3, MT), lambda b, m: (b, 0, m + MSC // MT)),
            pl.BlockSpec((1, 8, MT), lambda b, m: (b, 0, m + MSC // MT)),
        ],
        out_specs=pl.BlockSpec((1, 1, MT), lambda b, m: (b, 0, m)),
        out_shape=jax.ShapeDtypeStruct((B, 1, MR), jnp.float32),
    )(xp, wp, yt, y8)
    d2 = jnp.concatenate([d2sc, d2tc[:, 0, :]], axis=1)

    y0r = jnp.transpose(y0p, (2, 0, 1)).reshape(3 * B, M)
    y1r = jnp.transpose(y_hat1[:, 0].astype(jnp.float32), (2, 0, 1)).reshape(3 * B, M)

    scal = jax.ShapeDtypeStruct((1, 1), jnp.float32)
    sspec = pl.BlockSpec(memory_space=pltpu.SMEM)
    sdyn, cdyn, sst, cst = pl.pallas_call(
        _loss_body,
        out_shape=(scal, scal, scal, scal),
        out_specs=(sspec, sspec, sspec, sspec),
    )(d2, y0r, y1r)

    loss_dynamic = (sdyn[0, 0] / cdyn[0, 0]).astype(jnp.float32)
    loss_static = (sst[0, 0] / cst[0, 0]).astype(jnp.float32)
    return (loss_dynamic, loss_static)

# --- scband reference (transcript-rebuilt; emitter-appended) ---
"""Pipeline reference for scband-unsup-loss-25829933318825 (READ-ONLY COPY).

The authoritative reference and input builder live on the scoring server;
editing this copy changes nothing except your own understanding.
"""

import jax, jax.numpy as jnp
import numpy as np


def _pairwise_sqdist(a, b):
    # a: [B, N, 3], b: [B, M, 3] -> [B, N, M] squared L2 distances
    aa = jnp.sum(a * a, axis=-1)[:, :, None]
    bb = jnp.sum(b * b, axis=-1)[:, None, :]
    ab = jnp.einsum('bnd,bmd->bnm', a, b)
    return jnp.maximum(aa + bb - 2.0 * ab, 0.0)


def setup_inputs(seed: int = 0) -> dict:
    key = jax.random.key(seed)
    k1, k2, k3 = jax.random.split(key, 3)
    x = jax.random.uniform(k1, (4, 2, 4096, 4), dtype=jnp.float32)
    y_hat0 = jax.random.uniform(k2, (4, 1, 4096, 3), dtype=jnp.float32)
    y_hat1 = jax.random.uniform(k3, (4, 1, 4096, 3), dtype=jnp.float32)
    return {"x": x, "y_hat0": y_hat0, "y_hat1": y_hat1}


def reference(x, y_hat0, y_hat1):
    thres_static = 0.001
    thres_dist = 0.002
    # chamfer_mask
    x_t01 = x[:, -2:, ...]
    x_t0 = x_t01[:, 0:1, :, :3]
    d = _pairwise_sqdist(x_t0[:, 0].astype(jnp.float32), y_hat0[:, 0].astype(jnp.float32))
    dist1 = jnp.min(d, axis=2)  # per x point (computed but unused, as in original)
    dist2 = jnp.min(d, axis=1)  # per y point [B, M]
    mask_dist_pos = jax.lax.stop_gradient((dist2 < thres_dist)[:, None, :, None])
    mask_dist_neg = jax.lax.stop_gradient((dist2 > thres_static)[:, None, :, None])
    # dynamic loss: mean of softplus(0.1 - norm) over entries with norm > 0
    my_hat_dynamic = (y_hat1 - y_hat0) * mask_dist_pos
    sq = jnp.sum(my_hat_dynamic * my_hat_dynamic, axis=-1)
    sel_dyn = sq > 0
    norm = jnp.sqrt(jnp.where(sel_dyn, sq, 1.0))
    sp = jax.nn.softplus(0.1 - norm)
    cnt_dyn = jnp.sum(sel_dyn).astype(jnp.float32)
    loss_dynamic = jnp.sum(jnp.where(sel_dyn, sp, 0.0)) / cnt_dyn
    # static loss: MSE vs zero over positive masked entries
    my_hat_static = (y_hat1 - y_hat0) * mask_dist_neg
    sel_st = my_hat_static > 0
    cnt_st = jnp.sum(sel_st).astype(jnp.float32)
    loss_static = jnp.sum(jnp.where(sel_st, my_hat_static * my_hat_static, 0.0)) / cnt_st
    return (loss_dynamic, loss_static)

if __name__ == "__main__":
    import jax
    _d = setup_inputs()
    print(jax.jit(kernel)(*tuple(_d.values())))

</pallas_src>

<mosaic_0001>
#map = affine_map<(d0, d1) -> (0)>
module attributes {stable_mosaic.version = 14 : i64} {
  func.func @_sc_dist2_body(%arg0: i32, %arg1: i32, %arg2: memref<786432xf32, #tpu.memory_space<hbm>>, %arg3: memref<49152xf32, #tpu.memory_space<hbm>>, %arg4: memref<2048xf32, #tpu.memory_space<hbm>>, %arg5: memref<192xf32, #tpu.memory_space<vmem>>, %arg6: memref<24576xf32, #tpu.memory_space<vmem>>, %arg7: memref<32768xf32, #tpu.memory_space<vmem>>, %arg8: memref<64xf32, #tpu.memory_space<vmem>>, %arg9: memref<64xf32, #tpu.memory_space<vmem>>) attributes {dimension_semantics = [#tpu.dimension_semantics<core_parallel>, #tpu.dimension_semantics<subcore_parallel>], iteration_bounds = array<i64: 2, 16>, scalar_prefetch = 0 : i64, scratch_operands = 5 : i64, tpu.core_type = #tpu.core_type<sc_vector_subcore>, window_params = [{transform_indices = #map}, {transform_indices = #map}, {transform_indices = #map}]} {
    %mul3A = arith.constant 2 : i32
    %mul3A_0 = arith.muli %arg1, %mul3A : i32
    %add3A = arith.addi %mul3A_0, %arg0 : i32
    %jit3A = arith.constant 8 : i32
    %div3A = arith.divsi %add3A, %jit3A : i32
    %sign3A = arith.constant 0 : i32
    %sign3A_1 = arith.cmpi sgt, %add3A, %sign3A : i32
    %sign3A_2 = arith.extui %sign3A_1 : i1 to i32
    %sign3A_3 = arith.constant 0 : i32
    %sign3A_4 = arith.cmpi slt, %add3A, %sign3A_3 : i32
    %sign3A_5 = arith.extui %sign3A_4 : i1 to i32
    %sign3A_6 = arith.subi %sign3A_2, %sign3A_5 : i32
    %sign3A_7 = arith.constant 0 : i32
    %sign3A_8 = arith.cmpi sgt, %jit3A, %sign3A_7 : i32
    %sign3A_9 = arith.extui %sign3A_8 : i1 to i32
    %sign3A_10 = arith.constant 0 : i32
    %sign3A_11 = arith.cmpi slt, %jit3A, %sign3A_10 : i32
    %sign3A_12 = arith.extui %sign3A_11 : i1 to i32
    %sign3A_13 = arith.subi %sign3A_9, %sign3A_12 : i32
    %ne3A = arith.cmpi ne, %sign3A_6, %sign3A_13 : i32
    %rem3A = arith.remsi %add3A, %jit3A : i32
    %ne3A_14 = arith.constant 0 : i32
    %ne3A_15 = arith.cmpi ne, %rem3A, %ne3A_14 : i32
    %and3A = arith.andi %ne3A, %ne3A_15 : i1
    %sub3A = arith.constant 1 : i32
    %sub3A_16 = arith.subi %div3A, %sub3A : i32
    %select_n3A = arith.select %and3A, %sub3A_16, %div3A : i32
    %jit3A_17 = arith.constant 8 : i32
    %eq3A = arith.constant 0 : i32
    %eq3A_18 = arith.cmpi eq, %jit3A_17, %eq3A : i32
    %jit3A_19 = arith.constant 1 : i32
    %select_n3A_20 = arith.select %eq3A_18, %jit3A_19, %jit3A_17 : i32
    %rem3A_21 = arith.remsi %add3A, %select_n3A_20 : i32
    %ne3A_22 = arith.constant 0 : i32
    %ne3A_23 = arith.cmpi ne, %rem3A_21, %ne3A_22 : i32
    %lt3A = arith.constant 0 : i32
    %lt3A_24 = arith.cmpi slt, %rem3A_21, %lt3A : i32
    %lt3A_25 = arith.constant 0 : i32
    %lt3A_26 = arith.cmpi slt, %select_n3A_20, %lt3A_25 : i32
    %ne3A_27 = arith.xori %lt3A_24, %lt3A_26 : i1
    %and3A_28 = arith.andi %ne3A_27, %ne3A_23 : i1
    %add3A_29 = arith.addi %rem3A_21, %select_n3A_20 : i32
    %select_n3A_30 = arith.select %and3A_28, %add3A_29, %rem3A_21 : i32
    %mul3A_31 = arith.constant 64 : i32
    %mul3A_32 = arith.muli %select_n3A_30, %mul3A_31 : i32
    %mul3A_33 = arith.constant 3 : i32
    %mul3A_34 = arith.muli %select_n3A, %mul3A_33 : i32
    %add3A_35 = arith.constant 0 : i32
    %add3A_36 = arith.addi %mul3A_34, %add3A_35 : i32
    %mul3A_37 = arith.constant 4096 : i32
    %mul3A_38 = arith.muli %add3A_36, %mul3A_37 : i32
    %add3A_39 = arith.addi %mul3A_38, %mul3A_32 : i32
    "tpu.region"() ({
      %run_scoped3A = tpu.sem_alloc : memref<!tpu.dma_semaphore, #tpu.memory_space<semaphore_mem>>
      %dma_start3A = arith.constant 0 : i32
      %dma_start3A_756 = tpu.memref_slice %arg5[%dma_start3A] : memref<192xf32, #tpu.memory_space<vmem>> -> memref<64xf32, #tpu.memory_space<vmem>>
      %dma_start3A_757 = tpu.memref_slice %arg3[%add3A_39] : memref<49152xf32, #tpu.memory_space<hbm>> -> memref<64xf32, #tpu.memory_space<hbm>>
      %dma_start3A_758 = arith.constant 0 : i32
      %dma_start3A_759 = tpu.memref_slice %arg5[%dma_start3A_758] : memref<192xf32, #tpu.memory_space<vmem>> -> memref<64xf32, #tpu.memory_space<vmem>>
      %dma_start3A_760 = tpu.memref_slice %arg3[%add3A_39] : memref<49152xf32, #tpu.memory_space<hbm>> -> memref<64xf32, #tpu.memory_space<hbm>>
      tpu.enqueue_dma source(%dma_start3A_760 : memref<64xf32, #tpu.memory_space<hbm>>) target(%dma_start3A_759 : memref<64xf32, #tpu.memory_space<vmem>>) target_semaphore(%run_scoped3A : memref<!tpu.dma_semaphore, #tpu.memory_space<semaphore_mem>>)
      %dma_wait3A = arith.constant 0 : i32
      %dma_wait3A_761 = tpu.memref_slice %arg5[%dma_wait3A] : memref<192xf32, #tpu.memory_space<vmem>> -> memref<64xf32, #tpu.memory_space<vmem>>
      %dma_wait3A_762 = tpu.memref_slice %arg3[%add3A_39] : memref<49152xf32, #tpu.memory_space<hbm>> -> memref<64xf32, #tpu.memory_space<hbm>>
      %dma_wait3A_763 = arith.constant 0 : i32
      %dma_wait3A_764 = tpu.memref_slice %arg5[%dma_wait3A_763] : memref<192xf32, #tpu.memory_space<vmem>> -> memref<64xf32, #tpu.memory_space<vmem>>
      %dma_wait3A_765 = tpu.memref_slice %arg3[%add3A_39] : memref<49152xf32, #tpu.memory_space<hbm>> -> memref<64xf32, #tpu.memory_space<hbm>>
      tpu.wait_dma2 semaphore(%run_scoped3A : memref<!tpu.dma_semaphore, #tpu.memory_space<semaphore_mem>>) src(%dma_wait3A_765 : memref<64xf32, #tpu.memory_space<hbm>>) dst(%dma_wait3A_764 : memref<64xf32, #tpu.memory_space<vmem>>)
      tpu.yield
    }) : () -> ()
    %mul3A_40 = arith.constant 3 : i32
    %mul3A_41 = arith.muli %select_n3A, %mul3A_40 : i32
    %add3A_42 = arith.constant 1 : i32
    %add3A_43 = arith.addi %mul3A_41, %add3A_42 : i32
    %mul3A_44 = arith.constant 4096 : i32
    %mul3A_45 = arith.muli %add3A_43, %mul3A_44 : i32
    %add3A_46 = arith.addi %mul3A_45, %mul3A_32 : i32
    "tpu.region"() ({
      %run_scoped3A = tpu.sem_alloc : memref<!tpu.dma_semaphore, #tpu.memory_space<semaphore_mem>>
      %dma_start3A = arith.constant 64 : i32
      %dma_start3A_756 = tpu.memref_slice %arg5[%dma_start3A] : memref<192xf32, #tpu.memory_space<vmem>> -> memref<64xf32, #tpu.memory_space<vmem>>
      %dma_start3A_757 = tpu.memref_slice %arg3[%add3A_46] : memref<49152xf32, #tpu.memory_space<hbm>> -> memref<64xf32, #tpu.memory_space<hbm>>
      %dma_start3A_758 = arith.constant 64 : i32
      %dma_start3A_759 = tpu.memref_slice %arg5[%dma_start3A_758] : memref<192xf32, #tpu.memory_space<vmem>> -> memref<64xf32, #tpu.memory_space<vmem>>
      %dma_start3A_760 = tpu.memref_slice %arg3[%add3A_46] : memref<49152xf32, #tpu.memory_space<hbm>> -> memref<64xf32, #tpu.memory_space<hbm>>
      tpu.enqueue_dma source(%dma_start3A_760 : memref<64xf32, #tpu.memory_space<hbm>>) target(%dma_start3A_759 : memref<64xf32, #tpu.memory_space<vmem>>) target_semaphore(%run_scoped3A : memref<!tpu.dma_semaphore, #tpu.memory_space<semaphore_mem>>)
      %dma_wait3A = arith.constant 64 : i32
      %dma_wait3A_761 = tpu.memref_slice %arg5[%dma_wait3A] : memref<192xf32, #tpu.memory_space<vmem>> -> memref<64xf32, #tpu.memory_space<vmem>>
      %dma_wait3A_762 = tpu.memref_slice %arg3[%add3A_46] : memref<49152xf32, #tpu.memory_space<hbm>> -> memref<64xf32, #tpu.memory_space<hbm>>
      %dma_wait3A_763 = arith.constant 64 : i32
      %dma_wait3A_764 = tpu.memref_slice %arg5[%dma_wait3A_763] : memref<192xf32, #tpu.memory_space<vmem>> -> memref<64xf32, #tpu.memory_space<vmem>>
      %dma_wait3A_765 = tpu.memref_slice %arg3[%add3A_46] : memref<49152xf32, #tpu.memory_space<hbm>> -> memref<64xf32, #tpu.memory_space<hbm>>
      tpu.wait_dma2 semaphore(%run_scoped3A : memref<!tpu.dma_semaphore, #tpu.memory_space<semaphore_mem>>) src(%dma_wait3A_765 : memref<64xf32, #tpu.memory_space<hbm>>) dst(%dma_wait3A_764 : memref<64xf32, #tpu.memory_space<vmem>>)
      tpu.yield
    }) : () -> ()
    %mul3A_47 = arith.constant 3 : i32
    %mul3A_48 = arith.muli %select_n3A, %mul3A_47 : i32
    %add3A_49 = arith.constant 2 : i32
    %add3A_50 = arith.addi %mul3A_48, %add3A_49 : i32
    %mul3A_51 = arith.constant 4096 : i32
    %mul3A_52 = arith.muli %add3A_50, %mul3A_51 : i32
    %add3A_53 = arith.addi %mul3A_52, %mul3A_32 : i32
    "tpu.region"() ({
      %run_scoped3A = tpu.sem_alloc : memref<!tpu.dma_semaphore, #tpu.memory_space<semaphore_mem>>
      %dma_start3A = arith.constant 128 : i32
      %dma_start3A_756 = tpu.memref_slice %arg5[%dma_start3A] : memref<192xf32, #tpu.memory_space<vmem>> -> memref<64xf32, #tpu.memory_space<vmem>>
      %dma_start3A_757 = tpu.memref_slice %arg3[%add3A_53] : memref<49152xf32, #tpu.memory_space<hbm>> -> memref<64xf32, #tpu.memory_space<hbm>>
      %dma_start3A_758 = arith.constant 128 : i32
      %dma_start3A_759 = tpu.memref_slice %arg5[%dma_start3A_758] : memref<192xf32, #tpu.memory_space<vmem>> -> memref<64xf32, #tpu.memory_space<vmem>>
      %dma_start3A_760 = tpu.memref_slice %arg3[%add3A_53] : memref<49152xf32, #tpu.memory_space<hbm>> -> memref<64xf32, #tpu.memory_space<hbm>>
      tpu.enqueue_dma source(%dma_start3A_760 : memref<64xf32, #tpu.memory_space<hbm>>) target(%dma_start3A_759 : memref<64xf32, #tpu.memory_space<vmem>>) target_semaphore(%run_scoped3A : memref<!tpu.dma_semaphore, #tpu.memory_space<semaphore_mem>>)
      %dma_wait3A = arith.constant 128 : i32
      %dma_wait3A_761 = tpu.memref_slice %arg5[%dma_wait3A] : memref<192xf32, #tpu.memory_space<vmem>> -> memref<64xf32, #tpu.memory_space<vmem>>
      %dma_wait3A_762 = tpu.memref_slice %arg3[%add3A_53] : memref<49152xf32, #tpu.memory_space<hbm>> -> memref<64xf32, #tpu.memory_space<hbm>>
      %dma_wait3A_763 = arith.constant 128 : i32
      %dma_wait3A_764 = tpu.memref_slice %arg5[%dma_wait3A_763] : memref<192xf32, #tpu.memory_space<vmem>> -> memref<64xf32, #tpu.memory_space<vmem>>
      %dma_wait3A_765 = tpu.memref_slice %arg3[%add3A_53] : memref<49152xf32, #tpu.memory_space<hbm>> -> memref<64xf32, #tpu.memory_space<hbm>>
      tpu.wait_dma2 semaphore(%run_scoped3A : memref<!tpu.dma_semaphore, #tpu.memory_space<semaphore_mem>>) src(%dma_wait3A_765 : memref<64xf32, #tpu.memory_space<hbm>>) dst(%dma_wait3A_764 : memref<64xf32, #tpu.memory_space<vmem>>)
      tpu.yield
    }) : () -> ()
    %scan3A = arith.constant 0 : i32
    %scan3A_54 = arith.constant 0 : i32
    %scan3A_55 = arith.constant 4 : i32
    %scan3A_56 = arith.addi %scan3A_54, %scan3A_55 : i32
    %scan3A_57 = arith.constant 1 : i32
    %scan3A_58 = scf.for %scan3A_756 = %scan3A_54 to %scan3A_56 step %scan3A_57 iter_args(%scan3A_757 = %scan3A) -> (i32)  : i32 {
      %mul3A_758 = arith.constant 16 : i32
      %mul3A_759 = arith.muli %scan3A_756, %mul3A_758 : i32
      %get3A_760 = arith.index_cast %mul3A_759 : i32 to index
      %get3A_761 = tpu.vector_load %arg5[%get3A_760] {strides = array<i32>} : memref<192xf32, #tpu.memory_space<vmem>>, vector<16xf32>,
      %get3A_762 = vector.shape_cast %get3A_761 : vector<16xf32> to vector<16xf32>
      %add3A_763 = arith.constant 64 : i32
      %add3A_764 = arith.addi %add3A_763, %mul3A_759 : i32
      %get3A_765 = arith.index_cast %add3A_764 : i32 to index
      %get3A_766 = tpu.vector_load %arg5[%get3A_765] {strides = array<i32>} : memref<192xf32, #tpu.memory_space<vmem>>, vector<16xf32>,
      %get3A_767 = vector.shape_cast %get3A_766 : vector<16xf32> to vector<16xf32>
      %add3A_768 = arith.constant 128 : i32
      %add3A_769 = arith.addi %add3A_768, %mul3A_759 : i32
      %get3A_770 = arith.index_cast %add3A_769 : i32 to index
      %get3A_771 = tpu.vector_load %arg5[%get3A_770] {strides = array<i32>} : memref<192xf32, #tpu.memory_space<vmem>>, vector<16xf32>,
      %get3A_772 = vector.shape_cast %get3A_771 : vector<16xf32> to vector<16xf32>
      %mul3A_773 = arith.mulf %get3A_762, %get3A_762 : vector<16xf32>
      %mul3A_774 = arith.mulf %get3A_767, %get3A_767 : vector<16xf32>
      %add3A_775 = arith.addf %mul3A_773, %mul3A_774 : vector<16xf32>
      %mul3A_776 = arith.mulf %get3A_772, %get3A_772 : vector<16xf32>
      %add3A_777 = arith.addf %add3A_775, %mul3A_776 : vector<16xf32>
      %swap3A_778 = arith.index_cast %mul3A_759 : i32 to index
      %swap3A_779 = tpu.vector_load %arg9[%swap3A_778] {strides = array<i32>} : memref<64xf32, #tpu.memory_space<vmem>>, vector<16xf32>,
      %swap3A_780 = vector.shape_cast %swap3A_779 : vector<16xf32> to vector<16xf32>
      %swap3A_781 = vector.shape_cast %add3A_777 : vector<16xf32> to vector<16xf32>
      tpu.vector_store %arg9[%swap3A_778], %swap3A_781 {strides = array<i32>} : memref<64xf32, #tpu.memory_space<vmem>>, vector<16xf32>,
      %mul3A_782 = arith.constant 6.553700e+04 : f32
      %mul3A_783 = vector.broadcast %mul3A_782 : f32 to vector<16xf32>
      %mul3A_784 = arith.mulf %get3A_762, %mul3A_783 : vector<16xf32>
      %sub3A_785 = arith.subf %mul3A_784, %get3A_762 : vector<16xf32>
      %sub3A_786 = arith.subf %mul3A_784, %sub3A_785 : vector<16xf32>
      %swap3A_787 = arith.index_cast %mul3A_759 : i32 to index
      %swap3A_788 = tpu.vector_load %arg5[%swap3A_787] {strides = array<i32>} : memref<192xf32, #tpu.memory_space<vmem>>, vector<16xf32>,
      %swap3A_789 = vector.shape_cast %swap3A_788 : vector<16xf32> to vector<16xf32>
      %swap3A_790 = vector.shape_cast %sub3A_786 : vector<16xf32> to vector<16xf32>
      tpu.vector_store %arg5[%swap3A_787], %swap3A_790 {strides = array<i32>} : memref<192xf32, #tpu.memory_space<vmem>>, vector<16xf32>,
      %mul3A_791 = arith.constant 6.553700e+04 : f32
      %mul3A_792 = vector.broadcast %mul3A_791 : f32 to vector<16xf32>
      %mul3A_793 = arith.mulf %get3A_767, %mul3A_792 : vector<16xf32>
      %sub3A_794 = arith.subf %mul3A_793, %get3A_767 : vector<16xf32>
      %sub3A_795 = arith.subf %mul3A_793, %sub3A_794 : vector<16xf32>
      %add3A_796 = arith.constant 64 : i32
      %add3A_797 = arith.addi %add3A_796, %mul3A_759 : i32
      %swap3A_798 = arith.index_cast %add3A_797 : i32 to index
      %swap3A_799 = tpu.vector_load %arg5[%swap3A_798] {strides = array<i32>} : memref<192xf32, #tpu.memory_space<vmem>>, vector<16xf32>,
      %swap3A_800 = vector.shape_cast %swap3A_799 : vector<16xf32> to vector<16xf32>
      %swap3A_801 = vector.shape_cast %sub3A_795 : vector<16xf32> to vector<16xf32>
      tpu.vector_store %arg5[%swap3A_798], %swap3A_801 {strides = array<i32>} : memref<192xf32, #tpu.memory_space<vmem>>, vector<16xf32>,
      %mul3A_802 = arith.constant 6.553700e+04 : f32
      %mul3A_803 = vector.broadcast %mul3A_802 : f32 to vector<16xf32>
      %mul3A_804 = arith.mulf %get3A_772, %mul3A_803 : vector<16xf32>
      %sub3A_805 = arith.subf %mul3A_804, %get3A_772 : vector<16xf32>
      %sub3A_806 = arith.subf %mul3A_804, %sub3A_805 : vector<16xf32>
      %add3A_807 = arith.constant 128 : i32
      %add3A_808 = arith.addi %add3A_807, %mul3A_759 : i32
      %swap3A_809 = arith.index_cast %add3A_808 : i32 to index
      %swap3A_810 = tpu.vector_load %arg5[%swap3A_809] {strides = array<i32>} : memref<192xf32, #tpu.memory_space<vmem>>, vector<16xf32>,
      %swap3A_811 = vector.shape_cast %swap3A_810 : vector<16xf32> to vector<16xf32>
      %swap3A_812 = vector.shape_cast %sub3A_806 : vector<16xf32> to vector<16xf32>
      tpu.vector_store %arg5[%swap3A_809], %swap3A_812 {strides = array<i32>} : memref<192xf32, #tpu.memory_space<vmem>>, vector<16xf32>,
      %scan3A_813 = arith.constant 0 : i32
      scf.yield %scan3A_813 : i32
    }
    %scan3A_59 = arith.constant 4 : i32
    %broadcast_in_dim3A = arith.constant 0x7F800000 : f32
    %broadcast_in_dim3A_60 = vector.broadcast %broadcast_in_dim3A : f32 to vector<16xf32>
    %scan3A_61 = arith.constant 0 : i32
    %scan3A_62 = arith.constant 0 : i32
    %scan3A_63 = arith.constant 4 : i32
    %scan3A_64 = arith.addi %scan3A_62, %scan3A_63 : i32
    %scan3A_65 = arith.constant 1 : i32
    %scan3A_66 = scf.for %scan3A_756 = %scan3A_62 to %scan3A_64 step %scan3A_65 iter_args(%scan3A_757 = %scan3A_61) -> (i32)  : i32 {
      %mul3A_758 = arith.constant 16 : i32
      %mul3A_759 = arith.muli %scan3A_756, %mul3A_758 : i32
      %swap3A_760 = arith.index_cast %mul3A_759 : i32 to index
      %swap3A_761 = tpu.vector_load %arg8[%swap3A_760] {strides = array<i32>} : memref<64xf32, #tpu.memory_space<vmem>>, vector<16xf32>,
      %swap3A_762 = vector.shape_cast %swap3A_761 : vector<16xf32> to vector<16xf32>
      %swap3A_763 = vector.shape_cast %broadcast_in_dim3A_60 : vector<16xf32> to vector<16xf32>
      tpu.vector_store %arg8[%swap3A_760], %swap3A_763 {strides = array<i32>} : memref<64xf32, #tpu.memory_space<vmem>>, vector<16xf32>,
      %scan3A_764 = arith.constant 0 : i32
      scf.yield %scan3A_764 : i32
    }
    %scan3A_67 = arith.constant 4 : i32
    %mul3A_68 = arith.constant 4096 : i32
    %mul3A_69 = arith.muli %select_n3A, %mul3A_68 : i32
    %add3A_70 = arith.constant 0 : i32
    %add3A_71 = arith.addi %mul3A_69, %add3A_70 : i32
    %mul3A_72 = arith.constant 3 : i32
    %mul3A_73 = arith.muli %add3A_71, %mul3A_72 : i32
    %mul3A_74 = arith.constant 16 : i32
    %mul3A_75 = arith.muli %mul3A_73, %mul3A_74 : i32
    "tpu.region"() ({
      %run_scoped3A = tpu.sem_alloc : memref<!tpu.dma_semaphore, #tpu.memory_space<semaphore_mem>>
      %dma_start3A = tpu.memref_slice %arg2[%mul3A_75] : memref<786432xf32, #tpu.memory_space<hbm>> -> memref<24576xf32, #tpu.memory_space<hbm>>
      %dma_start3A_756 = tpu.memref_slice %arg2[%mul3A_75] : memref<786432xf32, #tpu.memory_space<hbm>> -> memref<24576xf32, #tpu.memory_space<hbm>>
      tpu.enqueue_dma source(%dma_start3A_756 : memref<24576xf32, #tpu.memory_space<hbm>>) target(%arg6 : memref<24576xf32, #tpu.memory_space<vmem>>) target_semaphore(%run_scoped3A : memref<!tpu.dma_semaphore, #tpu.memory_space<semaphore_mem>>)
      %dma_wait3A = tpu.memref_slice %arg2[%mul3A_75] : memref<786432xf32, #tpu.memory_space<hbm>> -> memref<24576xf32, #tpu.memory_space<hbm>>
      %dma_wait3A_757 = tpu.memref_slice %arg2[%mul3A_75] : memref<786432xf32, #tpu.memory_space<hbm>> -> memref<24576xf32, #tpu.memory_space<hbm>>
      tpu.wait_dma2 semaphore(%run_scoped3A : memref<!tpu.dma_semaphore, #tpu.memory_space<semaphore_mem>>) src(%dma_wait3A_757 : memref<24576xf32, #tpu.memory_space<hbm>>) dst(%arg6 : memref<24576xf32, #tpu.memory_space<vmem>>)
      tpu.yield
    }) : () -> ()
    %scan3A_76 = arith.constant 0 : i32
    %scan3A_77 = arith.constant 0 : i32
    %scan3A_78 = arith.constant 512 : i32
    %scan3A_79 = arith.addi %scan3A_77, %scan3A_78 : i32
    %scan3A_80 = arith.constant 1 : i32
    %scan3A_81 = scf.for %scan3A_756 = %scan3A_77 to %scan3A_79 step %scan3A_80 iter_args(%scan3A_757 = %scan3A_76) -> (i32)  : i32 {
      %mul3A_758 = arith.constant 3 : i32
      %mul3A_759 = arith.muli %scan3A_756, %mul3A_758 : i32
      %mul3A_760 = arith.constant 16 : i32
      %mul3A_761 = arith.muli %mul3A_759, %mul3A_760 : i32
      %mul3A_762 = arith.constant 4 : i32
      %mul3A_763 = arith.muli %scan3A_756, %mul3A_762 : i32
      %mul3A_764 = arith.constant 16 : i32
      %mul3A_765 = arith.muli %mul3A_763, %mul3A_764 : i32
      %get3A_766 = arith.index_cast %mul3A_761 : i32 to index
      %get3A_767 = tpu.vector_load %arg6[%get3A_766] {strides = array<i32>} : memref<24576xf32, #tpu.memory_space<vmem>>, vector<16xf32>,
      %get3A_768 = vector.shape_cast %get3A_767 : vector<16xf32> to vector<16xf32>
      %add3A_769 = arith.constant 16 : i32
      %add3A_770 = arith.addi %mul3A_761, %add3A_769 : i32
      %get3A_771 = arith.index_cast %add3A_770 : i32 to index
      %get3A_772 = tpu.vector_load %arg6[%get3A_771] {strides = array<i32>} : memref<24576xf32, #tpu.memory_space<vmem>>, vector<16xf32>,
      %get3A_773 = vector.shape_cast %get3A_772 : vector<16xf32> to vector<16xf32>
      %add3A_774 = arith.constant 32 : i32
      %add3A_775 = arith.addi %mul3A_761, %add3A_774 : i32
      %get3A_776 = arith.index_cast %add3A_775 : i32 to index
      %get3A_777 = tpu.vector_load %arg6[%get3A_776] {strides = array<i32>} : memref<24576xf32, #tpu.memory_space<vmem>>, vector<16xf32>,
      %get3A_778 = vector.shape_cast %get3A_777 : vector<16xf32> to vector<16xf32>
      %mul3A_779 = arith.mulf %get3A_768, %get3A_768 : vector<16xf32>
      %mul3A_780 = arith.mulf %get3A_773, %get3A_773 : vector<16xf32>
      %add3A_781 = arith.addf %mul3A_779, %mul3A_780 : vector<16xf32>
      %mul3A_782 = arith.mulf %get3A_778, %get3A_778 : vector<16xf32>
      %add3A_783 = arith.addf %add3A_781, %mul3A_782 : vector<16xf32>
      %add3A_784 = arith.constant 48 : i32
      %add3A_785 = arith.addi %mul3A_765, %add3A_784 : i32
      %swap3A_786 = arith.index_cast %add3A_785 : i32 to index
      %swap3A_787 = tpu.vector_load %arg7[%swap3A_786] {strides = array<i32>} : memref<32768xf32, #tpu.memory_space<vmem>>, vector<16xf32>,
      %swap3A_788 = vector.shape_cast %swap3A_787 : vector<16xf32> to vector<16xf32>
      %swap3A_789 = vector.shape_cast %add3A_783 : vector<16xf32> to vector<16xf32>
      tpu.vector_store %arg7[%swap3A_786], %swap3A_789 {strides = array<i32>} : memref<32768xf32, #tpu.memory_space<vmem>>, vector<16xf32>,
      %mul3A_790 = arith.constant 6.553700e+04 : f32
      %mul3A_791 = vector.broadcast %mul3A_790 : f32 to vector<16xf32>
      %mul3A_792 = arith.mulf %get3A_768, %mul3A_791 : vector<16xf32>
      %sub3A_793 = arith.subf %mul3A_792, %get3A_768 : vector<16xf32>
      %sub3A_794 = arith.subf %mul3A_792, %sub3A_793 : vector<16xf32>
      %mul3A_795 = arith.constant -2.000000e+00 : f32
      %mul3A_796 = vector.broadcast %mul3A_795 : f32 to vector<16xf32>
      %mul3A_797 = arith.mulf %mul3A_796, %sub3A_794 : vector<16xf32>
      %swap3A_798 = arith.index_cast %mul3A_765 : i32 to index
      %swap3A_799 = tpu.vector_load %arg7[%swap3A_798] {strides = array<i32>} : memref<32768xf32, #tpu.memory_space<vmem>>, vector<16xf32>,
      %swap3A_800 = vector.shape_cast %swap3A_799 : vector<16xf32> to vector<16xf32>
      %swap3A_801 = vector.shape_cast %mul3A_797 : vector<16xf32> to vector<16xf32>
      tpu.vector_store %arg7[%swap3A_798], %swap3A_801 {strides = array<i32>} : memref<32768xf32, #tpu.memory_space<vmem>>, vector<16xf32>,
      %mul3A_802 = arith.constant 6.553700e+04 : f32
      %mul3A_803 = vector.broadcast %mul3A_802 : f32 to vector<16xf32>
      %mul3A_804 = arith.mulf %get3A_773, %mul3A_803 : vector<16xf32>
      %sub3A_805 = arith.subf %mul3A_804, %get3A_773 : vector<16xf32>
      %sub3A_806 = arith.subf %mul3A_804, %sub3A_805 : vector<16xf32>
      %mul3A_807 = arith.constant -2.000000e+00 : f32
      %mul3A_808 = vector.broadcast %mul3A_807 : f32 to vector<16xf32>
      %mul3A_809 = arith.mulf %mul3A_808, %sub3A_806 : vector<16xf32>
      %add3A_810 = arith.constant 16 : i32
      %add3A_811 = arith.addi %mul3A_765, %add3A_810 : i32
      %swap3A_812 = arith.index_cast %add3A_811 : i32 to index
      %swap3A_813 = tpu.vector_load %arg7[%swap3A_812] {strides = array<i32>} : memref<32768xf32, #tpu.memory_space<vmem>>, vector<16xf32>,
      %swap3A_814 = vector.shape_cast %swap3A_813 : vector<16xf32> to vector<16xf32>
      %swap3A_815 = vector.shape_cast %mul3A_809 : vector<16xf32> to vector<16xf32>
      tpu.vector_store %arg7[%swap3A_812], %swap3A_815 {strides = array<i32>} : memref<32768xf32, #tpu.memory_space<vmem>>, vector<16xf32>,
      %mul3A_816 = arith.constant 6.553700e+04 : f32
      %mul3A_817 = vector.broadcast %mul3A_816 : f32 to vector<16xf32>
      %mul3A_818 = arith.mulf %get3A_778, %mul3A_817 : vector<16xf32>
      %sub3A_819 = arith.subf %mul3A_818, %get3A_778 : vector<16xf32>
      %sub3A_820 = arith.subf %mul3A_818, %sub3A_819 : vector<16xf32>
      %mul3A_821 = arith.constant -2.000000e+00 : f32
      %mul3A_822 = vector.broadcast %mul3A_821 : f32 to vector<16xf32>
      %mul3A_823 = arith.mulf %mul3A_822, %sub3A_820 : vector<16xf32>
      %add3A_824 = arith.constant 32 : i32
      %add3A_825 = arith.addi %mul3A_765, %add3A_824 : i32
      %swap3A_826 = arith.index_cast %add3A_825 : i32 to index
      %swap3A_827 = tpu.vector_load %arg7[%swap3A_826] {strides = array<i32>} : memref<32768xf32, #tpu.memory_space<vmem>>, vector<16xf32>,
      %swap3A_828 = vector.shape_cast %swap3A_827 : vector<16xf32> to vector<16xf32>
      %swap3A_829 = vector.shape_cast %mul3A_823 : vector<16xf32> to vector<16xf32>
      tpu.vector_store %arg7[%swap3A_826], %swap3A_829 {strides = array<i32>} : memref<32768xf32, #tpu.memory_space<vmem>>, vector<16xf32>,
      %scan3A_830 = arith.constant 0 : i32
      scf.yield %scan3A_830 : i32
    }
    %scan3A_82 = arith.constant 512 : i32
    %get3A = arith.constant 0 : index
    %get3A_83 = tpu.vector_load %arg5[%get3A] {strides = array<i32>} : memref<192xf32, #tpu.memory_space<vmem>>, vector<16xf32>,
    %get3A_84 = vector.shape_cast %get3A_83 : vector<16xf32> to vector<16xf32>
    %get3A_85 = arith.constant 64 : index
    %get3A_86 = tpu.vector_load %arg5[%get3A_85] {strides = array<i32>} : memref<192xf32, #tpu.memory_space<vmem>>, vector<16xf32>,
    %get3A_87 = vector.shape_cast %get3A_86 : vector<16xf32> to vector<16xf32>
    %get3A_88 = arith.constant 128 : index
    %get3A_89 = tpu.vector_load %arg5[%get3A_88] {strides = array<i32>} : memref<192xf32, #tpu.memory_space<vmem>>, vector<16xf32>,
    %get3A_90 = vector.shape_cast %get3A_89 : vector<16xf32> to vector<16xf32>
    %get3A_91 = arith.constant 16 : index
    %get3A_92 = tpu.vector_load %arg5[%get3A_91] {strides = array<i32>} : memref<192xf32, #tpu.memory_space<vmem>>, vector<16xf32>,
    %get3A_93 = vector.shape_cast %get3A_92 : vector<16xf32> to vector<16xf32>
    %get3A_94 = arith.constant 80 : index
    %get3A_95 = tpu.vector_load %arg5[%get3A_94] {strides = array<i32>} : memref<192xf32, #tpu.memory_space<vmem>>, vector<16xf32>,
    %get3A_96 = vector.shape_cast %get3A_95 : vector<16xf32> to vector<16xf32>
    %get3A_97 = arith.constant 144 : index
    %get3A_98 = tpu.vector_load %arg5[%get3A_97] {strides = array<i32>} : memref<192xf32, #tpu.memory_space<vmem>>, vector<16xf32>,
    %get3A_99 = vector.shape_cast %get3A_98 : vector<16xf32> to vector<16xf32>
    %get3A_100 = arith.constant 32 : index
    %get3A_101 = tpu.vector_load %arg5[%get3A_100] {strides = array<i32>} : memref<192xf32, #tpu.memory_space<vmem>>, vector<16xf32>,
    %get3A_102 = vector.shape_cast %get3A_101 : vector<16xf32> to vector<16xf32>
    %get3A_103 = arith.constant 96 : index
    %get3A_104 = tpu.vector_load %arg5[%get3A_103] {strides = array<i32>} : memref<192xf32, #tpu.memory_space<vmem>>, vector<16xf32>,
    %get3A_105 = vector.shape_cast %get3A_104 : vector<16xf32> to vector<16xf32>
    %get3A_106 = arith.constant 160 : index
    %get3A_107 = tpu.vector_load %arg5[%get3A_106] {strides = array<i32>} : memref<192xf32, #tpu.memory_space<vmem>>, vector<16xf32>,
    %get3A_108 = vector.shape_cast %get3A_107 : vector<16xf32> to vector<16xf32>
    %get3A_109 = arith.constant 48 : index
    %get3A_110 = tpu.vector_load %arg5[%get3A_109] {strides = array<i32>} : memref<192xf32, #tpu.memory_space<vmem>>, vector<16xf32>,
    %get3A_111 = vector.shape_cast %get3A_110 : vector<16xf32> to vector<16xf32>
    %get3A_112 = arith.constant 112 : index
    %get3A_113 = tpu.vector_load %arg5[%get3A_112] {strides = array<i32>} : memref<192xf32, #tpu.memory_space<vmem>>, vector<16xf32>,
    %get3A_114 = vector.shape_cast %get3A_113 : vector<16xf32> to vector<16xf32>
    %get3A_115 = arith.constant 176 : index
    %get3A_116 = tpu.vector_load %arg5[%get3A_115] {strides = array<i32>} : memref<192xf32, #tpu.memory_space<vmem>>, vector<16xf32>,
    %get3A_117 = vector.shape_cast %get3A_116 : vector<16xf32> to vector<16xf32>
    %get3A_118 = arith.constant 0 : index
    %get3A_119 = tpu.vector_load %arg8[%get3A_118] {strides = array<i32>} : memref<64xf32, #tpu.memory_space<vmem>>, vector<16xf32>,
    %get3A_120 = vector.shape_cast %get3A_119 : vector<16xf32> to vector<16xf32>
    %get3A_121 = arith.constant 16 : index
    %get3A_122 = tpu.vector_load %arg8[%get3A_121] {strides = array<i32>} : memref<64xf32, #tpu.memory_space<vmem>>, vector<16xf32>,
    %get3A_123 = vector.shape_cast %get3A_122 : vector<16xf32> to vector<16xf32>
    %get3A_124 = arith.constant 32 : index
    %get3A_125 = tpu.vector_load %arg8[%get3A_124] {strides = array<i32>} : memref<64xf32, #tpu.memory_space<vmem>>, vector<16xf32>,
    %get3A_126 = vector.shape_cast %get3A_125 : vector<16xf32> to vector<16xf32>
    %get3A_127 = arith.constant 48 : index
    %get3A_128 = tpu.vector_load %arg8[%get3A_127] {strides = array<i32>} : memref<64xf32, #tpu.memory_space<vmem>>, vector<16xf32>,
    %get3A_129 = vector.shape_cast %get3A_128 : vector<16xf32> to vector<16xf32>
    %scan3A_130 = arith.constant 0 : i32
    %scan3A_131 = arith.constant 512 : i32
    %scan3A_132 = arith.addi %scan3A_130, %scan3A_131 : i32
    %scan3A_133 = arith.constant 1 : i32
    %scan3A_134:4 = scf.for %scan3A_756 = %scan3A_130 to %scan3A_132 step %scan3A_133 iter_args(%scan3A_757 = %get3A_120, %scan3A_758 = %get3A_123, %scan3A_759 = %get3A_126, %scan3A_760 = %get3A_129) -> (vector<16xf32>, vector<16xf32>, vector<16xf32>, vector<16xf32>)  : i32 {
      %mul3A_761 = arith.constant 4 : i32
      %mul3A_762 = arith.muli %scan3A_756, %mul3A_761 : i32
      %mul3A_763 = arith.constant 16 : i32
      %mul3A_764 = arith.muli %mul3A_762, %mul3A_763 : i32
      %get3A_765 = arith.index_cast %mul3A_764 : i32 to index
      %get3A_766 = tpu.vector_load %arg7[%get3A_765] {strides = array<i32>} : memref<32768xf32, #tpu.memory_space<vmem>>, vector<16xf32>,
      %get3A_767 = vector.shape_cast %get3A_766 : vector<16xf32> to vector<16xf32>
      %add3A_768 = arith.constant 16 : i32
      %add3A_769 = arith.addi %mul3A_764, %add3A_768 : i32
      %get3A_770 = arith.index_cast %add3A_769 : i32 to index
      %get3A_771 = tpu.vector_load %arg7[%get3A_770] {strides = array<i32>} : memref<32768xf32, #tpu.memory_space<vmem>>, vector<16xf32>,
      %get3A_772 = vector.shape_cast %get3A_771 : vector<16xf32> to vector<16xf32>
      %add3A_773 = arith.constant 32 : i32
      %add3A_774 = arith.addi %mul3A_764, %add3A_773 : i32
      %get3A_775 = arith.index_cast %add3A_774 : i32 to index
      %get3A_776 = tpu.vector_load %arg7[%get3A_775] {strides = array<i32>} : memref<32768xf32, #tpu.memory_space<vmem>>, vector<16xf32>,
      %get3A_777 = vector.shape_cast %get3A_776 : vector<16xf32> to vector<16xf32>
      %add3A_778 = arith.constant 48 : i32
      %add3A_779 = arith.addi %mul3A_764, %add3A_778 : i32
      %get3A_780 = arith.index_cast %add3A_779 : i32 to index
      %get3A_781 = tpu.vector_load %arg7[%get3A_780] {strides = array<i32>} : memref<32768xf32, #tpu.memory_space<vmem>>, vector<16xf32>,
      %get3A_782 = vector.shape_cast %get3A_781 : vector<16xf32> to vector<16xf32>
      %mul3A_783 = arith.mulf %get3A_767, %get3A_84 : vector<16xf32>
      %add3A_784 = arith.addf %get3A_782, %mul3A_783 : vector<16xf32>
      %mul3A_785 = arith.mulf %get3A_772, %get3A_87 : vector<16xf32>
      %add3A_786 = arith.addf %add3A_784, %mul3A_785 : vector<16xf32>
      %mul3A_787 = arith.mulf %get3A_777, %get3A_90 : vector<16xf32>
      %add3A_788 = arith.addf %add3A_786, %mul3A_787 : vector<16xf32>
      %min3A = arith.minimumf %scan3A_757, %add3A_788 : vector<16xf32>
      %mul3A_789 = arith.mulf %get3A_767, %get3A_93 : vector<16xf32>
      %add3A_790 = arith.addf %get3A_782, %mul3A_789 : vector<16xf32>
      %mul3A_791 = arith.mulf %get3A_772, %get3A_96 : vector<16xf32>
      %add3A_792 = arith.addf %add3A_790, %mul3A_791 : vector<16xf32>
      %mul3A_793 = arith.mulf %get3A_777, %get3A_99 : vector<16xf32>
      %add3A_794 = arith.addf %add3A_792, %mul3A_793 : vector<16xf32>
      %min3A_795 = arith.minimumf %scan3A_758, %add3A_794 : vector<16xf32>
      %mul3A_796 = arith.mulf %get3A_767, %get3A_102 : vector<16xf32>
      %add3A_797 = arith.addf %get3A_782, %mul3A_796 : vector<16xf32>
      %mul3A_798 = arith.mulf %get3A_772, %get3A_105 : vector<16xf32>
      %add3A_799 = arith.addf %add3A_797, %mul3A_798 : vector<16xf32>
      %mul3A_800 = arith.mulf %get3A_777, %get3A_108 : vector<16xf32>
      %add3A_801 = arith.addf %add3A_799, %mul3A_800 : vector<16xf32>
      %min3A_802 = arith.minimumf %scan3A_759, %add3A_801 : vector<16xf32>
      %mul3A_803 = arith.mulf %get3A_767, %get3A_111 : vector<16xf32>
      %add3A_804 = arith.addf %get3A_782, %mul3A_803 : vector<16xf32>
      %mul3A_805 = arith.mulf %get3A_772, %get3A_114 : vector<16xf32>
      %add3A_806 = arith.addf %add3A_804, %mul3A_805 : vector<16xf32>
      %mul3A_807 = arith.mulf %get3A_777, %get3A_117 : vector<16xf32>
      %add3A_808 = arith.addf %add3A_806, %mul3A_807 : vector<16xf32>
      %min3A_809 = arith.minimumf %scan3A_760, %add3A_808 : vector<16xf32>
      scf.yield %min3A, %min3A_795, %min3A_802, %min3A_809 : vector<16xf32>, vector<16xf32>, vector<16xf32>, vector<16xf32>
    }
    %scan3A_135 = arith.constant 512 : i32
    %swap3A = arith.constant 0 : index
    %swap3A_136 = tpu.vector_load %arg8[%swap3A] {strides = array<i32>} : memref<64xf32, #tpu.memory_space<vmem>>, vector<16xf32>,
    %swap3A_137 = vector.shape_cast %swap3A_136 : vector<16xf32> to vector<16xf32>
    %swap3A_138 = vector.shape_cast %scan3A_134#0 : vector<16xf32> to vector<16xf32>
    tpu.vector_store %arg8[%swap3A], %swap3A_138 {strides = array<i32>} : memref<64xf32, #tpu.memory_space<vmem>>, vector<16xf32>,
    %swap3A_139 = arith.constant 16 : index
    %swap3A_140 = tpu.vector_load %arg8[%swap3A_139] {strides = array<i32>} : memref<64xf32, #tpu.memory_space<vmem>>, vector<16xf32>,
    %swap3A_141 = vector.shape_cast %swap3A_140 : vector<16xf32> to vector<16xf32>
    %swap3A_142 = vector.shape_cast %scan3A_134#1 : vector<16xf32> to vector<16xf32>
    tpu.vector_store %arg8[%swap3A_139], %swap3A_142 {strides = array<i32>} : memref<64xf32, #tpu.memory_space<vmem>>, vector<16xf32>,
    %swap3A_143 = arith.constant 32 : index
    %swap3A_144 = tpu.vector_load %arg8[%swap3A_143] {strides = array<i32>} : memref<64xf32, #tpu.memory_space<vmem>>, vector<16xf32>,
    %swap3A_145 = vector.shape_cast %swap3A_144 : vector<16xf32> to vector<16xf32>
    %swap3A_146 = vector.shape_cast %scan3A_134#2 : vector<16xf32> to vector<16xf32>
    tpu.vector_store %arg8[%swap3A_143], %swap3A_146 {strides = array<i32>} : memref<64xf32, #tpu.memory_space<vmem>>, vector<16xf32>,
    %swap3A_147 = arith.constant 48 : index
    %swap3A_148 = tpu.vector_load %arg8[%swap3A_147] {strides = array<i32>} : memref<64xf32, #tpu.memory_space<vmem>>, vector<16xf32>,
    %swap3A_149 = vector.shape_cast %swap3A_148 : vector<16xf32> to vector<16xf32>
    %swap3A_150 = vector.shape_cast %scan3A_134#3 : vector<16xf32> to vector<16xf32>
    tpu.vector_store %arg8[%swap3A_147], %swap3A_150 {strides = array<i32>} : memref<64xf32, #tpu.memory_space<vmem>>, vector<16xf32>,
    %mul3A_151 = arith.constant 4096 : i32
    %mul3A_152 = arith.muli %select_n3A, %mul3A_151 : i32
    %add3A_153 = arith.constant 512 : i32
    %add3A_154 = arith.addi %mul3A_152, %add3A_153 : i32
    %mul3A_155 = arith.constant 3 : i32
    %mul3A_156 = arith.muli %add3A_154, %mul3A_155 : i32
    %mul3A_157 = arith.constant 16 : i32
    %mul3A_158 = arith.muli %mul3A_156, %mul3A_157 : i32
    "tpu.region"() ({
      %run_scoped3A = tpu.sem_alloc : memref<!tpu.dma_semaphore, #tpu.memory_space<semaphore_mem>>
      %dma_start3A = tpu.memref_slice %arg2[%mul3A_158] : memref<786432xf32, #tpu.memory_space<hbm>> -> memref<24576xf32, #tpu.memory_space<hbm>>
      %dma_start3A_756 = tpu.memref_slice %arg2[%mul3A_158] : memref<786432xf32, #tpu.memory_space<hbm>> -> memref<24576xf32, #tpu.memory_space<hbm>>
      tpu.enqueue_dma source(%dma_start3A_756 : memref<24576xf32, #tpu.memory_space<hbm>>) target(%arg6 : memref<24576xf32, #tpu.memory_space<vmem>>) target_semaphore(%run_scoped3A : memref<!tpu.dma_semaphore, #tpu.memory_space<semaphore_mem>>)
      %dma_wait3A = tpu.memref_slice %arg2[%mul3A_158] : memref<786432xf32, #tpu.memory_space<hbm>> -> memref<24576xf32, #tpu.memory_space<hbm>>
      %dma_wait3A_757 = tpu.memref_slice %arg2[%mul3A_158] : memref<786432xf32, #tpu.memory_space<hbm>> -> memref<24576xf32, #tpu.memory_space<hbm>>
      tpu.wait_dma2 semaphore(%run_scoped3A : memref<!tpu.dma_semaphore, #tpu.memory_space<semaphore_mem>>) src(%dma_wait3A_757 : memref<24576xf32, #tpu.memory_space<hbm>>) dst(%arg6 : memref<24576xf32, #tpu.memory_space<vmem>>)
      tpu.yield
    }) : () -> ()
    %scan3A_159 = arith.constant 0 : i32
    %scan3A_160 = arith.constant 0 : i32
    %scan3A_161 = arith.constant 512 : i32
    %scan3A_162 = arith.addi %scan3A_160, %scan3A_161 : i32
    %scan3A_163 = arith.constant 1 : i32
    %scan3A_164 = scf.for %scan3A_756 = %scan3A_160 to %scan3A_162 step %scan3A_163 iter_args(%scan3A_757 = %scan3A_159) -> (i32)  : i32 {
      %mul3A_758 = arith.constant 3 : i32
      %mul3A_759 = arith.muli %scan3A_756, %mul3A_758 : i32
      %mul3A_760 = arith.constant 16 : i32
      %mul3A_761 = arith.muli %mul3A_759, %mul3A_760 : i32
      %mul3A_762 = arith.constant 4 : i32
      %mul3A_763 = arith.muli %scan3A_756, %mul3A_762 : i32
      %mul3A_764 = arith.constant 16 : i32
      %mul3A_765 = arith.muli %mul3A_763, %mul3A_764 : i32
      %get3A_766 = arith.index_cast %mul3A_761 : i32 to index
      %get3A_767 = tpu.vector_load %arg6[%get3A_766] {strides = array<i32>} : memref<24576xf32, #tpu.memory_space<vmem>>, vector<16xf32>,
      %get3A_768 = vector.shape_cast %get3A_767 : vector<16xf32> to vector<16xf32>
      %add3A_769 = arith.constant 16 : i32
      %add3A_770 = arith.addi %mul3A_761, %add3A_769 : i32
      %get3A_771 = arith.index_cast %add3A_770 : i32 to index
      %get3A_772 = tpu.vector_load %arg6[%get3A_771] {strides = array<i32>} : memref<24576xf32, #tpu.memory_space<vmem>>, vector<16xf32>,
      %get3A_773 = vector.shape_cast %get3A_772 : vector<16xf32> to vector<16xf32>
      %add3A_774 = arith.constant 32 : i32
      %add3A_775 = arith.addi %mul3A_761, %add3A_774 : i32
      %get3A_776 = arith.index_cast %add3A_775 : i32 to index
      %get3A_777 = tpu.vector_load %arg6[%get3A_776] {strides = array<i32>} : memref<24576xf32, #tpu.memory_space<vmem>>, vector<16xf32>,
      %get3A_778 = vector.shape_cast %get3A_777 : vector<16xf32> to vector<16xf32>
      %mul3A_779 = arith.mulf %get3A_768, %get3A_768 : vector<16xf32>
      %mul3A_780 = arith.mulf %get3A_773, %get3A_773 : vector<16xf32>
      %add3A_781 = arith.addf %mul3A_779, %mul3A_780 : vector<16xf32>
      %mul3A_782 = arith.mulf %get3A_778, %get3A_778 : vector<16xf32>
      %add3A_783 = arith.addf %add3A_781, %mul3A_782 : vector<16xf32>
      %add3A_784 = arith.constant 48 : i32
      %add3A_785 = arith.addi %mul3A_765, %add3A_784 : i32
      %swap3A_786 = arith.index_cast %add3A_785 : i32 to index
      %swap3A_787 = tpu.vector_load %arg7[%swap3A_786] {strides = array<i32>} : memref<32768xf32, #tpu.memory_space<vmem>>, vector<16xf32>,
      %swap3A_788 = vector.shape_cast %swap3A_787 : vector<16xf32> to vector<16xf32>
      %swap3A_789 = vector.shape_cast %add3A_783 : vector<16xf32> to vector<16xf32>
      tpu.vector_store %arg7[%swap3A_786], %swap3A_789 {strides = array<i32>} : memref<32768xf32, #tpu.memory_space<vmem>>, vector<16xf32>,
      %mul3A_790 = arith.constant 6.553700e+04 : f32
      %mul3A_791 = vector.broadcast %mul3A_790 : f32 to vector<16xf32>
      %mul3A_792 = arith.mulf %get3A_768, %mul3A_791 : vector<16xf32>
      %sub3A_793 = arith.subf %mul3A_792, %get3A_768 : vector<16xf32>
      %sub3A_794 = arith.subf %mul3A_792, %sub3A_793 : vector<16xf32>
      %mul3A_795 = arith.constant -2.000000e+00 : f32
      %mul3A_796 = vector.broadcast %mul3A_795 : f32 to vector<16xf32>
      %mul3A_797 = arith.mulf %mul3A_796, %sub3A_794 : vector<16xf32>
      %swap3A_798 = arith.index_cast %mul3A_765 : i32 to index
      %swap3A_799 = tpu.vector_load %arg7[%swap3A_798] {strides = array<i32>} : memref<32768xf32, #tpu.memory_space<vmem>>, vector<16xf32>,
      %swap3A_800 = vector.shape_cast %swap3A_799 : vector<16xf32> to vector<16xf32>
      %swap3A_801 = vector.shape_cast %mul3A_797 : vector<16xf32> to vector<16xf32>
      tpu.vector_store %arg7[%swap3A_798], %swap3A_801 {strides = array<i32>} : memref<32768xf32, #tpu.memory_space<vmem>>, vector<16xf32>,
      %mul3A_802 = arith.constant 6.553700e+04 : f32
      %mul3A_803 = vector.broadcast %mul3A_802 : f32 to vector<16xf32>
      %mul3A_804 = arith.mulf %get3A_773, %mul3A_803 : vector<16xf32>
      %sub3A_805 = arith.subf %mul3A_804, %get3A_773 : vector<16xf32>
      %sub3A_806 = arith.subf %mul3A_804, %sub3A_805 : vector<16xf32>
      %mul3A_807 = arith.constant -2.000000e+00 : f32
      %mul3A_808 = vector.broadcast %mul3A_807 : f32 to vector<16xf32>
      %mul3A_809 = arith.mulf %mul3A_808, %sub3A_806 : vector<16xf32>
      %add3A_810 = arith.constant 16 : i32
      %add3A_811 = arith.addi %mul3A_765, %add3A_810 : i32
      %swap3A_812 = arith.index_cast %add3A_811 : i32 to index
      %swap3A_813 = tpu.vector_load %arg7[%swap3A_812] {strides = array<i32>} : memref<32768xf32, #tpu.memory_space<vmem>>, vector<16xf32>,
      %swap3A_814 = vector.shape_cast %swap3A_813 : vector<16xf32> to vector<16xf32>
      %swap3A_815 = vector.shape_cast %mul3A_809 : vector<16xf32> to vector<16xf32>
      tpu.vector_store %arg7[%swap3A_812], %swap3A_815 {strides = array<i32>} : memref<32768xf32, #tpu.memory_space<vmem>>, vector<16xf32>,
      %mul3A_816 = arith.constant 6.553700e+04 : f32
      %mul3A_817 = vector.broadcast %mul3A_816 : f32 to vector<16xf32>
      %mul3A_818 = arith.mulf %get3A_778, %mul3A_817 : vector<16xf32>
      %sub3A_819 = arith.subf %mul3A_818, %get3A_778 : vector<16xf32>
      %sub3A_820 = arith.subf %mul3A_818, %sub3A_819 : vector<16xf32>
      %mul3A_821 = arith.constant -2.000000e+00 : f32
      %mul3A_822 = vector.broadcast %mul3A_821 : f32 to vector<16xf32>
      %mul3A_823 = arith.mulf %mul3A_822, %sub3A_820 : vector<16xf32>
      %add3A_824 = arith.constant 32 : i32
      %add3A_825 = arith.addi %mul3A_765, %add3A_824 : i32
      %swap3A_826 = arith.index_cast %add3A_825 : i32 to index
      %swap3A_827 = tpu.vector_load %arg7[%swap3A_826] {strides = array<i32>} : memref<32768xf32, #tpu.memory_space<vmem>>, vector<16xf32>,
      %swap3A_828 = vector.shape_cast %swap3A_827 : vector<16xf32> to vector<16xf32>
      %swap3A_829 = vector.shape_cast %mul3A_823 : vector<16xf32> to vector<16xf32>
      tpu.vector_store %arg7[%swap3A_826], %swap3A_829 {strides = array<i32>} : memref<32768xf32, #tpu.memory_space<vmem>>, vector<16xf32>,
      %scan3A_830 = arith.constant 0 : i32
      scf.yield %scan3A_830 : i32
    }
    %scan3A_165 = arith.constant 512 : i32
    %get3A_166 = arith.constant 0 : index
    %get3A_167 = tpu.vector_load %arg5[%get3A_166] {strides = array<i32>} : memref<192xf32, #tpu.memory_space<vmem>>, vector<16xf32>,
    %get3A_168 = vector.shape_cast %get3A_167 : vector<16xf32> to vector<16xf32>
    %get3A_169 = arith.constant 64 : index
    %get3A_170 = tpu.vector_load %arg5[%get3A_169] {strides = array<i32>} : memref<192xf32, #tpu.memory_space<vmem>>, vector<16xf32>,
    %get3A_171 = vector.shape_cast %get3A_170 : vector<16xf32> to vector<16xf32>
    %get3A_172 = arith.constant 128 : index
    %get3A_173 = tpu.vector_load %arg5[%get3A_172] {strides = array<i32>} : memref<192xf32, #tpu.memory_space<vmem>>, vector<16xf32>,
    %get3A_174 = vector.shape_cast %get3A_173 : vector<16xf32> to vector<16xf32>
    %get3A_175 = arith.constant 16 : index
    %get3A_176 = tpu.vector_load %arg5[%get3A_175] {strides = array<i32>} : memref<192xf32, #tpu.memory_space<vmem>>, vector<16xf32>,
    %get3A_177 = vector.shape_cast %get3A_176 : vector<16xf32> to vector<16xf32>
    %get3A_178 = arith.constant 80 : index
    %get3A_179 = tpu.vector_load %arg5[%get3A_178] {strides = array<i32>} : memref<192xf32, #tpu.memory_space<vmem>>, vector<16xf32>,
    %get3A_180 = vector.shape_cast %get3A_179 : vector<16xf32> to vector<16xf32>
    %get3A_181 = arith.constant 144 : index
    %get3A_182 = tpu.vector_load %arg5[%get3A_181] {strides = array<i32>} : memref<192xf32, #tpu.memory_space<vmem>>, vector<16xf32>,
    %get3A_183 = vector.shape_cast %get3A_182 : vector<16xf32> to vector<16xf32>
    %get3A_184 = arith.constant 32 : index
    %get3A_185 = tpu.vector_load %arg5[%get3A_184] {strides = array<i32>} : memref<192xf32, #tpu.memory_space<vmem>>, vector<16xf32>,
    %get3A_186 = vector.shape_cast %get3A_185 : vector<16xf32> to vector<16xf32>
    %get3A_187 = arith.constant 96 : index
    %get3A_188 = tpu.vector_load %arg5[%get3A_187] {strides = array<i32>} : memref<192xf32, #tpu.memory_space<vmem>>, vector<16xf32>,
    %get3A_189 = vector.shape_cast %get3A_188 : vector<16xf32> to vector<16xf32>
    %get3A_190 = arith.constant 160 : index
    %get3A_191 = tpu.vector_load %arg5[%get3A_190] {strides = array<i32>} : memref<192xf32, #tpu.memory_space<vmem>>, vector<16xf32>,
    %get3A_192 = vector.shape_cast %get3A_191 : vector<16xf32> to vector<16xf32>
    %get3A_193 = arith.constant 48 : index
    %get3A_194 = tpu.vector_load %arg5[%get3A_193] {strides = array<i32>} : memref<192xf32, #tpu.memory_space<vmem>>, vector<16xf32>,
    %get3A_195 = vector.shape_cast %get3A_194 : vector<16xf32> to vector<16xf32>
    %get3A_196 = arith.constant 112 : index
    %get3A_197 = tpu.vector_load %arg5[%get3A_196] {strides = array<i32>} : memref<192xf32, #tpu.memory_space<vmem>>, vector<16xf32>,
    %get3A_198 = vector.shape_cast %get3A_197 : vector<16xf32> to vector<16xf32>
    %get3A_199 = arith.constant 176 : index
    %get3A_200 = tpu.vector_load %arg5[%get3A_199] {strides = array<i32>} : memref<192xf32, #tpu.memory_space<vmem>>, vector<16xf32>,
    %get3A_201 = vector.shape_cast %get3A_200 : vector<16xf32> to vector<16xf32>
    %get3A_202 = arith.constant 0 : index
    %get3A_203 = tpu.vector_load %arg8[%get3A_202] {strides = array<i32>} : memref<64xf32, #tpu.memory_space<vmem>>, vector<16xf32>,
    %get3A_204 = vector.shape_cast %get3A_203 : vector<16xf32> to vector<16xf32>
    %get3A_205 = arith.constant 16 : index
    %get3A_206 = tpu.vector_load %arg8[%get3A_205] {strides = array<i32>} : memref<64xf32, #tpu.memory_space<vmem>>, vector<16xf32>,
    %get3A_207 = vector.shape_cast %get3A_206 : vector<16xf32> to vector<16xf32>
    %get3A_208 = arith.constant 32 : index
    %get3A_209 = tpu.vector_load %arg8[%get3A_208] {strides = array<i32>} : memref<64xf32, #tpu.memory_space<vmem>>, vector<16xf32>,
    %get3A_210 = vector.shape_cast %get3A_209 : vector<16xf32> to vector<16xf32>
    %get3A_211 = arith.constant 48 : index
    %get3A_212 = tpu.vector_load %arg8[%get3A_211] {strides = array<i32>} : memref<64xf32, #tpu.memory_space<vmem>>, vector<16xf32>,
    %get3A_213 = vector.shape_cast %get3A_212 : vector<16xf32> to vector<16xf32>
    %scan3A_214 = arith.constant 0 : i32
    %scan3A_215 = arith.constant 512 : i32
    %scan3A_216 = arith.addi %scan3A_214, %scan3A_215 : i32
    %scan3A_217 = arith.constant 1 : i32
    %scan3A_218:4 = scf.for %scan3A_756 = %scan3A_214 to %scan3A_216 step %scan3A_217 iter_args(%scan3A_757 = %get3A_204, %scan3A_758 = %get3A_207, %scan3A_759 = %get3A_210, %scan3A_760 = %get3A_213) -> (vector<16xf32>, vector<16xf32>, vector<16xf32>, vector<16xf32>)  : i32 {
      %mul3A_761 = arith.constant 4 : i32
      %mul3A_762 = arith.muli %scan3A_756, %mul3A_761 : i32
      %mul3A_763 = arith.constant 16 : i32
      %mul3A_764 = arith.muli %mul3A_762, %mul3A_763 : i32
      %get3A_765 = arith.index_cast %mul3A_764 : i32 to index
      %get3A_766 = tpu.vector_load %arg7[%get3A_765] {strides = array<i32>} : memref<32768xf32, #tpu.memory_space<vmem>>, vector<16xf32>,
      %get3A_767 = vector.shape_cast %get3A_766 : vector<16xf32> to vector<16xf32>
      %add3A_768 = arith.constant 16 : i32
      %add3A_769 = arith.addi %mul3A_764, %add3A_768 : i32
      %get3A_770 = arith.index_cast %add3A_769 : i32 to index
      %get3A_771 = tpu.vector_load %arg7[%get3A_770] {strides = array<i32>} : memref<32768xf32, #tpu.memory_space<vmem>>, vector<16xf32>,
      %get3A_772 = vector.shape_cast %get3A_771 : vector<16xf32> to vector<16xf32>
      %add3A_773 = arith.constant 32 : i32
      %add3A_774 = arith.addi %mul3A_764, %add3A_773 : i32
      %get3A_775 = arith.index_cast %add3A_774 : i32 to index
      %get3A_776 = tpu.vector_load %arg7[%get3A_775] {strides = array<i32>} : memref<32768xf32, #tpu.memory_space<vmem>>, vector<16xf32>,
      %get3A_777 = vector.shape_cast %get3A_776 : vector<16xf32> to vector<16xf32>
      %add3A_778 = arith.constant 48 : i32
      %add3A_779 = arith.addi %mul3A_764, %add3A_778 : i32
      %get3A_780 = arith.index_cast %add3A_779 : i32 to index
      %get3A_781 = tpu.vector_load %arg7[%get3A_780] {strides = array<i32>} : memref<32768xf32, #tpu.memory_space<vmem>>, vector<16xf32>,
      %get3A_782 = vector.shape_cast %get3A_781 : vector<16xf32> to vector<16xf32>
      %mul3A_783 = arith.mulf %get3A_767, %get3A_168 : vector<16xf32>
      %add3A_784 = arith.addf %get3A_782, %mul3A_783 : vector<16xf32>
      %mul3A_785 = arith.mulf %get3A_772, %get3A_171 : vector<16xf32>
      %add3A_786 = arith.addf %add3A_784, %mul3A_785 : vector<16xf32>
      %mul3A_787 = arith.mulf %get3A_777, %get3A_174 : vector<16xf32>
      %add3A_788 = arith.addf %add3A_786, %mul3A_787 : vector<16xf32>
      %min3A = arith.minimumf %scan3A_757, %add3A_788 : vector<16xf32>
      %mul3A_789 = arith.mulf %get3A_767, %get3A_177 : vector<16xf32>
      %add3A_790 = arith.addf %get3A_782, %mul3A_789 : vector<16xf32>
      %mul3A_791 = arith.mulf %get3A_772, %get3A_180 : vector<16xf32>
      %add3A_792 = arith.addf %add3A_790, %mul3A_791 : vector<16xf32>
      %mul3A_793 = arith.mulf %get3A_777, %get3A_183 : vector<16xf32>
      %add3A_794 = arith.addf %add3A_792, %mul3A_793 : vector<16xf32>
      %min3A_795 = arith.minimumf %scan3A_758, %add3A_794 : vector<16xf32>
      %mul3A_796 = arith.mulf %get3A_767, %get3A_186 : vector<16xf32>
      %add3A_797 = arith.addf %get3A_782, %mul3A_796 : vector<16xf32>
      %mul3A_798 = arith.mulf %get3A_772, %get3A_189 : vector<16xf32>
      %add3A_799 = arith.addf %add3A_797, %mul3A_798 : vector<16xf32>
      %mul3A_800 = arith.mulf %get3A_777, %get3A_192 : vector<16xf32>
      %add3A_801 = arith.addf %add3A_799, %mul3A_800 : vector<16xf32>
      %min3A_802 = arith.minimumf %scan3A_759, %add3A_801 : vector<16xf32>
      %mul3A_803 = arith.mulf %get3A_767, %get3A_195 : vector<16xf32>
      %add3A_804 = arith.addf %get3A_782, %mul3A_803 : vector<16xf32>
      %mul3A_805 = arith.mulf %get3A_772, %get3A_198 : vector<16xf32>
      %add3A_806 = arith.addf %add3A_804, %mul3A_805 : vector<16xf32>
      %mul3A_807 = arith.mulf %get3A_777, %get3A_201 : vector<16xf32>
      %add3A_808 = arith.addf %add3A_806, %mul3A_807 : vector<16xf32>
      %min3A_809 = arith.minimumf %scan3A_760, %add3A_808 : vector<16xf32>
      scf.yield %min3A, %min3A_795, %min3A_802, %min3A_809 : vector<16xf32>, vector<16xf32>, vector<16xf32>, vector<16xf32>
    }
    %scan3A_219 = arith.constant 512 : i32
    %swap3A_220 = arith.constant 0 : index
    %swap3A_221 = tpu.vector_load %arg8[%swap3A_220] {strides = array<i32>} : memref<64xf32, #tpu.memory_space<vmem>>, vector<16xf32>,
    %swap3A_222 = vector.shape_cast %swap3A_221 : vector<16xf32> to vector<16xf32>
    %swap3A_223 = vector.shape_cast %scan3A_218#0 : vector<16xf32> to vector<16xf32>
    tpu.vector_store %arg8[%swap3A_220], %swap3A_223 {strides = array<i32>} : memref<64xf32, #tpu.memory_space<vmem>>, vector<16xf32>,
    %swap3A_224 = arith.constant 16 : index
    %swap3A_225 = tpu.vector_load %arg8[%swap3A_224] {strides = array<i32>} : memref<64xf32, #tpu.memory_space<vmem>>, vector<16xf32>,
    %swap3A_226 = vector.shape_cast %swap3A_225 : vector<16xf32> to vector<16xf32>
    %swap3A_227 = vector.shape_cast %scan3A_218#1 : vector<16xf32> to vector<16xf32>
    tpu.vector_store %arg8[%swap3A_224], %swap3A_227 {strides = array<i32>} : memref<64xf32, #tpu.memory_space<vmem>>, vector<16xf32>,
    %swap3A_228 = arith.constant 32 : index
    %swap3A_229 = tpu.vector_load %arg8[%swap3A_228] {strides = array<i32>} : memref<64xf32, #tpu.memory_space<vmem>>, vector<16xf32>,
    %swap3A_230 = vector.shape_cast %swap3A_229 : vector<16xf32> to vector<16xf32>
    %swap3A_231 = vector.shape_cast %scan3A_218#2 : vector<16xf32> to vector<16xf32>
    tpu.vector_store %arg8[%swap3A_228], %swap3A_231 {strides = array<i32>} : memref<64xf32, #tpu.memory_space<vmem>>, vector<16xf32>,
    %swap3A_232 = arith.constant 48 : index
    %swap3A_233 = tpu.vector_load %arg8[%swap3A_232] {strides = array<i32>} : memref<64xf32, #tpu.memory_space<vmem>>, vector<16xf32>,
    %swap3A_234 = vector.shape_cast %swap3A_233 : vector<16xf32> to vector<16xf32>
    %swap3A_235 = vector.shape_cast %scan3A_218#3 : vector<16xf32> to vector<16xf32>
    tpu.vector_store %arg8[%swap3A_232], %swap3A_235 {strides = array<i32>} : memref<64xf32, #tpu.memory_space<vmem>>, vector<16xf32>,
    %mul3A_236 = arith.constant 4096 : i32
    %mul3A_237 = arith.muli %select_n3A, %mul3A_236 : i32
    %add3A_238 = arith.constant 1024 : i32
    %add3A_239 = arith.addi %mul3A_237, %add3A_238 : i32
    %mul3A_240 = arith.constant 3 : i32
    %mul3A_241 = arith.muli %add3A_239, %mul3A_240 : i32
    %mul3A_242 = arith.constant 16 : i32
    %mul3A_243 = arith.muli %mul3A_241, %mul3A_242 : i32
    "tpu.region"() ({
      %run_scoped3A = tpu.sem_alloc : memref<!tpu.dma_semaphore, #tpu.memory_space<semaphore_mem>>
      %dma_start3A = tpu.memref_slice %arg2[%mul3A_243] : memref<786432xf32, #tpu.memory_space<hbm>> -> memref<24576xf32, #tpu.memory_space<hbm>>
      %dma_start3A_756 = tpu.memref_slice %arg2[%mul3A_243] : memref<786432xf32, #tpu.memory_space<hbm>> -> memref<24576xf32, #tpu.memory_space<hbm>>
      tpu.enqueue_dma source(%dma_start3A_756 : memref<24576xf32, #tpu.memory_space<hbm>>) target(%arg6 : memref<24576xf32, #tpu.memory_space<vmem>>) target_semaphore(%run_scoped3A : memref<!tpu.dma_semaphore, #tpu.memory_space<semaphore_mem>>)
      %dma_wait3A = tpu.memref_slice %arg2[%mul3A_243] : memref<786432xf32, #tpu.memory_space<hbm>> -> memref<24576xf32, #tpu.memory_space<hbm>>
      %dma_wait3A_757 = tpu.memref_slice %arg2[%mul3A_243] : memref<786432xf32, #tpu.memory_space<hbm>> -> memref<24576xf32, #tpu.memory_space<hbm>>
      tpu.wait_dma2 semaphore(%run_scoped3A : memref<!tpu.dma_semaphore, #tpu.memory_space<semaphore_mem>>) src(%dma_wait3A_757 : memref<24576xf32, #tpu.memory_space<hbm>>) dst(%arg6 : memref<24576xf32, #tpu.memory_space<vmem>>)
      tpu.yield
    }) : () -> ()
    %scan3A_244 = arith.constant 0 : i32
    %scan3A_245 = arith.constant 0 : i32
    %scan3A_246 = arith.constant 512 : i32
    %scan3A_247 = arith.addi %scan3A_245, %scan3A_246 : i32
    %scan3A_248 = arith.constant 1 : i32
    %scan3A_249 = scf.for %scan3A_756 = %scan3A_245 to %scan3A_247 step %scan3A_248 iter_args(%scan3A_757 = %scan3A_244) -> (i32)  : i32 {
      %mul3A_758 = arith.constant 3 : i32
      %mul3A_759 = arith.muli %scan3A_756, %mul3A_758 : i32
      %mul3A_760 = arith.constant 16 : i32
      %mul3A_761 = arith.muli %mul3A_759, %mul3A_760 : i32
      %mul3A_762 = arith.constant 4 : i32
      %mul3A_763 = arith.muli %scan3A_756, %mul3A_762 : i32
      %mul3A_764 = arith.constant 16 : i32
      %mul3A_765 = arith.muli %mul3A_763, %mul3A_764 : i32
      %get3A_766 = arith.index_cast %mul3A_761 : i32 to index
      %get3A_767 = tpu.vector_load %arg6[%get3A_766] {strides = array<i32>} : memref<24576xf32, #tpu.memory_space<vmem>>, vector<16xf32>,
      %get3A_768 = vector.shape_cast %get3A_767 : vector<16xf32> to vector<16xf32>
      %add3A_769 = arith.constant 16 : i32
      %add3A_770 = arith.addi %mul3A_761, %add3A_769 : i32
      %get3A_771 = arith.index_cast %add3A_770 : i32 to index
      %get3A_772 = tpu.vector_load %arg6[%get3A_771] {strides = array<i32>} : memref<24576xf32, #tpu.memory_space<vmem>>, vector<16xf32>,
      %get3A_773 = vector.shape_cast %get3A_772 : vector<16xf32> to vector<16xf32>
      %add3A_774 = arith.constant 32 : i32
      %add3A_775 = arith.addi %mul3A_761, %add3A_774 : i32
      %get3A_776 = arith.index_cast %add3A_775 : i32 to index
      %get3A_777 = tpu.vector_load %arg6[%get3A_776] {strides = array<i32>} : memref<24576xf32, #tpu.memory_space<vmem>>, vector<16xf32>,
      %get3A_778 = vector.shape_cast %get3A_777 : vector<16xf32> to vector<16xf32>
      %mul3A_779 = arith.mulf %get3A_768, %get3A_768 : vector<16xf32>
      %mul3A_780 = arith.mulf %get3A_773, %get3A_773 : vector<16xf32>
      %add3A_781 = arith.addf %mul3A_779, %mul3A_780 : vector<16xf32>
      %mul3A_782 = arith.mulf %get3A_778, %get3A_778 : vector<16xf32>
      %add3A_783 = arith.addf %add3A_781, %mul3A_782 : vector<16xf32>
      %add3A_784 = arith.constant 48 : i32
      %add3A_785 = arith.addi %mul3A_765, %add3A_784 : i32
      %swap3A_786 = arith.index_cast %add3A_785 : i32 to index
      %swap3A_787 = tpu.vector_load %arg7[%swap3A_786] {strides = array<i32>} : memref<32768xf32, #tpu.memory_space<vmem>>, vector<16xf32>,
      %swap3A_788 = vector.shape_cast %swap3A_787 : vector<16xf32> to vector<16xf32>
      %swap3A_789 = vector.shape_cast %add3A_783 : vector<16xf32> to vector<16xf32>
      tpu.vector_store %arg7[%swap3A_786], %swap3A_789 {strides = array<i32>} : memref<32768xf32, #tpu.memory_space<vmem>>, vector<16xf32>,
      %mul3A_790 = arith.constant 6.553700e+04 : f32
      %mul3A_791 = vector.broadcast %mul3A_790 : f32 to vector<16xf32>
      %mul3A_792 = arith.mulf %get3A_768, %mul3A_791 : vector<16xf32>
      %sub3A_793 = arith.subf %mul3A_792, %get3A_768 : vector<16xf32>
      %sub3A_794 = arith.subf %mul3A_792, %sub3A_793 : vector<16xf32>
      %mul3A_795 = arith.constant -2.000000e+00 : f32
      %mul3A_796 = vector.broadcast %mul3A_795 : f32 to vector<16xf32>
      %mul3A_797 = arith.mulf %mul3A_796, %sub3A_794 : vector<16xf32>
      %swap3A_798 = arith.index_cast %mul3A_765 : i32 to index
      %swap3A_799 = tpu.vector_load %arg7[%swap3A_798] {strides = array<i32>} : memref<32768xf32, #tpu.memory_space<vmem>>, vector<16xf32>,
      %swap3A_800 = vector.shape_cast %swap3A_799 : vector<16xf32> to vector<16xf32>
      %swap3A_801 = vector.shape_cast %mul3A_797 : vector<16xf32> to vector<16xf32>
      tpu.vector_store %arg7[%swap3A_798], %swap3A_801 {strides = array<i32>} : memref<32768xf32, #tpu.memory_space<vmem>>, vector<16xf32>,
      %mul3A_802 = arith.constant 6.553700e+04 : f32
      %mul3A_803 = vector.broadcast %mul3A_802 : f32 to vector<16xf32>
      %mul3A_804 = arith.mulf %get3A_773, %mul3A_803 : vector<16xf32>
      %sub3A_805 = arith.subf %mul3A_804, %get3A_773 : vector<16xf32>
      %sub3A_806 = arith.subf %mul3A_804, %sub3A_805 : vector<16xf32>
      %mul3A_807 = arith.constant -2.000000e+00 : f32
      %mul3A_808 = vector.broadcast %mul3A_807 : f32 to vector<16xf32>
      %mul3A_809 = arith.mulf %mul3A_808, %sub3A_806 : vector<16xf32>
      %add3A_810 = arith.constant 16 : i32
      %add3A_811 = arith.addi %mul3A_765, %add3A_810 : i32
      %swap3A_812 = arith.index_cast %add3A_811 : i32 to index
      %swap3A_813 = tpu.vector_load %arg7[%swap3A_812] {strides = array<i32>} : memref<32768xf32, #tpu.memory_space<vmem>>, vector<16xf32>,
      %swap3A_814 = vector.shape_cast %swap3A_813 : vector<16xf32> to vector<16xf32>
      %swap3A_815 = vector.shape_cast %mul3A_809 : vector<16xf32> to vector<16xf32>
      tpu.vector_store %arg7[%swap3A_812], %swap3A_815 {strides = array<i32>} : memref<32768xf32, #tpu.memory_space<vmem>>, vector<16xf32>,
      %mul3A_816 = arith.constant 6.553700e+04 : f32
      %mul3A_817 = vector.broadcast %mul3A_816 : f32 to vector<16xf32>
      %mul3A_818 = arith.mulf %get3A_778, %mul3A_817 : vector<16xf32>
      %sub3A_819 = arith.subf %mul3A_818, %get3A_778 : vector<16xf32>
      %sub3A_820 = arith.subf %mul3A_818, %sub3A_819 : vector<16xf32>
      %mul3A_821 = arith.constant -2.000000e+00 : f32
      %mul3A_822 = vector.broadcast %mul3A_821 : f32 to vector<16xf32>
      %mul3A_823 = arith.mulf %mul3A_822, %sub3A_820 : vector<16xf32>
      %add3A_824 = arith.constant 32 : i32
      %add3A_825 = arith.addi %mul3A_765, %add3A_824 : i32
      %swap3A_826 = arith.index_cast %add3A_825 : i32 to index
      %swap3A_827 = tpu.vector_load %arg7[%swap3A_826] {strides = array<i32>} : memref<32768xf32, #tpu.memory_space<vmem>>, vector<16xf32>,
      %swap3A_828 = vector.shape_cast %swap3A_827 : vector<16xf32> to vector<16xf32>
      %swap3A_829 = vector.shape_cast %mul3A_823 : vector<16xf32> to vector<16xf32>
      tpu.vector_store %arg7[%swap3A_826], %swap3A_829 {strides = array<i32>} : memref<32768xf32, #tpu.memory_space<vmem>>, vector<16xf32>,
      %scan3A_830 = arith.constant 0 : i32
      scf.yield %scan3A_830 : i32
    }
    %scan3A_250 = arith.constant 512 : i32
    %get3A_251 = arith.constant 0 : index
    %get3A_252 = tpu.vector_load %arg5[%get3A_251] {strides = array<i32>} : memref<192xf32, #tpu.memory_space<vmem>>, vector<16xf32>,
    %get3A_253 = vector.shape_cast %get3A_252 : vector<16xf32> to vector<16xf32>
    %get3A_254 = arith.constant 64 : index
    %get3A_255 = tpu.vector_load %arg5[%get3A_254] {strides = array<i32>} : memref<192xf32, #tpu.memory_space<vmem>>, vector<16xf32>,
    %get3A_256 = vector.shape_cast %get3A_255 : vector<16xf32> to vector<16xf32>
    %get3A_257 = arith.constant 128 : index
    %get3A_258 = tpu.vector_load %arg5[%get3A_257] {strides = array<i32>} : memref<192xf32, #tpu.memory_space<vmem>>, vector<16xf32>,
    %get3A_259 = vector.shape_cast %get3A_258 : vector<16xf32> to vector<16xf32>
    %get3A_260 = arith.constant 16 : index
    %get3A_261 = tpu.vector_load %arg5[%get3A_260] {strides = array<i32>} : memref<192xf32, #tpu.memory_space<vmem>>, vector<16xf32>,
    %get3A_262 = vector.shape_cast %get3A_261 : vector<16xf32> to vector<16xf32>
    %get3A_263 = arith.constant 80 : index
    %get3A_264 = tpu.vector_load %arg5[%get3A_263] {strides = array<i32>} : memref<192xf32, #tpu.memory_space<vmem>>, vector<16xf32>,
    %get3A_265 = vector.shape_cast %get3A_264 : vector<16xf32> to vector<16xf32>
    %get3A_266 = arith.constant 144 : index
    %get3A_267 = tpu.vector_load %arg5[%get3A_266] {strides = array<i32>} : memref<192xf32, #tpu.memory_space<vmem>>, vector<16xf32>,
    %get3A_268 = vector.shape_cast %get3A_267 : vector<16xf32> to vector<16xf32>
    %get3A_269 = arith.constant 32 : index
    %get3A_270 = tpu.vector_load %arg5[%get3A_269] {strides = array<i32>} : memref<192xf32, #tpu.memory_space<vmem>>, vector<16xf32>,
    %get3A_271 = vector.shape_cast %get3A_270 : vector<16xf32> to vector<16xf32>
    %get3A_272 = arith.constant 96 : index
    %get3A_273 = tpu.vector_load %arg5[%get3A_272] {strides = array<i32>} : memref<192xf32, #tpu.memory_space<vmem>>, vector<16xf32>,
    %get3A_274 = vector.shape_cast %get3A_273 : vector<16xf32> to vector<16xf32>
    %get3A_275 = arith.constant 160 : index
    %get3A_276 = tpu.vector_load %arg5[%get3A_275] {strides = array<i32>} : memref<192xf32, #tpu.memory_space<vmem>>, vector<16xf32>,
    %get3A_277 = vector.shape_cast %get3A_276 : vector<16xf32> to vector<16xf32>
    %get3A_278 = arith.constant 48 : index
    %get3A_279 = tpu.vector_load %arg5[%get3A_278] {strides = array<i32>} : memref<192xf32, #tpu.memory_space<vmem>>, vector<16xf32>,
    %get3A_280 = vector.shape_cast %get3A_279 : vector<16xf32> to vector<16xf32>
    %get3A_281 = arith.constant 112 : index
    %get3A_282 = tpu.vector_load %arg5[%get3A_281] {strides = array<i32>} : memref<192xf32, #tpu.memory_space<vmem>>, vector<16xf32>,
    %get3A_283 = vector.shape_cast %get3A_282 : vector<16xf32> to vector<16xf32>
    %get3A_284 = arith.constant 176 : index
    %get3A_285 = tpu.vector_load %arg5[%get3A_284] {strides = array<i32>} : memref<192xf32, #tpu.memory_space<vmem>>, vector<16xf32>,
    %get3A_286 = vector.shape_cast %get3A_285 : vector<16xf32> to vector<16xf32>
    %get3A_287 = arith.constant 0 : index
    %get3A_288 = tpu.vector_load %arg8[%get3A_287] {strides = array<i32>} : memref<64xf32, #tpu.memory_space<vmem>>, vector<16xf32>,
    %get3A_289 = vector.shape_cast %get3A_288 : vector<16xf32> to vector<16xf32>
    %get3A_290 = arith.constant 16 : index
    %get3A_291 = tpu.vector_load %arg8[%get3A_290] {strides = array<i32>} : memref<64xf32, #tpu.memory_space<vmem>>, vector<16xf32>,
    %get3A_292 = vector.shape_cast %get3A_291 : vector<16xf32> to vector<16xf32>
    %get3A_293 = arith.constant 32 : index
    %get3A_294 = tpu.vector_load %arg8[%get3A_293] {strides = array<i32>} : memref<64xf32, #tpu.memory_space<vmem>>, vector<16xf32>,
    %get3A_295 = vector.shape_cast %get3A_294 : vector<16xf32> to vector<16xf32>
    %get3A_296 = arith.constant 48 : index
    %get3A_297 = tpu.vector_load %arg8[%get3A_296] {strides = array<i32>} : memref<64xf32, #tpu.memory_space<vmem>>, vector<16xf32>,
    %get3A_298 = vector.shape_cast %get3A_297 : vector<16xf32> to vector<16xf32>
    %scan3A_299 = arith.constant 0 : i32
    %scan3A_300 = arith.constant 512 : i32
    %scan3A_301 = arith.addi %scan3A_299, %scan3A_300 : i32
    %scan3A_302 = arith.constant 1 : i32
    %scan3A_303:4 = scf.for %scan3A_756 = %scan3A_299 to %scan3A_301 step %scan3A_302 iter_args(%scan3A_757 = %get3A_289, %scan3A_758 = %get3A_292, %scan3A_759 = %get3A_295, %scan3A_760 = %get3A_298) -> (vector<16xf32>, vector<16xf32>, vector<16xf32>, vector<16xf32>)  : i32 {
      %mul3A_761 = arith.constant 4 : i32
      %mul3A_762 = arith.muli %scan3A_756, %mul3A_761 : i32
      %mul3A_763 = arith.constant 16 : i32
      %mul3A_764 = arith.muli %mul3A_762, %mul3A_763 : i32
      %get3A_765 = arith.index_cast %mul3A_764 : i32 to index
      %get3A_766 = tpu.vector_load %arg7[%get3A_765] {strides = array<i32>} : memref<32768xf32, #tpu.memory_space<vmem>>, vector<16xf32>,
      %get3A_767 = vector.shape_cast %get3A_766 : vector<16xf32> to vector<16xf32>
      %add3A_768 = arith.constant 16 : i32
      %add3A_769 = arith.addi %mul3A_764, %add3A_768 : i32
      %get3A_770 = arith.index_cast %add3A_769 : i32 to index
      %get3A_771 = tpu.vector_load %arg7[%get3A_770] {strides = array<i32>} : memref<32768xf32, #tpu.memory_space<vmem>>, vector<16xf32>,
      %get3A_772 = vector.shape_cast %get3A_771 : vector<16xf32> to vector<16xf32>
      %add3A_773 = arith.constant 32 : i32
      %add3A_774 = arith.addi %mul3A_764, %add3A_773 : i32
      %get3A_775 = arith.index_cast %add3A_774 : i32 to index
      %get3A_776 = tpu.vector_load %arg7[%get3A_775] {strides = array<i32>} : memref<32768xf32, #tpu.memory_space<vmem>>, vector<16xf32>,
      %get3A_777 = vector.shape_cast %get3A_776 : vector<16xf32> to vector<16xf32>
      %add3A_778 = arith.constant 48 : i32
      %add3A_779 = arith.addi %mul3A_764, %add3A_778 : i32
      %get3A_780 = arith.index_cast %add3A_779 : i32 to index
      %get3A_781 = tpu.vector_load %arg7[%get3A_780] {strides = array<i32>} : memref<32768xf32, #tpu.memory_space<vmem>>, vector<16xf32>,
      %get3A_782 = vector.shape_cast %get3A_781 : vector<16xf32> to vector<16xf32>
      %mul3A_783 = arith.mulf %get3A_767, %get3A_253 : vector<16xf32>
      %add3A_784 = arith.addf %get3A_782, %mul3A_783 : vector<16xf32>
      %mul3A_785 = arith.mulf %get3A_772, %get3A_256 : vector<16xf32>
      %add3A_786 = arith.addf %add3A_784, %mul3A_785 : vector<16xf32>
      %mul3A_787 = arith.mulf %get3A_777, %get3A_259 : vector<16xf32>
      %add3A_788 = arith.addf %add3A_786, %mul3A_787 : vector<16xf32>
      %min3A = arith.minimumf %scan3A_757, %add3A_788 : vector<16xf32>
      %mul3A_789 = arith.mulf %get3A_767, %get3A_262 : vector<16xf32>
      %add3A_790 = arith.addf %get3A_782, %mul3A_789 : vector<16xf32>
      %mul3A_791 = arith.mulf %get3A_772, %get3A_265 : vector<16xf32>
      %add3A_792 = arith.addf %add3A_790, %mul3A_791 : vector<16xf32>
      %mul3A_793 = arith.mulf %get3A_777, %get3A_268 : vector<16xf32>
      %add3A_794 = arith.addf %add3A_792, %mul3A_793 : vector<16xf32>
      %min3A_795 = arith.minimumf %scan3A_758, %add3A_794 : vector<16xf32>
      %mul3A_796 = arith.mulf %get3A_767, %get3A_271 : vector<16xf32>
      %add3A_797 = arith.addf %get3A_782, %mul3A_796 : vector<16xf32>
      %mul3A_798 = arith.mulf %get3A_772, %get3A_274 : vector<16xf32>
      %add3A_799 = arith.addf %add3A_797, %mul3A_798 : vector<16xf32>
      %mul3A_800 = arith.mulf %get3A_777, %get3A_277 : vector<16xf32>
      %add3A_801 = arith.addf %add3A_799, %mul3A_800 : vector<16xf32>
      %min3A_802 = arith.minimumf %scan3A_759, %add3A_801 : vector<16xf32>
      %mul3A_803 = arith.mulf %get3A_767, %get3A_280 : vector<16xf32>
      %add3A_804 = arith.addf %get3A_782, %mul3A_803 : vector<16xf32>
      %mul3A_805 = arith.mulf %get3A_772, %get3A_283 : vector<16xf32>
      %add3A_806 = arith.addf %add3A_804, %mul3A_805 : vector<16xf32>
      %mul3A_807 = arith.mulf %get3A_777, %get3A_286 : vector<16xf32>
      %add3A_808 = arith.addf %add3A_806, %mul3A_807 : vector<16xf32>
      %min3A_809 = arith.minimumf %scan3A_760, %add3A_808 : vector<16xf32>
      scf.yield %min3A, %min3A_795, %min3A_802, %min3A_809 : vector<16xf32>, vector<16xf32>, vector<16xf32>, vector<16xf32>
    }
    %scan3A_304 = arith.constant 512 : i32
    %swap3A_305 = arith.constant 0 : index
    %swap3A_306 = tpu.vector_load %arg8[%swap3A_305] {strides = array<i32>} : memref<64xf32, #tpu.memory_space<vmem>>, vector<16xf32>,
    %swap3A_307 = vector.shape_cast %swap3A_306 : vector<16xf32> to vector<16xf32>
    %swap3A_308 = vector.shape_cast %scan3A_303#0 : vector<16xf32> to vector<16xf32>
    tpu.vector_store %arg8[%swap3A_305], %swap3A_308 {strides = array<i32>} : memref<64xf32, #tpu.memory_space<vmem>>, vector<16xf32>,
    %swap3A_309 = arith.constant 16 : index
    %swap3A_310 = tpu.vector_load %arg8[%swap3A_309] {strides = array<i32>} : memref<64xf32, #tpu.memory_space<vmem>>, vector<16xf32>,
    %swap3A_311 = vector.shape_cast %swap3A_310 : vector<16xf32> to vector<16xf32>
    %swap3A_312 = vector.shape_cast %scan3A_303#1 : vector<16xf32> to vector<16xf32>
    tpu.vector_store %arg8[%swap3A_309], %swap3A_312 {strides = array<i32>} : memref<64xf32, #tpu.memory_space<vmem>>, vector<16xf32>,
    %swap3A_313 = arith.constant 32 : index
    %swap3A_314 = tpu.vector_load %arg8[%swap3A_313] {strides = array<i32>} : memref<64xf32, #tpu.memory_space<vmem>>, vector<16xf32>,
    %swap3A_315 = vector.shape_cast %swap3A_314 : vector<16xf32> to vector<16xf32>
    %swap3A_316 = vector.shape_cast %scan3A_303#2 : vector<16xf32> to vector<16xf32>
    tpu.vector_store %arg8[%swap3A_313], %swap3A_316 {strides = array<i32>} : memref<64xf32, #tpu.memory_space<vmem>>, vector<16xf32>,
    %swap3A_317 = arith.constant 48 : index
    %swap3A_318 = tpu.vector_load %arg8[%swap3A_317] {strides = array<i32>} : memref<64xf32, #tpu.memory_space<vmem>>, vector<16xf32>,
    %swap3A_319 = vector.shape_cast %swap3A_318 : vector<16xf32> to vector<16xf32>
    %swap3A_320 = vector.shape_cast %scan3A_303#3 : vector<16xf32> to vector<16xf32>
    tpu.vector_store %arg8[%swap3A_317], %swap3A_320 {strides = array<i32>} : memref<64xf32, #tpu.memory_space<vmem>>, vector<16xf32>,
    %mul3A_321 = arith.constant 4096 : i32
    %mul3A_322 = arith.muli %select_n3A, %mul3A_321 : i32
    %add3A_323 = arith.constant 1536 : i32
    %add3A_324 = arith.addi %mul3A_322, %add3A_323 : i32
    %mul3A_325 = arith.constant 3 : i32
    %mul3A_326 = arith.muli %add3A_324, %mul3A_325 : i32
    %mul3A_327 = arith.constant 16 : i32
    %mul3A_328 = arith.muli %mul3A_326, %mul3A_327 : i32
    "tpu.region"() ({
      %run_scoped3A = tpu.sem_alloc : memref<!tpu.dma_semaphore, #tpu.memory_space<semaphore_mem>>
      %dma_start3A = tpu.memref_slice %arg2[%mul3A_328] : memref<786432xf32, #tpu.memory_space<hbm>> -> memref<24576xf32, #tpu.memory_space<hbm>>
      %dma_start3A_756 = tpu.memref_slice %arg2[%mul3A_328] : memref<786432xf32, #tpu.memory_space<hbm>> -> memref<24576xf32, #tpu.memory_space<hbm>>
      tpu.enqueue_dma source(%dma_start3A_756 : memref<24576xf32, #tpu.memory_space<hbm>>) target(%arg6 : memref<24576xf32, #tpu.memory_space<vmem>>) target_semaphore(%run_scoped3A : memref<!tpu.dma_semaphore, #tpu.memory_space<semaphore_mem>>)
      %dma_wait3A = tpu.memref_slice %arg2[%mul3A_328] : memref<786432xf32, #tpu.memory_space<hbm>> -> memref<24576xf32, #tpu.memory_space<hbm>>
      %dma_wait3A_757 = tpu.memref_slice %arg2[%mul3A_328] : memref<786432xf32, #tpu.memory_space<hbm>> -> memref<24576xf32, #tpu.memory_space<hbm>>
      tpu.wait_dma2 semaphore(%run_scoped3A : memref<!tpu.dma_semaphore, #tpu.memory_space<semaphore_mem>>) src(%dma_wait3A_757 : memref<24576xf32, #tpu.memory_space<hbm>>) dst(%arg6 : memref<24576xf32, #tpu.memory_space<vmem>>)
      tpu.yield
    }) : () -> ()
    %scan3A_329 = arith.constant 0 : i32
    %scan3A_330 = arith.constant 0 : i32
    %scan3A_331 = arith.constant 512 : i32
    %scan3A_332 = arith.addi %scan3A_330, %scan3A_331 : i32
    %scan3A_333 = arith.constant 1 : i32
    %scan3A_334 = scf.for %scan3A_756 = %scan3A_330 to %scan3A_332 step %scan3A_333 iter_args(%scan3A_757 = %scan3A_329) -> (i32)  : i32 {
      %mul3A_758 = arith.constant 3 : i32
      %mul3A_759 = arith.muli %scan3A_756, %mul3A_758 : i32
      %mul3A_760 = arith.constant 16 : i32
      %mul3A_761 = arith.muli %mul3A_759, %mul3A_760 : i32
      %mul3A_762 = arith.constant 4 : i32
      %mul3A_763 = arith.muli %scan3A_756, %mul3A_762 : i32
      %mul3A_764 = arith.constant 16 : i32
      %mul3A_765 = arith.muli %mul3A_763, %mul3A_764 : i32
      %get3A_766 = arith.index_cast %mul3A_761 : i32 to index
      %get3A_767 = tpu.vector_load %arg6[%get3A_766] {strides = array<i32>} : memref<24576xf32, #tpu.memory_space<vmem>>, vector<16xf32>,
      %get3A_768 = vector.shape_cast %get3A_767 : vector<16xf32> to vector<16xf32>
      %add3A_769 = arith.constant 16 : i32
      %add3A_770 = arith.addi %mul3A_761, %add3A_769 : i32
      %get3A_771 = arith.index_cast %add3A_770 : i32 to index
      %get3A_772 = tpu.vector_load %arg6[%get3A_771] {strides = array<i32>} : memref<24576xf32, #tpu.memory_space<vmem>>, vector<16xf32>,
      %get3A_773 = vector.shape_cast %get3A_772 : vector<16xf32> to vector<16xf32>
      %add3A_774 = arith.constant 32 : i32
      %add3A_775 = arith.addi %mul3A_761, %add3A_774 : i32
      %get3A_776 = arith.index_cast %add3A_775 : i32 to index
      %get3A_777 = tpu.vector_load %arg6[%get3A_776] {strides = array<i32>} : memref<24576xf32, #tpu.memory_space<vmem>>, vector<16xf32>,
      %get3A_778 = vector.shape_cast %get3A_777 : vector<16xf32> to vector<16xf32>
      %mul3A_779 = arith.mulf %get3A_768, %get3A_768 : vector<16xf32>
      %mul3A_780 = arith.mulf %get3A_773, %get3A_773 : vector<16xf32>
      %add3A_781 = arith.addf %mul3A_779, %mul3A_780 : vector<16xf32>
      %mul3A_782 = arith.mulf %get3A_778, %get3A_778 : vector<16xf32>
      %add3A_783 = arith.addf %add3A_781, %mul3A_782 : vector<16xf32>
      %add3A_784 = arith.constant 48 : i32
      %add3A_785 = arith.addi %mul3A_765, %add3A_784 : i32
      %swap3A_786 = arith.index_cast %add3A_785 : i32 to index
      %swap3A_787 = tpu.vector_load %arg7[%swap3A_786] {strides = array<i32>} : memref<32768xf32, #tpu.memory_space<vmem>>, vector<16xf32>,
      %swap3A_788 = vector.shape_cast %swap3A_787 : vector<16xf32> to vector<16xf32>
      %swap3A_789 = vector.shape_cast %add3A_783 : vector<16xf32> to vector<16xf32>
      tpu.vector_store %arg7[%swap3A_786], %swap3A_789 {strides = array<i32>} : memref<32768xf32, #tpu.memory_space<vmem>>, vector<16xf32>,
      %mul3A_790 = arith.constant 6.553700e+04 : f32
      %mul3A_791 = vector.broadcast %mul3A_790 : f32 to vector<16xf32>
      %mul3A_792 = arith.mulf %get3A_768, %mul3A_791 : vector<16xf32>
      %sub3A_793 = arith.subf %mul3A_792, %get3A_768 : vector<16xf32>
      %sub3A_794 = arith.subf %mul3A_792, %sub3A_793 : vector<16xf32>
      %mul3A_795 = arith.constant -2.000000e+00 : f32
      %mul3A_796 = vector.broadcast %mul3A_795 : f32 to vector<16xf32>
      %mul3A_797 = arith.mulf %mul3A_796, %sub3A_794 : vector<16xf32>
      %swap3A_798 = arith.index_cast %mul3A_765 : i32 to index
      %swap3A_799 = tpu.vector_load %arg7[%swap3A_798] {strides = array<i32>} : memref<32768xf32, #tpu.memory_space<vmem>>, vector<16xf32>,
      %swap3A_800 = vector.shape_cast %swap3A_799 : vector<16xf32> to vector<16xf32>
      %swap3A_801 = vector.shape_cast %mul3A_797 : vector<16xf32> to vector<16xf32>
      tpu.vector_store %arg7[%swap3A_798], %swap3A_801 {strides = array<i32>} : memref<32768xf32, #tpu.memory_space<vmem>>, vector<16xf32>,
      %mul3A_802 = arith.constant 6.553700e+04 : f32
      %mul3A_803 = vector.broadcast %mul3A_802 : f32 to vector<16xf32>
      %mul3A_804 = arith.mulf %get3A_773, %mul3A_803 : vector<16xf32>
      %sub3A_805 = arith.subf %mul3A_804, %get3A_773 : vector<16xf32>
      %sub3A_806 = arith.subf %mul3A_804, %sub3A_805 : vector<16xf32>
      %mul3A_807 = arith.constant -2.000000e+00 : f32
      %mul3A_808 = vector.broadcast %mul3A_807 : f32 to vector<16xf32>
      %mul3A_809 = arith.mulf %mul3A_808, %sub3A_806 : vector<16xf32>
      %add3A_810 = arith.constant 16 : i32
      %add3A_811 = arith.addi %mul3A_765, %add3A_810 : i32
      %swap3A_812 = arith.index_cast %add3A_811 : i32 to index
      %swap3A_813 = tpu.vector_load %arg7[%swap3A_812] {strides = array<i32>} : memref<32768xf32, #tpu.memory_space<vmem>>, vector<16xf32>,
      %swap3A_814 = vector.shape_cast %swap3A_813 : vector<16xf32> to vector<16xf32>
      %swap3A_815 = vector.shape_cast %mul3A_809 : vector<16xf32> to vector<16xf32>
      tpu.vector_store %arg7[%swap3A_812], %swap3A_815 {strides = array<i32>} : memref<32768xf32, #tpu.memory_space<vmem>>, vector<16xf32>,
      %mul3A_816 = arith.constant 6.553700e+04 : f32
      %mul3A_817 = vector.broadcast %mul3A_816 : f32 to vector<16xf32>
      %mul3A_818 = arith.mulf %get3A_778, %mul3A_817 : vector<16xf32>
      %sub3A_819 = arith.subf %mul3A_818, %get3A_778 : vector<16xf32>
      %sub3A_820 = arith.subf %mul3A_818, %sub3A_819 : vector<16xf32>
      %mul3A_821 = arith.constant -2.000000e+00 : f32
      %mul3A_822 = vector.broadcast %mul3A_821 : f32 to vector<16xf32>
      %mul3A_823 = arith.mulf %mul3A_822, %sub3A_820 : vector<16xf32>
      %add3A_824 = arith.constant 32 : i32
      %add3A_825 = arith.addi %mul3A_765, %add3A_824 : i32
      %swap3A_826 = arith.index_cast %add3A_825 : i32 to index
      %swap3A_827 = tpu.vector_load %arg7[%swap3A_826] {strides = array<i32>} : memref<32768xf32, #tpu.memory_space<vmem>>, vector<16xf32>,
      %swap3A_828 = vector.shape_cast %swap3A_827 : vector<16xf32> to vector<16xf32>
      %swap3A_829 = vector.shape_cast %mul3A_823 : vector<16xf32> to vector<16xf32>
      tpu.vector_store %arg7[%swap3A_826], %swap3A_829 {strides = array<i32>} : memref<32768xf32, #tpu.memory_space<vmem>>, vector<16xf32>,
      %scan3A_830 = arith.constant 0 : i32
      scf.yield %scan3A_830 : i32
    }
    %scan3A_335 = arith.constant 512 : i32
    %get3A_336 = arith.constant 0 : index
    %get3A_337 = tpu.vector_load %arg5[%get3A_336] {strides = array<i32>} : memref<192xf32, #tpu.memory_space<vmem>>, vector<16xf32>,
    %get3A_338 = vector.shape_cast %get3A_337 : vector<16xf32> to vector<16xf32>
    %get3A_339 = arith.constant 64 : index
    %get3A_340 = tpu.vector_load %arg5[%get3A_339] {strides = array<i32>} : memref<192xf32, #tpu.memory_space<vmem>>, vector<16xf32>,
    %get3A_341 = vector.shape_cast %get3A_340 : vector<16xf32> to vector<16xf32>
    %get3A_342 = arith.constant 128 : index
    %get3A_343 = tpu.vector_load %arg5[%get3A_342] {strides = array<i32>} : memref<192xf32, #tpu.memory_space<vmem>>, vector<16xf32>,
    %get3A_344 = vector.shape_cast %get3A_343 : vector<16xf32> to vector<16xf32>
    %get3A_345 = arith.constant 16 : index
    %get3A_346 = tpu.vector_load %arg5[%get3A_345] {strides = array<i32>} : memref<192xf32, #tpu.memory_space<vmem>>, vector<16xf32>,
    %get3A_347 = vector.shape_cast %get3A_346 : vector<16xf32> to vector<16xf32>
    %get3A_348 = arith.constant 80 : index
    %get3A_349 = tpu.vector_load %arg5[%get3A_348] {strides = array<i32>} : memref<192xf32, #tpu.memory_space<vmem>>, vector<16xf32>,
    %get3A_350 = vector.shape_cast %get3A_349 : vector<16xf32> to vector<16xf32>
    %get3A_351 = arith.constant 144 : index
    %get3A_352 = tpu.vector_load %arg5[%get3A_351] {strides = array<i32>} : memref<192xf32, #tpu.memory_space<vmem>>, vector<16xf32>,
    %get3A_353 = vector.shape_cast %get3A_352 : vector<16xf32> to vector<16xf32>
    %get3A_354 = arith.constant 32 : index
    %get3A_355 = tpu.vector_load %arg5[%get3A_354] {strides = array<i32>} : memref<192xf32, #tpu.memory_space<vmem>>, vector<16xf32>,
    %get3A_356 = vector.shape_cast %get3A_355 : vector<16xf32> to vector<16xf32>
    %get3A_357 = arith.constant 96 : index
    %get3A_358 = tpu.vector_load %arg5[%get3A_357] {strides = array<i32>} : memref<192xf32, #tpu.memory_space<vmem>>, vector<16xf32>,
    %get3A_359 = vector.shape_cast %get3A_358 : vector<16xf32> to vector<16xf32>
    %get3A_360 = arith.constant 160 : index
    %get3A_361 = tpu.vector_load %arg5[%get3A_360] {strides = array<i32>} : memref<192xf32, #tpu.memory_space<vmem>>, vector<16xf32>,
    %get3A_362 = vector.shape_cast %get3A_361 : vector<16xf32> to vector<16xf32>
    %get3A_363 = arith.constant 48 : index
    %get3A_364 = tpu.vector_load %arg5[%get3A_363] {strides = array<i32>} : memref<192xf32, #tpu.memory_space<vmem>>, vector<16xf32>,
    %get3A_365 = vector.shape_cast %get3A_364 : vector<16xf32> to vector<16xf32>
    %get3A_366 = arith.constant 112 : index
    %get3A_367 = tpu.vector_load %arg5[%get3A_366] {strides = array<i32>} : memref<192xf32, #tpu.memory_space<vmem>>, vector<16xf32>,
    %get3A_368 = vector.shape_cast %get3A_367 : vector<16xf32> to vector<16xf32>
    %get3A_369 = arith.constant 176 : index
    %get3A_370 = tpu.vector_load %arg5[%get3A_369] {strides = array<i32>} : memref<192xf32, #tpu.memory_space<vmem>>, vector<16xf32>,
    %get3A_371 = vector.shape_cast %get3A_370 : vector<16xf32> to vector<16xf32>
    %get3A_372 = arith.constant 0 : index
    %get3A_373 = tpu.vector_load %arg8[%get3A_372] {strides = array<i32>} : memref<64xf32, #tpu.memory_space<vmem>>, vector<16xf32>,
    %get3A_374 = vector.shape_cast %get3A_373 : vector<16xf32> to vector<16xf32>
    %get3A_375 = arith.constant 16 : index
    %get3A_376 = tpu.vector_load %arg8[%get3A_375] {strides = array<i32>} : memref<64xf32, #tpu.memory_space<vmem>>, vector<16xf32>,
    %get3A_377 = vector.shape_cast %get3A_376 : vector<16xf32> to vector<16xf32>
    %get3A_378 = arith.constant 32 : index
    %get3A_379 = tpu.vector_load %arg8[%get3A_378] {strides = array<i32>} : memref<64xf32, #tpu.memory_space<vmem>>, vector<16xf32>,
    %get3A_380 = vector.shape_cast %get3A_379 : vector<16xf32> to vector<16xf32>
    %get3A_381 = arith.constant 48 : index
    %get3A_382 = tpu.vector_load %arg8[%get3A_381] {strides = array<i32>} : memref<64xf32, #tpu.memory_space<vmem>>, vector<16xf32>,
    %get3A_383 = vector.shape_cast %get3A_382 : vector<16xf32> to vector<16xf32>
    %scan3A_384 = arith.constant 0 : i32
    %scan3A_385 = arith.constant 512 : i32
    %scan3A_386 = arith.addi %scan3A_384, %scan3A_385 : i32
    %scan3A_387 = arith.constant 1 : i32
    %scan3A_388:4 = scf.for %scan3A_756 = %scan3A_384 to %scan3A_386 step %scan3A_387 iter_args(%scan3A_757 = %get3A_374, %scan3A_758 = %get3A_377, %scan3A_759 = %get3A_380, %scan3A_760 = %get3A_383) -> (vector<16xf32>, vector<16xf32>, vector<16xf32>, vector<16xf32>)  : i32 {
      %mul3A_761 = arith.constant 4 : i32
      %mul3A_762 = arith.muli %scan3A_756, %mul3A_761 : i32
      %mul3A_763 = arith.constant 16 : i32
      %mul3A_764 = arith.muli %mul3A_762, %mul3A_763 : i32
      %get3A_765 = arith.index_cast %mul3A_764 : i32 to index
      %get3A_766 = tpu.vector_load %arg7[%get3A_765] {strides = array<i32>} : memref<32768xf32, #tpu.memory_space<vmem>>, vector<16xf32>,
      %get3A_767 = vector.shape_cast %get3A_766 : vector<16xf32> to vector<16xf32>
      %add3A_768 = arith.constant 16 : i32
      %add3A_769 = arith.addi %mul3A_764, %add3A_768 : i32
      %get3A_770 = arith.index_cast %add3A_769 : i32 to index
      %get3A_771 = tpu.vector_load %arg7[%get3A_770] {strides = array<i32>} : memref<32768xf32, #tpu.memory_space<vmem>>, vector<16xf32>,
      %get3A_772 = vector.shape_cast %get3A_771 : vector<16xf32> to vector<16xf32>
      %add3A_773 = arith.constant 32 : i32
      %add3A_774 = arith.addi %mul3A_764, %add3A_773 : i32
      %get3A_775 = arith.index_cast %add3A_774 : i32 to index
      %get3A_776 = tpu.vector_load %arg7[%get3A_775] {strides = array<i32>} : memref<32768xf32, #tpu.memory_space<vmem>>, vector<16xf32>,
      %get3A_777 = vector.shape_cast %get3A_776 : vector<16xf32> to vector<16xf32>
      %add3A_778 = arith.constant 48 : i32
      %add3A_779 = arith.addi %mul3A_764, %add3A_778 : i32
      %get3A_780 = arith.index_cast %add3A_779 : i32 to index
      %get3A_781 = tpu.vector_load %arg7[%get3A_780] {strides = array<i32>} : memref<32768xf32, #tpu.memory_space<vmem>>, vector<16xf32>,
      %get3A_782 = vector.shape_cast %get3A_781 : vector<16xf32> to vector<16xf32>
      %mul3A_783 = arith.mulf %get3A_767, %get3A_338 : vector<16xf32>
      %add3A_784 = arith.addf %get3A_782, %mul3A_783 : vector<16xf32>
      %mul3A_785 = arith.mulf %get3A_772, %get3A_341 : vector<16xf32>
      %add3A_786 = arith.addf %add3A_784, %mul3A_785 : vector<16xf32>
      %mul3A_787 = arith.mulf %get3A_777, %get3A_344 : vector<16xf32>
      %add3A_788 = arith.addf %add3A_786, %mul3A_787 : vector<16xf32>
      %min3A = arith.minimumf %scan3A_757, %add3A_788 : vector<16xf32>
      %mul3A_789 = arith.mulf %get3A_767, %get3A_347 : vector<16xf32>
      %add3A_790 = arith.addf %get3A_782, %mul3A_789 : vector<16xf32>
      %mul3A_791 = arith.mulf %get3A_772, %get3A_350 : vector<16xf32>
      %add3A_792 = arith.addf %add3A_790, %mul3A_791 : vector<16xf32>
      %mul3A_793 = arith.mulf %get3A_777, %get3A_353 : vector<16xf32>
      %add3A_794 = arith.addf %add3A_792, %mul3A_793 : vector<16xf32>
      %min3A_795 = arith.minimumf %scan3A_758, %add3A_794 : vector<16xf32>
      %mul3A_796 = arith.mulf %get3A_767, %get3A_356 : vector<16xf32>
      %add3A_797 = arith.addf %get3A_782, %mul3A_796 : vector<16xf32>
      %mul3A_798 = arith.mulf %get3A_772, %get3A_359 : vector<16xf32>
      %add3A_799 = arith.addf %add3A_797, %mul3A_798 : vector<16xf32>
      %mul3A_800 = arith.mulf %get3A_777, %get3A_362 : vector<16xf32>
      %add3A_801 = arith.addf %add3A_799, %mul3A_800 : vector<16xf32>
      %min3A_802 = arith.minimumf %scan3A_759, %add3A_801 : vector<16xf32>
      %mul3A_803 = arith.mulf %get3A_767, %get3A_365 : vector<16xf32>
      %add3A_804 = arith.addf %get3A_782, %mul3A_803 : vector<16xf32>
      %mul3A_805 = arith.mulf %get3A_772, %get3A_368 : vector<16xf32>
      %add3A_806 = arith.addf %add3A_804, %mul3A_805 : vector<16xf32>
      %mul3A_807 = arith.mulf %get3A_777, %get3A_371 : vector<16xf32>
      %add3A_808 = arith.addf %add3A_806, %mul3A_807 : vector<16xf32>
      %min3A_809 = arith.minimumf %scan3A_760, %add3A_808 : vector<16xf32>
      scf.yield %min3A, %min3A_795, %min3A_802, %min3A_809 : vector<16xf32>, vector<16xf32>, vector<16xf32>, vector<16xf32>
    }
    %scan3A_389 = arith.constant 512 : i32
    %swap3A_390 = arith.constant 0 : index
    %swap3A_391 = tpu.vector_load %arg8[%swap3A_390] {strides = array<i32>} : memref<64xf32, #tpu.memory_space<vmem>>, vector<16xf32>,
    %swap3A_392 = vector.shape_cast %swap3A_391 : vector<16xf32> to vector<16xf32>
    %swap3A_393 = vector.shape_cast %scan3A_388#0 : vector<16xf32> to vector<16xf32>
    tpu.vector_store %arg8[%swap3A_390], %swap3A_393 {strides = array<i32>} : memref<64xf32, #tpu.memory_space<vmem>>, vector<16xf32>,
    %swap3A_394 = arith.constant 16 : index
    %swap3A_395 = tpu.vector_load %arg8[%swap3A_394] {strides = array<i32>} : memref<64xf32, #tpu.memory_space<vmem>>, vector<16xf32>,
    %swap3A_396 = vector.shape_cast %swap3A_395 : vector<16xf32> to vector<16xf32>
    %swap3A_397 = vector.shape_cast %scan3A_388#1 : vector<16xf32> to vector<16xf32>
    tpu.vector_store %arg8[%swap3A_394], %swap3A_397 {strides = array<i32>} : memref<64xf32, #tpu.memory_space<vmem>>, vector<16xf32>,
    %swap3A_398 = arith.constant 32 : index
    %swap3A_399 = tpu.vector_load %arg8[%swap3A_398] {strides = array<i32>} : memref<64xf32, #tpu.memory_space<vmem>>, vector<16xf32>,
    %swap3A_400 = vector.shape_cast %swap3A_399 : vector<16xf32> to vector<16xf32>
    %swap3A_401 = vector.shape_cast %scan3A_388#2 : vector<16xf32> to vector<16xf32>
    tpu.vector_store %arg8[%swap3A_398], %swap3A_401 {strides = array<i32>} : memref<64xf32, #tpu.memory_space<vmem>>, vector<16xf32>,
    %swap3A_402 = arith.constant 48 : index
    %swap3A_403 = tpu.vector_load %arg8[%swap3A_402] {strides = array<i32>} : memref<64xf32, #tpu.memory_space<vmem>>, vector<16xf32>,
    %swap3A_404 = vector.shape_cast %swap3A_403 : vector<16xf32> to vector<16xf32>
    %swap3A_405 = vector.shape_cast %scan3A_388#3 : vector<16xf32> to vector<16xf32>
    tpu.vector_store %arg8[%swap3A_402], %swap3A_405 {strides = array<i32>} : memref<64xf32, #tpu.memory_space<vmem>>, vector<16xf32>,
    %mul3A_406 = arith.constant 4096 : i32
    %mul3A_407 = arith.muli %select_n3A, %mul3A_406 : i32
    %add3A_408 = arith.constant 2048 : i32
    %add3A_409 = arith.addi %mul3A_407, %add3A_408 : i32
    %mul3A_410 = arith.constant 3 : i32
    %mul3A_411 = arith.muli %add3A_409, %mul3A_410 : i32
    %mul3A_412 = arith.constant 16 : i32
    %mul3A_413 = arith.muli %mul3A_411, %mul3A_412 : i32
    "tpu.region"() ({
      %run_scoped3A = tpu.sem_alloc : memref<!tpu.dma_semaphore, #tpu.memory_space<semaphore_mem>>
      %dma_start3A = tpu.memref_slice %arg2[%mul3A_413] : memref<786432xf32, #tpu.memory_space<hbm>> -> memref<24576xf32, #tpu.memory_space<hbm>>
      %dma_start3A_756 = tpu.memref_slice %arg2[%mul3A_413] : memref<786432xf32, #tpu.memory_space<hbm>> -> memref<24576xf32, #tpu.memory_space<hbm>>
      tpu.enqueue_dma source(%dma_start3A_756 : memref<24576xf32, #tpu.memory_space<hbm>>) target(%arg6 : memref<24576xf32, #tpu.memory_space<vmem>>) target_semaphore(%run_scoped3A : memref<!tpu.dma_semaphore, #tpu.memory_space<semaphore_mem>>)
      %dma_wait3A = tpu.memref_slice %arg2[%mul3A_413] : memref<786432xf32, #tpu.memory_space<hbm>> -> memref<24576xf32, #tpu.memory_space<hbm>>
      %dma_wait3A_757 = tpu.memref_slice %arg2[%mul3A_413] : memref<786432xf32, #tpu.memory_space<hbm>> -> memref<24576xf32, #tpu.memory_space<hbm>>
      tpu.wait_dma2 semaphore(%run_scoped3A : memref<!tpu.dma_semaphore, #tpu.memory_space<semaphore_mem>>) src(%dma_wait3A_757 : memref<24576xf32, #tpu.memory_space<hbm>>) dst(%arg6 : memref<24576xf32, #tpu.memory_space<vmem>>)
      tpu.yield
    }) : () -> ()
    %scan3A_414 = arith.constant 0 : i32
    %scan3A_415 = arith.constant 0 : i32
    %scan3A_416 = arith.constant 512 : i32
    %scan3A_417 = arith.addi %scan3A_415, %scan3A_416 : i32
    %scan3A_418 = arith.constant 1 : i32
    %scan3A_419 = scf.for %scan3A_756 = %scan3A_415 to %scan3A_417 step %scan3A_418 iter_args(%scan3A_757 = %scan3A_414) -> (i32)  : i32 {
      %mul3A_758 = arith.constant 3 : i32
      %mul3A_759 = arith.muli %scan3A_756, %mul3A_758 : i32
      %mul3A_760 = arith.constant 16 : i32
      %mul3A_761 = arith.muli %mul3A_759, %mul3A_760 : i32
      %mul3A_762 = arith.constant 4 : i32
      %mul3A_763 = arith.muli %scan3A_756, %mul3A_762 : i32
      %mul3A_764 = arith.constant 16 : i32
      %mul3A_765 = arith.muli %mul3A_763, %mul3A_764 : i32
      %get3A_766 = arith.index_cast %mul3A_761 : i32 to index
      %get3A_767 = tpu.vector_load %arg6[%get3A_766] {strides = array<i32>} : memref<24576xf32, #tpu.memory_space<vmem>>, vector<16xf32>,
      %get3A_768 = vector.shape_cast %get3A_767 : vector<16xf32> to vector<16xf32>
      %add3A_769 = arith.constant 16 : i32
      %add3A_770 = arith.addi %mul3A_761, %add3A_769 : i32
      %get3A_771 = arith.index_cast %add3A_770 : i32 to index
      %get3A_772 = tpu.vector_load %arg6[%get3A_771] {strides = array<i32>} : memref<24576xf32, #tpu.memory_space<vmem>>, vector<16xf32>,
      %get3A_773 = vector.shape_cast %get3A_772 : vector<16xf32> to vector<16xf32>
      %add3A_774 = arith.constant 32 : i32
      %add3A_775 = arith.addi %mul3A_761, %add3A_774 : i32
      %get3A_776 = arith.index_cast %add3A_775 : i32 to index
      %get3A_777 = tpu.vector_load %arg6[%get3A_776] {strides = array<i32>} : memref<24576xf32, #tpu.memory_space<vmem>>, vector<16xf32>,
      %get3A_778 = vector.shape_cast %get3A_777 : vector<16xf32> to vector<16xf32>
      %mul3A_779 = arith.mulf %get3A_768, %get3A_768 : vector<16xf32>
      %mul3A_780 = arith.mulf %get3A_773, %get3A_773 : vector<16xf32>
      %add3A_781 = arith.addf %mul3A_779, %mul3A_780 : vector<16xf32>
      %mul3A_782 = arith.mulf %get3A_778, %get3A_778 : vector<16xf32>
      %add3A_783 = arith.addf %add3A_781, %mul3A_782 : vector<16xf32>
      %add3A_784 = arith.constant 48 : i32
      %add3A_785 = arith.addi %mul3A_765, %add3A_784 : i32
      %swap3A_786 = arith.index_cast %add3A_785 : i32 to index
      %swap3A_787 = tpu.vector_load %arg7[%swap3A_786] {strides = array<i32>} : memref<32768xf32, #tpu.memory_space<vmem>>, vector<16xf32>,
      %swap3A_788 = vector.shape_cast %swap3A_787 : vector<16xf32> to vector<16xf32>
      %swap3A_789 = vector.shape_cast %add3A_783 : vector<16xf32> to vector<16xf32>
      tpu.vector_store %arg7[%swap3A_786], %swap3A_789 {strides = array<i32>} : memref<32768xf32, #tpu.memory_space<vmem>>, vector<16xf32>,
      %mul3A_790 = arith.constant 6.553700e+04 : f32
      %mul3A_791 = vector.broadcast %mul3A_790 : f32 to vector<16xf32>
      %mul3A_792 = arith.mulf %get3A_768, %mul3A_791 : vector<16xf32>
      %sub3A_793 = arith.subf %mul3A_792, %get3A_768 : vector<16xf32>
      %sub3A_794 = arith.subf %mul3A_792, %sub3A_793 : vector<16xf32>
      %mul3A_795 = arith.constant -2.000000e+00 : f32
      %mul3A_796 = vector.broadcast %mul3A_795 : f32 to vector<16xf32>
      %mul3A_797 = arith.mulf %mul3A_796, %sub3A_794 : vector<16xf32>
      %swap3A_798 = arith.index_cast %mul3A_765 : i32 to index
      %swap3A_799 = tpu.vector_load %arg7[%swap3A_798] {strides = array<i32>} : memref<32768xf32, #tpu.memory_space<vmem>>, vector<16xf32>,
      %swap3A_800 = vector.shape_cast %swap3A_799 : vector<16xf32> to vector<16xf32>
      %swap3A_801 = vector.shape_cast %mul3A_797 : vector<16xf32> to vector<16xf32>
      tpu.vector_store %arg7[%swap3A_798], %swap3A_801 {strides = array<i32>} : memref<32768xf32, #tpu.memory_space<vmem>>, vector<16xf32>,
      %mul3A_802 = arith.constant 6.553700e+04 : f32
      %mul3A_803 = vector.broadcast %mul3A_802 : f32 to vector<16xf32>
      %mul3A_804 = arith.mulf %get3A_773, %mul3A_803 : vector<16xf32>
      %sub3A_805 = arith.subf %mul3A_804, %get3A_773 : vector<16xf32>
      %sub3A_806 = arith.subf %mul3A_804, %sub3A_805 : vector<16xf32>
      %mul3A_807 = arith.constant -2.000000e+00 : f32
      %mul3A_808 = vector.broadcast %mul3A_807 : f32 to vector<16xf32>
      %mul3A_809 = arith.mulf %mul3A_808, %sub3A_806 : vector<16xf32>
      %add3A_810 = arith.constant 16 : i32
      %add3A_811 = arith.addi %mul3A_765, %add3A_810 : i32
      %swap3A_812 = arith.index_cast %add3A_811 : i32 to index
      %swap3A_813 = tpu.vector_load %arg7[%swap3A_812] {strides = array<i32>} : memref<32768xf32, #tpu.memory_space<vmem>>, vector<16xf32>,
      %swap3A_814 = vector.shape_cast %swap3A_813 : vector<16xf32> to vector<16xf32>
      %swap3A_815 = vector.shape_cast %mul3A_809 : vector<16xf32> to vector<16xf32>
      tpu.vector_store %arg7[%swap3A_812], %swap3A_815 {strides = array<i32>} : memref<32768xf32, #tpu.memory_space<vmem>>, vector<16xf32>,
      %mul3A_816 = arith.constant 6.553700e+04 : f32
      %mul3A_817 = vector.broadcast %mul3A_816 : f32 to vector<16xf32>
      %mul3A_818 = arith.mulf %get3A_778, %mul3A_817 : vector<16xf32>
      %sub3A_819 = arith.subf %mul3A_818, %get3A_778 : vector<16xf32>
      %sub3A_820 = arith.subf %mul3A_818, %sub3A_819 : vector<16xf32>
      %mul3A_821 = arith.constant -2.000000e+00 : f32
      %mul3A_822 = vector.broadcast %mul3A_821 : f32 to vector<16xf32>
      %mul3A_823 = arith.mulf %mul3A_822, %sub3A_820 : vector<16xf32>
      %add3A_824 = arith.constant 32 : i32
      %add3A_825 = arith.addi %mul3A_765, %add3A_824 : i32
      %swap3A_826 = arith.index_cast %add3A_825 : i32 to index
      %swap3A_827 = tpu.vector_load %arg7[%swap3A_826] {strides = array<i32>} : memref<32768xf32, #tpu.memory_space<vmem>>, vector<16xf32>,
      %swap3A_828 = vector.shape_cast %swap3A_827 : vector<16xf32> to vector<16xf32>
      %swap3A_829 = vector.shape_cast %mul3A_823 : vector<16xf32> to vector<16xf32>
      tpu.vector_store %arg7[%swap3A_826], %swap3A_829 {strides = array<i32>} : memref<32768xf32, #tpu.memory_space<vmem>>, vector<16xf32>,
      %scan3A_830 = arith.constant 0 : i32
      scf.yield %scan3A_830 : i32
    }
    %scan3A_420 = arith.constant 512 : i32
    %get3A_421 = arith.constant 0 : index
    %get3A_422 = tpu.vector_load %arg5[%get3A_421] {strides = array<i32>} : memref<192xf32, #tpu.memory_space<vmem>>, vector<16xf32>,
    %get3A_423 = vector.shape_cast %get3A_422 : vector<16xf32> to vector<16xf32>
    %get3A_424 = arith.constant 64 : index
    %get3A_425 = tpu.vector_load %arg5[%get3A_424] {strides = array<i32>} : memref<192xf32, #tpu.memory_space<vmem>>, vector<16xf32>,
    %get3A_426 = vector.shape_cast %get3A_425 : vector<16xf32> to vector<16xf32>
    %get3A_427 = arith.constant 128 : index
    %get3A_428 = tpu.vector_load %arg5[%get3A_427] {strides = array<i32>} : memref<192xf32, #tpu.memory_space<vmem>>, vector<16xf32>,
    %get3A_429 = vector.shape_cast %get3A_428 : vector<16xf32> to vector<16xf32>
    %get3A_430 = arith.constant 16 : index
    %get3A_431 = tpu.vector_load %arg5[%get3A_430] {strides = array<i32>} : memref<192xf32, #tpu.memory_space<vmem>>, vector<16xf32>,
    %get3A_432 = vector.shape_cast %get3A_431 : vector<16xf32> to vector<16xf32>
    %get3A_433 = arith.constant 80 : index
    %get3A_434 = tpu.vector_load %arg5[%get3A_433] {strides = array<i32>} : memref<192xf32, #tpu.memory_space<vmem>>, vector<16xf32>,
    %get3A_435 = vector.shape_cast %get3A_434 : vector<16xf32> to vector<16xf32>
    %get3A_436 = arith.constant 144 : index
    %get3A_437 = tpu.vector_load %arg5[%get3A_436] {strides = array<i32>} : memref<192xf32, #tpu.memory_space<vmem>>, vector<16xf32>,
    %get3A_438 = vector.shape_cast %get3A_437 : vector<16xf32> to vector<16xf32>
    %get3A_439 = arith.constant 32 : index
    %get3A_440 = tpu.vector_load %arg5[%get3A_439] {strides = array<i32>} : memref<192xf32, #tpu.memory_space<vmem>>, vector<16xf32>,
    %get3A_441 = vector.shape_cast %get3A_440 : vector<16xf32> to vector<16xf32>
    %get3A_442 = arith.constant 96 : index
    %get3A_443 = tpu.vector_load %arg5[%get3A_442] {strides = array<i32>} : memref<192xf32, #tpu.memory_space<vmem>>, vector<16xf32>,
    %get3A_444 = vector.shape_cast %get3A_443 : vector<16xf32> to vector<16xf32>
    %get3A_445 = arith.constant 160 : index
    %get3A_446 = tpu.vector_load %arg5[%get3A_445] {strides = array<i32>} : memref<192xf32, #tpu.memory_space<vmem>>, vector<16xf32>,
    %get3A_447 = vector.shape_cast %get3A_446 : vector<16xf32> to vector<16xf32>
    %get3A_448 = arith.constant 48 : index
    %get3A_449 = tpu.vector_load %arg5[%get3A_448] {strides = array<i32>} : memref<192xf32, #tpu.memory_space<vmem>>, vector<16xf32>,
    %get3A_450 = vector.shape_cast %get3A_449 : vector<16xf32> to vector<16xf32>
    %get3A_451 = arith.constant 112 : index
    %get3A_452 = tpu.vector_load %arg5[%get3A_451] {strides = array<i32>} : memref<192xf32, #tpu.memory_space<vmem>>, vector<16xf32>,
    %get3A_453 = vector.shape_cast %get3A_452 : vector<16xf32> to vector<16xf32>
    %get3A_454 = arith.constant 176 : index
    %get3A_455 = tpu.vector_load %arg5[%get3A_454] {strides = array<i32>} : memref<192xf32, #tpu.memory_space<vmem>>, vector<16xf32>,
    %get3A_456 = vector.shape_cast %get3A_455 : vector<16xf32> to vector<16xf32>
    %get3A_457 = arith.constant 0 : index
    %get3A_458 = tpu.vector_load %arg8[%get3A_457] {strides = array<i32>} : memref<64xf32, #tpu.memory_space<vmem>>, vector<16xf32>,
    %get3A_459 = vector.shape_cast %get3A_458 : vector<16xf32> to vector<16xf32>
    %get3A_460 = arith.constant 16 : index
    %get3A_461 = tpu.vector_load %arg8[%get3A_460] {strides = array<i32>} : memref<64xf32, #tpu.memory_space<vmem>>, vector<16xf32>,
    %get3A_462 = vector.shape_cast %get3A_461 : vector<16xf32> to vector<16xf32>
    %get3A_463 = arith.constant 32 : index
    %get3A_464 = tpu.vector_load %arg8[%get3A_463] {strides = array<i32>} : memref<64xf32, #tpu.memory_space<vmem>>, vector<16xf32>,
    %get3A_465 = vector.shape_cast %get3A_464 : vector<16xf32> to vector<16xf32>
    %get3A_466 = arith.constant 48 : index
    %get3A_467 = tpu.vector_load %arg8[%get3A_466] {strides = array<i32>} : memref<64xf32, #tpu.memory_space<vmem>>, vector<16xf32>,
    %get3A_468 = vector.shape_cast %get3A_467 : vector<16xf32> to vector<16xf32>
    %scan3A_469 = arith.constant 0 : i32
    %scan3A_470 = arith.constant 512 : i32
    %scan3A_471 = arith.addi %scan3A_469, %scan3A_470 : i32
    %scan3A_472 = arith.constant 1 : i32
    %scan3A_473:4 = scf.for %scan3A_756 = %scan3A_469 to %scan3A_471 step %scan3A_472 iter_args(%scan3A_757 = %get3A_459, %scan3A_758 = %get3A_462, %scan3A_759 = %get3A_465, %scan3A_760 = %get3A_468) -> (vector<16xf32>, vector<16xf32>, vector<16xf32>, vector<16xf32>)  : i32 {
      %mul3A_761 = arith.constant 4 : i32
      %mul3A_762 = arith.muli %scan3A_756, %mul3A_761 : i32
      %mul3A_763 = arith.constant 16 : i32
      %mul3A_764 = arith.muli %mul3A_762, %mul3A_763 : i32
      %get3A_765 = arith.index_cast %mul3A_764 : i32 to index
      %get3A_766 = tpu.vector_load %arg7[%get3A_765] {strides = array<i32>} : memref<32768xf32, #tpu.memory_space<vmem>>, vector<16xf32>,
      %get3A_767 = vector.shape_cast %get3A_766 : vector<16xf32> to vector<16xf32>
      %add3A_768 = arith.constant 16 : i32
      %add3A_769 = arith.addi %mul3A_764, %add3A_768 : i32
      %get3A_770 = arith.index_cast %add3A_769 : i32 to index
      %get3A_771 = tpu.vector_load %arg7[%get3A_770] {strides = array<i32>} : memref<32768xf32, #tpu.memory_space<vmem>>, vector<16xf32>,
      %get3A_772 = vector.shape_cast %get3A_771 : vector<16xf32> to vector<16xf32>
      %add3A_773 = arith.constant 32 : i32
      %add3A_774 = arith.addi %mul3A_764, %add3A_773 : i32
      %get3A_775 = arith.index_cast %add3A_774 : i32 to index
      %get3A_776 = tpu.vector_load %arg7[%get3A_775] {strides = array<i32>} : memref<32768xf32, #tpu.memory_space<vmem>>, vector<16xf32>,
      %get3A_777 = vector.shape_cast %get3A_776 : vector<16xf32> to vector<16xf32>
      %add3A_778 = arith.constant 48 : i32
      %add3A_779 = arith.addi %mul3A_764, %add3A_778 : i32
      %get3A_780 = arith.index_cast %add3A_779 : i32 to index
      %get3A_781 = tpu.vector_load %arg7[%get3A_780] {strides = array<i32>} : memref<32768xf32, #tpu.memory_space<vmem>>, vector<16xf32>,
      %get3A_782 = vector.shape_cast %get3A_781 : vector<16xf32> to vector<16xf32>
      %mul3A_783 = arith.mulf %get3A_767, %get3A_423 : vector<16xf32>
      %add3A_784 = arith.addf %get3A_782, %mul3A_783 : vector<16xf32>
      %mul3A_785 = arith.mulf %get3A_772, %get3A_426 : vector<16xf32>
      %add3A_786 = arith.addf %add3A_784, %mul3A_785 : vector<16xf32>
      %mul3A_787 = arith.mulf %get3A_777, %get3A_429 : vector<16xf32>
      %add3A_788 = arith.addf %add3A_786, %mul3A_787 : vector<16xf32>
      %min3A = arith.minimumf %scan3A_757, %add3A_788 : vector<16xf32>
      %mul3A_789 = arith.mulf %get3A_767, %get3A_432 : vector<16xf32>
      %add3A_790 = arith.addf %get3A_782, %mul3A_789 : vector<16xf32>
      %mul3A_791 = arith.mulf %get3A_772, %get3A_435 : vector<16xf32>
      %add3A_792 = arith.addf %add3A_790, %mul3A_791 : vector<16xf32>
      %mul3A_793 = arith.mulf %get3A_777, %get3A_438 : vector<16xf32>
      %add3A_794 = arith.addf %add3A_792, %mul3A_793 : vector<16xf32>
      %min3A_795 = arith.minimumf %scan3A_758, %add3A_794 : vector<16xf32>
      %mul3A_796 = arith.mulf %get3A_767, %get3A_441 : vector<16xf32>
      %add3A_797 = arith.addf %get3A_782, %mul3A_796 : vector<16xf32>
      %mul3A_798 = arith.mulf %get3A_772, %get3A_444 : vector<16xf32>
      %add3A_799 = arith.addf %add3A_797, %mul3A_798 : vector<16xf32>
      %mul3A_800 = arith.mulf %get3A_777, %get3A_447 : vector<16xf32>
      %add3A_801 = arith.addf %add3A_799, %mul3A_800 : vector<16xf32>
      %min3A_802 = arith.minimumf %scan3A_759, %add3A_801 : vector<16xf32>
      %mul3A_803 = arith.mulf %get3A_767, %get3A_450 : vector<16xf32>
      %add3A_804 = arith.addf %get3A_782, %mul3A_803 : vector<16xf32>
      %mul3A_805 = arith.mulf %get3A_772, %get3A_453 : vector<16xf32>
      %add3A_806 = arith.addf %add3A_804, %mul3A_805 : vector<16xf32>
      %mul3A_807 = arith.mulf %get3A_777, %get3A_456 : vector<16xf32>
      %add3A_808 = arith.addf %add3A_806, %mul3A_807 : vector<16xf32>
      %min3A_809 = arith.minimumf %scan3A_760, %add3A_808 : vector<16xf32>
      scf.yield %min3A, %min3A_795, %min3A_802, %min3A_809 : vector<16xf32>, vector<16xf32>, vector<16xf32>, vector<16xf32>
    }
    %scan3A_474 = arith.constant 512 : i32
    %swap3A_475 = arith.constant 0 : index
    %swap3A_476 = tpu.vector_load %arg8[%swap3A_475] {strides = array<i32>} : memref<64xf32, #tpu.memory_space<vmem>>, vector<16xf32>,
    %swap3A_477 = vector.shape_cast %swap3A_476 : vector<16xf32> to vector<16xf32>
    %swap3A_478 = vector.shape_cast %scan3A_473#0 : vector<16xf32> to vector<16xf32>
    tpu.vector_store %arg8[%swap3A_475], %swap3A_478 {strides = array<i32>} : memref<64xf32, #tpu.memory_space<vmem>>, vector<16xf32>,
    %swap3A_479 = arith.constant 16 : index
    %swap3A_480 = tpu.vector_load %arg8[%swap3A_479] {strides = array<i32>} : memref<64xf32, #tpu.memory_space<vmem>>, vector<16xf32>,
    %swap3A_481 = vector.shape_cast %swap3A_480 : vector<16xf32> to vector<16xf32>
    %swap3A_482 = vector.shape_cast %scan3A_473#1 : vector<16xf32> to vector<16xf32>
    tpu.vector_store %arg8[%swap3A_479], %swap3A_482 {strides = array<i32>} : memref<64xf32, #tpu.memory_space<vmem>>, vector<16xf32>,
    %swap3A_483 = arith.constant 32 : index
    %swap3A_484 = tpu.vector_load %arg8[%swap3A_483] {strides = array<i32>} : memref<64xf32, #tpu.memory_space<vmem>>, vector<16xf32>,
    %swap3A_485 = vector.shape_cast %swap3A_484 : vector<16xf32> to vector<16xf32>
    %swap3A_486 = vector.shape_cast %scan3A_473#2 : vector<16xf32> to vector<16xf32>
    tpu.vector_store %arg8[%swap3A_483], %swap3A_486 {strides = array<i32>} : memref<64xf32, #tpu.memory_space<vmem>>, vector<16xf32>,
    %swap3A_487 = arith.constant 48 : index
    %swap3A_488 = tpu.vector_load %arg8[%swap3A_487] {strides = array<i32>} : memref<64xf32, #tpu.memory_space<vmem>>, vector<16xf32>,
    %swap3A_489 = vector.shape_cast %swap3A_488 : vector<16xf32> to vector<16xf32>
    %swap3A_490 = vector.shape_cast %scan3A_473#3 : vector<16xf32> to vector<16xf32>
    tpu.vector_store %arg8[%swap3A_487], %swap3A_490 {strides = array<i32>} : memref<64xf32, #tpu.memory_space<vmem>>, vector<16xf32>,
    %mul3A_491 = arith.constant 4096 : i32
    %mul3A_492 = arith.muli %select_n3A, %mul3A_491 : i32
    %add3A_493 = arith.constant 2560 : i32
    %add3A_494 = arith.addi %mul3A_492, %add3A_493 : i32
    %mul3A_495 = arith.constant 3 : i32
    %mul3A_496 = arith.muli %add3A_494, %mul3A_495 : i32
    %mul3A_497 = arith.constant 16 : i32
    %mul3A_498 = arith.muli %mul3A_496, %mul3A_497 : i32
    "tpu.region"() ({
      %run_scoped3A = tpu.sem_alloc : memref<!tpu.dma_semaphore, #tpu.memory_space<semaphore_mem>>
      %dma_start3A = tpu.memref_slice %arg2[%mul3A_498] : memref<786432xf32, #tpu.memory_space<hbm>> -> memref<24576xf32, #tpu.memory_space<hbm>>
      %dma_start3A_756 = tpu.memref_slice %arg2[%mul3A_498] : memref<786432xf32, #tpu.memory_space<hbm>> -> memref<24576xf32, #tpu.memory_space<hbm>>
      tpu.enqueue_dma source(%dma_start3A_756 : memref<24576xf32, #tpu.memory_space<hbm>>) target(%arg6 : memref<24576xf32, #tpu.memory_space<vmem>>) target_semaphore(%run_scoped3A : memref<!tpu.dma_semaphore, #tpu.memory_space<semaphore_mem>>)
      %dma_wait3A = tpu.memref_slice %arg2[%mul3A_498] : memref<786432xf32, #tpu.memory_space<hbm>> -> memref<24576xf32, #tpu.memory_space<hbm>>
      %dma_wait3A_757 = tpu.memref_slice %arg2[%mul3A_498] : memref<786432xf32, #tpu.memory_space<hbm>> -> memref<24576xf32, #tpu.memory_space<hbm>>
      tpu.wait_dma2 semaphore(%run_scoped3A : memref<!tpu.dma_semaphore, #tpu.memory_space<semaphore_mem>>) src(%dma_wait3A_757 : memref<24576xf32, #tpu.memory_space<hbm>>) dst(%arg6 : memref<24576xf32, #tpu.memory_space<vmem>>)
      tpu.yield
    }) : () -> ()
    %scan3A_499 = arith.constant 0 : i32
    %scan3A_500 = arith.constant 0 : i32
    %scan3A_501 = arith.constant 512 : i32
    %scan3A_502 = arith.addi %scan3A_500, %scan3A_501 : i32
    %scan3A_503 = arith.constant 1 : i32
    %scan3A_504 = scf.for %scan3A_756 = %scan3A_500 to %scan3A_502 step %scan3A_503 iter_args(%scan3A_757 = %scan3A_499) -> (i32)  : i32 {
      %mul3A_758 = arith.constant 3 : i32
      %mul3A_759 = arith.muli %scan3A_756, %mul3A_758 : i32
      %mul3A_760 = arith.constant 16 : i32
      %mul3A_761 = arith.muli %mul3A_759, %mul3A_760 : i32
      %mul3A_762 = arith.constant 4 : i32
      %mul3A_763 = arith.muli %scan3A_756, %mul3A_762 : i32
      %mul3A_764 = arith.constant 16 : i32
      %mul3A_765 = arith.muli %mul3A_763, %mul3A_764 : i32
      %get3A_766 = arith.index_cast %mul3A_761 : i32 to index
      %get3A_767 = tpu.vector_load %arg6[%get3A_766] {strides = array<i32>} : memref<24576xf32, #tpu.memory_space<vmem>>, vector<16xf32>,
      %get3A_768 = vector.shape_cast %get3A_767 : vector<16xf32> to vector<16xf32>
      %add3A_769 = arith.constant 16 : i32
      %add3A_770 = arith.addi %mul3A_761, %add3A_769 : i32
      %get3A_771 = arith.index_cast %add3A_770 : i32 to index
      %get3A_772 = tpu.vector_load %arg6[%get3A_771] {strides = array<i32>} : memref<24576xf32, #tpu.memory_space<vmem>>, vector<16xf32>,
      %get3A_773 = vector.shape_cast %get3A_772 : vector<16xf32> to vector<16xf32>
      %add3A_774 = arith.constant 32 : i32
      %add3A_775 = arith.addi %mul3A_761, %add3A_774 : i32
      %get3A_776 = arith.index_cast %add3A_775 : i32 to index
      %get3A_777 = tpu.vector_load %arg6[%get3A_776] {strides = array<i32>} : memref<24576xf32, #tpu.memory_space<vmem>>, vector<16xf32>,
      %get3A_778 = vector.shape_cast %get3A_777 : vector<16xf32> to vector<16xf32>
      %mul3A_779 = arith.mulf %get3A_768, %get3A_768 : vector<16xf32>
      %mul3A_780 = arith.mulf %get3A_773, %get3A_773 : vector<16xf32>
      %add3A_781 = arith.addf %mul3A_779, %mul3A_780 : vector<16xf32>
      %mul3A_782 = arith.mulf %get3A_778, %get3A_778 : vector<16xf32>
      %add3A_783 = arith.addf %add3A_781, %mul3A_782 : vector<16xf32>
      %add3A_784 = arith.constant 48 : i32
      %add3A_785 = arith.addi %mul3A_765, %add3A_784 : i32
      %swap3A_786 = arith.index_cast %add3A_785 : i32 to index
      %swap3A_787 = tpu.vector_load %arg7[%swap3A_786] {strides = array<i32>} : memref<32768xf32, #tpu.memory_space<vmem>>, vector<16xf32>,
      %swap3A_788 = vector.shape_cast %swap3A_787 : vector<16xf32> to vector<16xf32>
      %swap3A_789 = vector.shape_cast %add3A_783 : vector<16xf32> to vector<16xf32>
      tpu.vector_store %arg7[%swap3A_786], %swap3A_789 {strides = array<i32>} : memref<32768xf32, #tpu.memory_space<vmem>>, vector<16xf32>,
      %mul3A_790 = arith.constant 6.553700e+04 : f32
      %mul3A_791 = vector.broadcast %mul3A_790 : f32 to vector<16xf32>
      %mul3A_792 = arith.mulf %get3A_768, %mul3A_791 : vector<16xf32>
      %sub3A_793 = arith.subf %mul3A_792, %get3A_768 : vector<16xf32>
      %sub3A_794 = arith.subf %mul3A_792, %sub3A_793 : vector<16xf32>
      %mul3A_795 = arith.constant -2.000000e+00 : f32
      %mul3A_796 = vector.broadcast %mul3A_795 : f32 to vector<16xf32>
      %mul3A_797 = arith.mulf %mul3A_796, %sub3A_794 : vector<16xf32>
      %swap3A_798 = arith.index_cast %mul3A_765 : i32 to index
      %swap3A_799 = tpu.vector_load %arg7[%swap3A_798] {strides = array<i32>} : memref<32768xf32, #tpu.memory_space<vmem>>, vector<16xf32>,
      %swap3A_800 = vector.shape_cast %swap3A_799 : vector<16xf32> to vector<16xf32>
      %swap3A_801 = vector.shape_cast %mul3A_797 : vector<16xf32> to vector<16xf32>
      tpu.vector_store %arg7[%swap3A_798], %swap3A_801 {strides = array<i32>} : memref<32768xf32, #tpu.memory_space<vmem>>, vector<16xf32>,
      %mul3A_802 = arith.constant 6.553700e+04 : f32
      %mul3A_803 = vector.broadcast %mul3A_802 : f32 to vector<16xf32>
      %mul3A_804 = arith.mulf %get3A_773, %mul3A_803 : vector<16xf32>
      %sub3A_805 = arith.subf %mul3A_804, %get3A_773 : vector<16xf32>
      %sub3A_806 = arith.subf %mul3A_804, %sub3A_805 : vector<16xf32>
      %mul3A_807 = arith.constant -2.000000e+00 : f32
      %mul3A_808 = vector.broadcast %mul3A_807 : f32 to vector<16xf32>
      %mul3A_809 = arith.mulf %mul3A_808, %sub3A_806 : vector<16xf32>
      %add3A_810 = arith.constant 16 : i32
      %add3A_811 = arith.addi %mul3A_765, %add3A_810 : i32
      %swap3A_812 = arith.index_cast %add3A_811 : i32 to index
      %swap3A_813 = tpu.vector_load %arg7[%swap3A_812] {strides = array<i32>} : memref<32768xf32, #tpu.memory_space<vmem>>, vector<16xf32>,
      %swap3A_814 = vector.shape_cast %swap3A_813 : vector<16xf32> to vector<16xf32>
      %swap3A_815 = vector.shape_cast %mul3A_809 : vector<16xf32> to vector<16xf32>
      tpu.vector_store %arg7[%swap3A_812], %swap3A_815 {strides = array<i32>} : memref<32768xf32, #tpu.memory_space<vmem>>, vector<16xf32>,
      %mul3A_816 = arith.constant 6.553700e+04 : f32
      %mul3A_817 = vector.broadcast %mul3A_816 : f32 to vector<16xf32>
      %mul3A_818 = arith.mulf %get3A_778, %mul3A_817 : vector<16xf32>
      %sub3A_819 = arith.subf %mul3A_818, %get3A_778 : vector<16xf32>
      %sub3A_820 = arith.subf %mul3A_818, %sub3A_819 : vector<16xf32>
      %mul3A_821 = arith.constant -2.000000e+00 : f32
      %mul3A_822 = vector.broadcast %mul3A_821 : f32 to vector<16xf32>
      %mul3A_823 = arith.mulf %mul3A_822, %sub3A_820 : vector<16xf32>
      %add3A_824 = arith.constant 32 : i32
      %add3A_825 = arith.addi %mul3A_765, %add3A_824 : i32
      %swap3A_826 = arith.index_cast %add3A_825 : i32 to index
      %swap3A_827 = tpu.vector_load %arg7[%swap3A_826] {strides = array<i32>} : memref<32768xf32, #tpu.memory_space<vmem>>, vector<16xf32>,
      %swap3A_828 = vector.shape_cast %swap3A_827 : vector<16xf32> to vector<16xf32>
      %swap3A_829 = vector.shape_cast %mul3A_823 : vector<16xf32> to vector<16xf32>
      tpu.vector_store %arg7[%swap3A_826], %swap3A_829 {strides = array<i32>} : memref<32768xf32, #tpu.memory_space<vmem>>, vector<16xf32>,
      %scan3A_830 = arith.constant 0 : i32
      scf.yield %scan3A_830 : i32
    }
    %scan3A_505 = arith.constant 512 : i32
    %get3A_506 = arith.constant 0 : index
    %get3A_507 = tpu.vector_load %arg5[%get3A_506] {strides = array<i32>} : memref<192xf32, #tpu.memory_space<vmem>>, vector<16xf32>,
    %get3A_508 = vector.shape_cast %get3A_507 : vector<16xf32> to vector<16xf32>
    %get3A_509 = arith.constant 64 : index
    %get3A_510 = tpu.vector_load %arg5[%get3A_509] {strides = array<i32>} : memref<192xf32, #tpu.memory_space<vmem>>, vector<16xf32>,
    %get3A_511 = vector.shape_cast %get3A_510 : vector<16xf32> to vector<16xf32>
    %get3A_512 = arith.constant 128 : index
    %get3A_513 = tpu.vector_load %arg5[%get3A_512] {strides = array<i32>} : memref<192xf32, #tpu.memory_space<vmem>>, vector<16xf32>,
    %get3A_514 = vector.shape_cast %get3A_513 : vector<16xf32> to vector<16xf32>
    %get3A_515 = arith.constant 16 : index
    %get3A_516 = tpu.vector_load %arg5[%get3A_515] {strides = array<i32>} : memref<192xf32, #tpu.memory_space<vmem>>, vector<16xf32>,
    %get3A_517 = vector.shape_cast %get3A_516 : vector<16xf32> to vector<16xf32>
    %get3A_518 = arith.constant 80 : index
    %get3A_519 = tpu.vector_load %arg5[%get3A_518] {strides = array<i32>} : memref<192xf32, #tpu.memory_space<vmem>>, vector<16xf32>,
    %get3A_520 = vector.shape_cast %get3A_519 : vector<16xf32> to vector<16xf32>
    %get3A_521 = arith.constant 144 : index
    %get3A_522 = tpu.vector_load %arg5[%get3A_521] {strides = array<i32>} : memref<192xf32, #tpu.memory_space<vmem>>, vector<16xf32>,
    %get3A_523 = vector.shape_cast %get3A_522 : vector<16xf32> to vector<16xf32>
    %get3A_524 = arith.constant 32 : index
    %get3A_525 = tpu.vector_load %arg5[%get3A_524] {strides = array<i32>} : memref<192xf32, #tpu.memory_space<vmem>>, vector<16xf32>,
    %get3A_526 = vector.shape_cast %get3A_525 : vector<16xf32> to vector<16xf32>
    %get3A_527 = arith.constant 96 : index
    %get3A_528 = tpu.vector_load %arg5[%get3A_527] {strides = array<i32>} : memref<192xf32, #tpu.memory_space<vmem>>, vector<16xf32>,
    %get3A_529 = vector.shape_cast %get3A_528 : vector<16xf32> to vector<16xf32>
    %get3A_530 = arith.constant 160 : index
    %get3A_531 = tpu.vector_load %arg5[%get3A_530] {strides = array<i32>} : memref<192xf32, #tpu.memory_space<vmem>>, vector<16xf32>,
    %get3A_532 = vector.shape_cast %get3A_531 : vector<16xf32> to vector<16xf32>
    %get3A_533 = arith.constant 48 : index
    %get3A_534 = tpu.vector_load %arg5[%get3A_533] {strides = array<i32>} : memref<192xf32, #tpu.memory_space<vmem>>, vector<16xf32>,
    %get3A_535 = vector.shape_cast %get3A_534 : vector<16xf32> to vector<16xf32>
    %get3A_536 = arith.constant 112 : index
    %get3A_537 = tpu.vector_load %arg5[%get3A_536] {strides = array<i32>} : memref<192xf32, #tpu.memory_space<vmem>>, vector<16xf32>,
    %get3A_538 = vector.shape_cast %get3A_537 : vector<16xf32> to vector<16xf32>
    %get3A_539 = arith.constant 176 : index
    %get3A_540 = tpu.vector_load %arg5[%get3A_539] {strides = array<i32>} : memref<192xf32, #tpu.memory_space<vmem>>, vector<16xf32>,
    %get3A_541 = vector.shape_cast %get3A_540 : vector<16xf32> to vector<16xf32>
    %get3A_542 = arith.constant 0 : index
    %get3A_543 = tpu.vector_load %arg8[%get3A_542] {strides = array<i32>} : memref<64xf32, #tpu.memory_space<vmem>>, vector<16xf32>,
    %get3A_544 = vector.shape_cast %get3A_543 : vector<16xf32> to vector<16xf32>
    %get3A_545 = arith.constant 16 : index
    %get3A_546 = tpu.vector_load %arg8[%get3A_545] {strides = array<i32>} : memref<64xf32, #tpu.memory_space<vmem>>, vector<16xf32>,
    %get3A_547 = vector.shape_cast %get3A_546 : vector<16xf32> to vector<16xf32>
    %get3A_548 = arith.constant 32 : index
    %get3A_549 = tpu.vector_load %arg8[%get3A_548] {strides = array<i32>} : memref<64xf32, #tpu.memory_space<vmem>>, vector<16xf32>,
    %get3A_550 = vector.shape_cast %get3A_549 : vector<16xf32> to vector<16xf32>
    %get3A_551 = arith.constant 48 : index
    %get3A_552 = tpu.vector_load %arg8[%get3A_551] {strides = array<i32>} : memref<64xf32, #tpu.memory_space<vmem>>, vector<16xf32>,
    %get3A_553 = vector.shape_cast %get3A_552 : vector<16xf32> to vector<16xf32>
    %scan3A_554 = arith.constant 0 : i32
    %scan3A_555 = arith.constant 512 : i32
    %scan3A_556 = arith.addi %scan3A_554, %scan3A_555 : i32
    %scan3A_557 = arith.constant 1 : i32
    %scan3A_558:4 = scf.for %scan3A_756 = %scan3A_554 to %scan3A_556 step %scan3A_557 iter_args(%scan3A_757 = %get3A_544, %scan3A_758 = %get3A_547, %scan3A_759 = %get3A_550, %scan3A_760 = %get3A_553) -> (vector<16xf32>, vector<16xf32>, vector<16xf32>, vector<16xf32>)  : i32 {
      %mul3A_761 = arith.constant 4 : i32
      %mul3A_762 = arith.muli %scan3A_756, %mul3A_761 : i32
      %mul3A_763 = arith.constant 16 : i32
      %mul3A_764 = arith.muli %mul3A_762, %mul3A_763 : i32
      %get3A_765 = arith.index_cast %mul3A_764 : i32 to index
      %get3A_766 = tpu.vector_load %arg7[%get3A_765] {strides = array<i32>} : memref<32768xf32, #tpu.memory_space<vmem>>, vector<16xf32>,
      %get3A_767 = vector.shape_cast %get3A_766 : vector<16xf32> to vector<16xf32>
      %add3A_768 = arith.constant 16 : i32
      %add3A_769 = arith.addi %mul3A_764, %add3A_768 : i32
      %get3A_770 = arith.index_cast %add3A_769 : i32 to index
      %get3A_771 = tpu.vector_load %arg7[%get3A_770] {strides = array<i32>} : memref<32768xf32, #tpu.memory_space<vmem>>, vector<16xf32>,
      %get3A_772 = vector.shape_cast %get3A_771 : vector<16xf32> to vector<16xf32>
      %add3A_773 = arith.constant 32 : i32
      %add3A_774 = arith.addi %mul3A_764, %add3A_773 : i32
      %get3A_775 = arith.index_cast %add3A_774 : i32 to index
      %get3A_776 = tpu.vector_load %arg7[%get3A_775] {strides = array<i32>} : memref<32768xf32, #tpu.memory_space<vmem>>, vector<16xf32>,
      %get3A_777 = vector.shape_cast %get3A_776 : vector<16xf32> to vector<16xf32>
      %add3A_778 = arith.constant 48 : i32
      %add3A_779 = arith.addi %mul3A_764, %add3A_778 : i32
      %get3A_780 = arith.index_cast %add3A_779 : i32 to index
      %get3A_781 = tpu.vector_load %arg7[%get3A_780] {strides = array<i32>} : memref<32768xf32, #tpu.memory_space<vmem>>, vector<16xf32>,
      %get3A_782 = vector.shape_cast %get3A_781 : vector<16xf32> to vector<16xf32>
      %mul3A_783 = arith.mulf %get3A_767, %get3A_508 : vector<16xf32>
      %add3A_784 = arith.addf %get3A_782, %mul3A_783 : vector<16xf32>
      %mul3A_785 = arith.mulf %get3A_772, %get3A_511 : vector<16xf32>
      %add3A_786 = arith.addf %add3A_784, %mul3A_785 : vector<16xf32>
      %mul3A_787 = arith.mulf %get3A_777, %get3A_514 : vector<16xf32>
      %add3A_788 = arith.addf %add3A_786, %mul3A_787 : vector<16xf32>
      %min3A = arith.minimumf %scan3A_757, %add3A_788 : vector<16xf32>
      %mul3A_789 = arith.mulf %get3A_767, %get3A_517 : vector<16xf32>
      %add3A_790 = arith.addf %get3A_782, %mul3A_789 : vector<16xf32>
      %mul3A_791 = arith.mulf %get3A_772, %get3A_520 : vector<16xf32>
      %add3A_792 = arith.addf %add3A_790, %mul3A_791 : vector<16xf32>
      %mul3A_793 = arith.mulf %get3A_777, %get3A_523 : vector<16xf32>
      %add3A_794 = arith.addf %add3A_792, %mul3A_793 : vector<16xf32>
      %min3A_795 = arith.minimumf %scan3A_758, %add3A_794 : vector<16xf32>
      %mul3A_796 = arith.mulf %get3A_767, %get3A_526 : vector<16xf32>
      %add3A_797 = arith.addf %get3A_782, %mul3A_796 : vector<16xf32>
      %mul3A_798 = arith.mulf %get3A_772, %get3A_529 : vector<16xf32>
      %add3A_799 = arith.addf %add3A_797, %mul3A_798 : vector<16xf32>
      %mul3A_800 = arith.mulf %get3A_777, %get3A_532 : vector<16xf32>
      %add3A_801 = arith.addf %add3A_799, %mul3A_800 : vector<16xf32>
      %min3A_802 = arith.minimumf %scan3A_759, %add3A_801 : vector<16xf32>
      %mul3A_803 = arith.mulf %get3A_767, %get3A_535 : vector<16xf32>
      %add3A_804 = arith.addf %get3A_782, %mul3A_803 : vector<16xf32>
      %mul3A_805 = arith.mulf %get3A_772, %get3A_538 : vector<16xf32>
      %add3A_806 = arith.addf %add3A_804, %mul3A_805 : vector<16xf32>
      %mul3A_807 = arith.mulf %get3A_777, %get3A_541 : vector<16xf32>
      %add3A_808 = arith.addf %add3A_806, %mul3A_807 : vector<16xf32>
      %min3A_809 = arith.minimumf %scan3A_760, %add3A_808 : vector<16xf32>
      scf.yield %min3A, %min3A_795, %min3A_802, %min3A_809 : vector<16xf32>, vector<16xf32>, vector<16xf32>, vector<16xf32>
    }
    %scan3A_559 = arith.constant 512 : i32
    %swap3A_560 = arith.constant 0 : index
    %swap3A_561 = tpu.vector_load %arg8[%swap3A_560] {strides = array<i32>} : memref<64xf32, #tpu.memory_space<vmem>>, vector<16xf32>,
    %swap3A_562 = vector.shape_cast %swap3A_561 : vector<16xf32> to vector<16xf32>
    %swap3A_563 = vector.shape_cast %scan3A_558#0 : vector<16xf32> to vector<16xf32>
    tpu.vector_store %arg8[%swap3A_560], %swap3A_563 {strides = array<i32>} : memref<64xf32, #tpu.memory_space<vmem>>, vector<16xf32>,
    %swap3A_564 = arith.constant 16 : index
    %swap3A_565 = tpu.vector_load %arg8[%swap3A_564] {strides = array<i32>} : memref<64xf32, #tpu.memory_space<vmem>>, vector<16xf32>,
    %swap3A_566 = vector.shape_cast %swap3A_565 : vector<16xf32> to vector<16xf32>
    %swap3A_567 = vector.shape_cast %scan3A_558#1 : vector<16xf32> to vector<16xf32>
    tpu.vector_store %arg8[%swap3A_564], %swap3A_567 {strides = array<i32>} : memref<64xf32, #tpu.memory_space<vmem>>, vector<16xf32>,
    %swap3A_568 = arith.constant 32 : index
    %swap3A_569 = tpu.vector_load %arg8[%swap3A_568] {strides = array<i32>} : memref<64xf32, #tpu.memory_space<vmem>>, vector<16xf32>,
    %swap3A_570 = vector.shape_cast %swap3A_569 : vector<16xf32> to vector<16xf32>
    %swap3A_571 = vector.shape_cast %scan3A_558#2 : vector<16xf32> to vector<16xf32>
    tpu.vector_store %arg8[%swap3A_568], %swap3A_571 {strides = array<i32>} : memref<64xf32, #tpu.memory_space<vmem>>, vector<16xf32>,
    %swap3A_572 = arith.constant 48 : index
    %swap3A_573 = tpu.vector_load %arg8[%swap3A_572] {strides = array<i32>} : memref<64xf32, #tpu.memory_space<vmem>>, vector<16xf32>,
    %swap3A_574 = vector.shape_cast %swap3A_573 : vector<16xf32> to vector<16xf32>
    %swap3A_575 = vector.shape_cast %scan3A_558#3 : vector<16xf32> to vector<16xf32>
    tpu.vector_store %arg8[%swap3A_572], %swap3A_575 {strides = array<i32>} : memref<64xf32, #tpu.memory_space<vmem>>, vector<16xf32>,
    %mul3A_576 = arith.constant 4096 : i32
    %mul3A_577 = arith.muli %select_n3A, %mul3A_576 : i32
    %add3A_578 = arith.constant 3072 : i32
    %add3A_579 = arith.addi %mul3A_577, %add3A_578 : i32
    %mul3A_580 = arith.constant 3 : i32
    %mul3A_581 = arith.muli %add3A_579, %mul3A_580 : i32
    %mul3A_582 = arith.constant 16 : i32
    %mul3A_583 = arith.muli %mul3A_581, %mul3A_582 : i32
    "tpu.region"() ({
      %run_scoped3A = tpu.sem_alloc : memref<!tpu.dma_semaphore, #tpu.memory_space<semaphore_mem>>
      %dma_start3A = tpu.memref_slice %arg2[%mul3A_583] : memref<786432xf32, #tpu.memory_space<hbm>> -> memref<24576xf32, #tpu.memory_space<hbm>>
      %dma_start3A_756 = tpu.memref_slice %arg2[%mul3A_583] : memref<786432xf32, #tpu.memory_space<hbm>> -> memref<24576xf32, #tpu.memory_space<hbm>>
      tpu.enqueue_dma source(%dma_start3A_756 : memref<24576xf32, #tpu.memory_space<hbm>>) target(%arg6 : memref<24576xf32, #tpu.memory_space<vmem>>) target_semaphore(%run_scoped3A : memref<!tpu.dma_semaphore, #tpu.memory_space<semaphore_mem>>)
      %dma_wait3A = tpu.memref_slice %arg2[%mul3A_583] : memref<786432xf32, #tpu.memory_space<hbm>> -> memref<24576xf32, #tpu.memory_space<hbm>>
      %dma_wait3A_757 = tpu.memref_slice %arg2[%mul3A_583] : memref<786432xf32, #tpu.memory_space<hbm>> -> memref<24576xf32, #tpu.memory_space<hbm>>
      tpu.wait_dma2 semaphore(%run_scoped3A : memref<!tpu.dma_semaphore, #tpu.memory_space<semaphore_mem>>) src(%dma_wait3A_757 : memref<24576xf32, #tpu.memory_space<hbm>>) dst(%arg6 : memref<24576xf32, #tpu.memory_space<vmem>>)
      tpu.yield
    }) : () -> ()
    %scan3A_584 = arith.constant 0 : i32
    %scan3A_585 = arith.constant 0 : i32
    %scan3A_586 = arith.constant 512 : i32
    %scan3A_587 = arith.addi %scan3A_585, %scan3A_586 : i32
    %scan3A_588 = arith.constant 1 : i32
    %scan3A_589 = scf.for %scan3A_756 = %scan3A_585 to %scan3A_587 step %scan3A_588 iter_args(%scan3A_757 = %scan3A_584) -> (i32)  : i32 {
      %mul3A_758 = arith.constant 3 : i32
      %mul3A_759 = arith.muli %scan3A_756, %mul3A_758 : i32
      %mul3A_760 = arith.constant 16 : i32
      %mul3A_761 = arith.muli %mul3A_759, %mul3A_760 : i32
      %mul3A_762 = arith.constant 4 : i32
      %mul3A_763 = arith.muli %scan3A_756, %mul3A_762 : i32
      %mul3A_764 = arith.constant 16 : i32
      %mul3A_765 = arith.muli %mul3A_763, %mul3A_764 : i32
      %get3A_766 = arith.index_cast %mul3A_761 : i32 to index
      %get3A_767 = tpu.vector_load %arg6[%get3A_766] {strides = array<i32>} : memref<24576xf32, #tpu.memory_space<vmem>>, vector<16xf32>,
      %get3A_768 = vector.shape_cast %get3A_767 : vector<16xf32> to vector<16xf32>
      %add3A_769 = arith.constant 16 : i32
      %add3A_770 = arith.addi %mul3A_761, %add3A_769 : i32
      %get3A_771 = arith.index_cast %add3A_770 : i32 to index
      %get3A_772 = tpu.vector_load %arg6[%get3A_771] {strides = array<i32>} : memref<24576xf32, #tpu.memory_space<vmem>>, vector<16xf32>,
      %get3A_773 = vector.shape_cast %get3A_772 : vector<16xf32> to vector<16xf32>
      %add3A_774 = arith.constant 32 : i32
      %add3A_775 = arith.addi %mul3A_761, %add3A_774 : i32
      %get3A_776 = arith.index_cast %add3A_775 : i32 to index
      %get3A_777 = tpu.vector_load %arg6[%get3A_776] {strides = array<i32>} : memref<24576xf32, #tpu.memory_space<vmem>>, vector<16xf32>,
      %get3A_778 = vector.shape_cast %get3A_777 : vector<16xf32> to vector<16xf32>
      %mul3A_779 = arith.mulf %get3A_768, %get3A_768 : vector<16xf32>
      %mul3A_780 = arith.mulf %get3A_773, %get3A_773 : vector<16xf32>
      %add3A_781 = arith.addf %mul3A_779, %mul3A_780 : vector<16xf32>
      %mul3A_782 = arith.mulf %get3A_778, %get3A_778 : vector<16xf32>
      %add3A_783 = arith.addf %add3A_781, %mul3A_782 : vector<16xf32>
      %add3A_784 = arith.constant 48 : i32
      %add3A_785 = arith.addi %mul3A_765, %add3A_784 : i32
      %swap3A_786 = arith.index_cast %add3A_785 : i32 to index
      %swap3A_787 = tpu.vector_load %arg7[%swap3A_786] {strides = array<i32>} : memref<32768xf32, #tpu.memory_space<vmem>>, vector<16xf32>,
      %swap3A_788 = vector.shape_cast %swap3A_787 : vector<16xf32> to vector<16xf32>
      %swap3A_789 = vector.shape_cast %add3A_783 : vector<16xf32> to vector<16xf32>
      tpu.vector_store %arg7[%swap3A_786], %swap3A_789 {strides = array<i32>} : memref<32768xf32, #tpu.memory_space<vmem>>, vector<16xf32>,
      %mul3A_790 = arith.constant 6.553700e+04 : f32
      %mul3A_791 = vector.broadcast %mul3A_790 : f32 to vector<16xf32>
      %mul3A_792 = arith.mulf %get3A_768, %mul3A_791 : vector<16xf32>
      %sub3A_793 = arith.subf %mul3A_792, %get3A_768 : vector<16xf32>
      %sub3A_794 = arith.subf %mul3A_792, %sub3A_793 : vector<16xf32>
      %mul3A_795 = arith.constant -2.000000e+00 : f32
      %mul3A_796 = vector.broadcast %mul3A_795 : f32 to vector<16xf32>
      %mul3A_797 = arith.mulf %mul3A_796, %sub3A_794 : vector<16xf32>
      %swap3A_798 = arith.index_cast %mul3A_765 : i32 to index
      %swap3A_799 = tpu.vector_load %arg7[%swap3A_798] {strides = array<i32>} : memref<32768xf32, #tpu.memory_space<vmem>>, vector<16xf32>,
      %swap3A_800 = vector.shape_cast %swap3A_799 : vector<16xf32> to vector<16xf32>
      %swap3A_801 = vector.shape_cast %mul3A_797 : vector<16xf32> to vector<16xf32>
      tpu.vector_store %arg7[%swap3A_798], %swap3A_801 {strides = array<i32>} : memref<32768xf32, #tpu.memory_space<vmem>>, vector<16xf32>,
      %mul3A_802 = arith.constant 6.553700e+04 : f32
      %mul3A_803 = vector.broadcast %mul3A_802 : f32 to vector<16xf32>
      %mul3A_804 = arith.mulf %get3A_773, %mul3A_803 : vector<16xf32>
      %sub3A_805 = arith.subf %mul3A_804, %get3A_773 : vector<16xf32>
      %sub3A_806 = arith.subf %mul3A_804, %sub3A_805 : vector<16xf32>
      %mul3A_807 = arith.constant -2.000000e+00 : f32
      %mul3A_808 = vector.broadcast %mul3A_807 : f32 to vector<16xf32>
      %mul3A_809 = arith.mulf %mul3A_808, %sub3A_806 : vector<16xf32>
      %add3A_810 = arith.constant 16 : i32
      %add3A_811 = arith.addi %mul3A_765, %add3A_810 : i32
      %swap3A_812 = arith.index_cast %add3A_811 : i32 to index
      %swap3A_813 = tpu.vector_load %arg7[%swap3A_812] {strides = array<i32>} : memref<32768xf32, #tpu.memory_space<vmem>>, vector<16xf32>,
      %swap3A_814 = vector.shape_cast %swap3A_813 : vector<16xf32> to vector<16xf32>
      %swap3A_815 = vector.shape_cast %mul3A_809 : vector<16xf32> to vector<16xf32>
      tpu.vector_store %arg7[%swap3A_812], %swap3A_815 {strides = array<i32>} : memref<32768xf32, #tpu.memory_space<vmem>>, vector<16xf32>,
      %mul3A_816 = arith.constant 6.553700e+04 : f32
      %mul3A_817 = vector.broadcast %mul3A_816 : f32 to vector<16xf32>
      %mul3A_818 = arith.mulf %get3A_778, %mul3A_817 : vector<16xf32>
      %sub3A_819 = arith.subf %mul3A_818, %get3A_778 : vector<16xf32>
      %sub3A_820 = arith.subf %mul3A_818, %sub3A_819 : vector<16xf32>
      %mul3A_821 = arith.constant -2.000000e+00 : f32
      %mul3A_822 = vector.broadcast %mul3A_821 : f32 to vector<16xf32>
      %mul3A_823 = arith.mulf %mul3A_822, %sub3A_820 : vector<16xf32>
      %add3A_824 = arith.constant 32 : i32
      %add3A_825 = arith.addi %mul3A_765, %add3A_824 : i32
      %swap3A_826 = arith.index_cast %add3A_825 : i32 to index
      %swap3A_827 = tpu.vector_load %arg7[%swap3A_826] {strides = array<i32>} : memref<32768xf32, #tpu.memory_space<vmem>>, vector<16xf32>,
      %swap3A_828 = vector.shape_cast %swap3A_827 : vector<16xf32> to vector<16xf32>
      %swap3A_829 = vector.shape_cast %mul3A_823 : vector<16xf32> to vector<16xf32>
      tpu.vector_store %arg7[%swap3A_826], %swap3A_829 {strides = array<i32>} : memref<32768xf32, #tpu.memory_space<vmem>>, vector<16xf32>,
      %scan3A_830 = arith.constant 0 : i32
      scf.yield %scan3A_830 : i32
    }
    %scan3A_590 = arith.constant 512 : i32
    %get3A_591 = arith.constant 0 : index
    %get3A_592 = tpu.vector_load %arg5[%get3A_591] {strides = array<i32>} : memref<192xf32, #tpu.memory_space<vmem>>, vector<16xf32>,
    %get3A_593 = vector.shape_cast %get3A_592 : vector<16xf32> to vector<16xf32>
    %get3A_594 = arith.constant 64 : index
    %get3A_595 = tpu.vector_load %arg5[%get3A_594] {strides = array<i32>} : memref<192xf32, #tpu.memory_space<vmem>>, vector<16xf32>,
    %get3A_596 = vector.shape_cast %get3A_595 : vector<16xf32> to vector<16xf32>
    %get3A_597 = arith.constant 128 : index
    %get3A_598 = tpu.vector_load %arg5[%get3A_597] {strides = array<i32>} : memref<192xf32, #tpu.memory_space<vmem>>, vector<16xf32>,
    %get3A_599 = vector.shape_cast %get3A_598 : vector<16xf32> to vector<16xf32>
    %get3A_600 = arith.constant 16 : index
    %get3A_601 = tpu.vector_load %arg5[%get3A_600] {strides = array<i32>} : memref<192xf32, #tpu.memory_space<vmem>>, vector<16xf32>,
    %get3A_602 = vector.shape_cast %get3A_601 : vector<16xf32> to vector<16xf32>
    %get3A_603 = arith.constant 80 : index
    %get3A_604 = tpu.vector_load %arg5[%get3A_603] {strides = array<i32>} : memref<192xf32, #tpu.memory_space<vmem>>, vector<16xf32>,
    %get3A_605 = vector.shape_cast %get3A_604 : vector<16xf32> to vector<16xf32>
    %get3A_606 = arith.constant 144 : index
    %get3A_607 = tpu.vector_load %arg5[%get3A_606] {strides = array<i32>} : memref<192xf32, #tpu.memory_space<vmem>>, vector<16xf32>,
    %get3A_608 = vector.shape_cast %get3A_607 : vector<16xf32> to vector<16xf32>
    %get3A_609 = arith.constant 32 : index
    %get3A_610 = tpu.vector_load %arg5[%get3A_609] {strides = array<i32>} : memref<192xf32, #tpu.memory_space<vmem>>, vector<16xf32>,
    %get3A_611 = vector.shape_cast %get3A_610 : vector<16xf32> to vector<16xf32>
    %get3A_612 = arith.constant 96 : index
    %get3A_613 = tpu.vector_load %arg5[%get3A_612] {strides = array<i32>} : memref<192xf32, #tpu.memory_space<vmem>>, vector<16xf32>,
    %get3A_614 = vector.shape_cast %get3A_613 : vector<16xf32> to vector<16xf32>
    %get3A_615 = arith.constant 160 : index
    %get3A_616 = tpu.vector_load %arg5[%get3A_615] {strides = array<i32>} : memref<192xf32, #tpu.memory_space<vmem>>, vector<16xf32>,
    %get3A_617 = vector.shape_cast %get3A_616 : vector<16xf32> to vector<16xf32>
    %get3A_618 = arith.constant 48 : index
    %get3A_619 = tpu.vector_load %arg5[%get3A_618] {strides = array<i32>} : memref<192xf32, #tpu.memory_space<vmem>>, vector<16xf32>,
    %get3A_620 = vector.shape_cast %get3A_619 : vector<16xf32> to vector<16xf32>
    %get3A_621 = arith.constant 112 : index
    %get3A_622 = tpu.vector_load %arg5[%get3A_621] {strides = array<i32>} : memref<192xf32, #tpu.memory_space<vmem>>, vector<16xf32>,
    %get3A_623 = vector.shape_cast %get3A_622 : vector<16xf32> to vector<16xf32>
    %get3A_624 = arith.constant 176 : index
    %get3A_625 = tpu.vector_load %arg5[%get3A_624] {strides = array<i32>} : memref<192xf32, #tpu.memory_space<vmem>>, vector<16xf32>,
    %get3A_626 = vector.shape_cast %get3A_625 : vector<16xf32> to vector<16xf32>
    %get3A_627 = arith.constant 0 : index
    %get3A_628 = tpu.vector_load %arg8[%get3A_627] {strides = array<i32>} : memref<64xf32, #tpu.memory_space<vmem>>, vector<16xf32>,
    %get3A_629 = vector.shape_cast %get3A_628 : vector<16xf32> to vector<16xf32>
    %get3A_630 = arith.constant 16 : index
    %get3A_631 = tpu.vector_load %arg8[%get3A_630] {strides = array<i32>} : memref<64xf32, #tpu.memory_space<vmem>>, vector<16xf32>,
    %get3A_632 = vector.shape_cast %get3A_631 : vector<16xf32> to vector<16xf32>
    %get3A_633 = arith.constant 32 : index
    %get3A_634 = tpu.vector_load %arg8[%get3A_633] {strides = array<i32>} : memref<64xf32, #tpu.memory_space<vmem>>, vector<16xf32>,
    %get3A_635 = vector.shape_cast %get3A_634 : vector<16xf32> to vector<16xf32>
    %get3A_636 = arith.constant 48 : index
    %get3A_637 = tpu.vector_load %arg8[%get3A_636] {strides = array<i32>} : memref<64xf32, #tpu.memory_space<vmem>>, vector<16xf32>,
    %get3A_638 = vector.shape_cast %get3A_637 : vector<16xf32> to vector<16xf32>
    %scan3A_639 = arith.constant 0 : i32
    %scan3A_640 = arith.constant 512 : i32
    %scan3A_641 = arith.addi %scan3A_639, %scan3A_640 : i32
    %scan3A_642 = arith.constant 1 : i32
    %scan3A_643:4 = scf.for %scan3A_756 = %scan3A_639 to %scan3A_641 step %scan3A_642 iter_args(%scan3A_757 = %get3A_629, %scan3A_758 = %get3A_632, %scan3A_759 = %get3A_635, %scan3A_760 = %get3A_638) -> (vector<16xf32>, vector<16xf32>, vector<16xf32>, vector<16xf32>)  : i32 {
      %mul3A_761 = arith.constant 4 : i32
      %mul3A_762 = arith.muli %scan3A_756, %mul3A_761 : i32
      %mul3A_763 = arith.constant 16 : i32
      %mul3A_764 = arith.muli %mul3A_762, %mul3A_763 : i32
      %get3A_765 = arith.index_cast %mul3A_764 : i32 to index
      %get3A_766 = tpu.vector_load %arg7[%get3A_765] {strides = array<i32>} : memref<32768xf32, #tpu.memory_space<vmem>>, vector<16xf32>,
      %get3A_767 = vector.shape_cast %get3A_766 : vector<16xf32> to vector<16xf32>
      %add3A_768 = arith.constant 16 : i32
      %add3A_769 = arith.addi %mul3A_764, %add3A_768 : i32
      %get3A_770 = arith.index_cast %add3A_769 : i32 to index
      %get3A_771 = tpu.vector_load %arg7[%get3A_770] {strides = array<i32>} : memref<32768xf32, #tpu.memory_space<vmem>>, vector<16xf32>,
      %get3A_772 = vector.shape_cast %get3A_771 : vector<16xf32> to vector<16xf32>
      %add3A_773 = arith.constant 32 : i32
      %add3A_774 = arith.addi %mul3A_764, %add3A_773 : i32
      %get3A_775 = arith.index_cast %add3A_774 : i32 to index
      %get3A_776 = tpu.vector_load %arg7[%get3A_775] {strides = array<i32>} : memref<32768xf32, #tpu.memory_space<vmem>>, vector<16xf32>,
      %get3A_777 = vector.shape_cast %get3A_776 : vector<16xf32> to vector<16xf32>
      %add3A_778 = arith.constant 48 : i32
      %add3A_779 = arith.addi %mul3A_764, %add3A_778 : i32
      %get3A_780 = arith.index_cast %add3A_779 : i32 to index
      %get3A_781 = tpu.vector_load %arg7[%get3A_780] {strides = array<i32>} : memref<32768xf32, #tpu.memory_space<vmem>>, vector<16xf32>,
      %get3A_782 = vector.shape_cast %get3A_781 : vector<16xf32> to vector<16xf32>
      %mul3A_783 = arith.mulf %get3A_767, %get3A_593 : vector<16xf32>
      %add3A_784 = arith.addf %get3A_782, %mul3A_783 : vector<16xf32>
      %mul3A_785 = arith.mulf %get3A_772, %get3A_596 : vector<16xf32>
      %add3A_786 = arith.addf %add3A_784, %mul3A_785 : vector<16xf32>
      %mul3A_787 = arith.mulf %get3A_777, %get3A_599 : vector<16xf32>
      %add3A_788 = arith.addf %add3A_786, %mul3A_787 : vector<16xf32>
      %min3A = arith.minimumf %scan3A_757, %add3A_788 : vector<16xf32>
      %mul3A_789 = arith.mulf %get3A_767, %get3A_602 : vector<16xf32>
      %add3A_790 = arith.addf %get3A_782, %mul3A_789 : vector<16xf32>
      %mul3A_791 = arith.mulf %get3A_772, %get3A_605 : vector<16xf32>
      %add3A_792 = arith.addf %add3A_790, %mul3A_791 : vector<16xf32>
      %mul3A_793 = arith.mulf %get3A_777, %get3A_608 : vector<16xf32>
      %add3A_794 = arith.addf %add3A_792, %mul3A_793 : vector<16xf32>
      %min3A_795 = arith.minimumf %scan3A_758, %add3A_794 : vector<16xf32>
      %mul3A_796 = arith.mulf %get3A_767, %get3A_611 : vector<16xf32>
      %add3A_797 = arith.addf %get3A_782, %mul3A_796 : vector<16xf32>
      %mul3A_798 = arith.mulf %get3A_772, %get3A_614 : vector<16xf32>
      %add3A_799 = arith.addf %add3A_797, %mul3A_798 : vector<16xf32>
      %mul3A_800 = arith.mulf %get3A_777, %get3A_617 : vector<16xf32>
      %add3A_801 = arith.addf %add3A_799, %mul3A_800 : vector<16xf32>
      %min3A_802 = arith.minimumf %scan3A_759, %add3A_801 : vector<16xf32>
      %mul3A_803 = arith.mulf %get3A_767, %get3A_620 : vector<16xf32>
      %add3A_804 = arith.addf %get3A_782, %mul3A_803 : vector<16xf32>
      %mul3A_805 = arith.mulf %get3A_772, %get3A_623 : vector<16xf32>
      %add3A_806 = arith.addf %add3A_804, %mul3A_805 : vector<16xf32>
      %mul3A_807 = arith.mulf %get3A_777, %get3A_626 : vector<16xf32>
      %add3A_808 = arith.addf %add3A_806, %mul3A_807 : vector<16xf32>
      %min3A_809 = arith.minimumf %scan3A_760, %add3A_808 : vector<16xf32>
      scf.yield %min3A, %min3A_795, %min3A_802, %min3A_809 : vector<16xf32>, vector<16xf32>, vector<16xf32>, vector<16xf32>
    }
    %scan3A_644 = arith.constant 512 : i32
    %swap3A_645 = arith.constant 0 : index
    %swap3A_646 = tpu.vector_load %arg8[%swap3A_645] {strides = array<i32>} : memref<64xf32, #tpu.memory_space<vmem>>, vector<16xf32>,
    %swap3A_647 = vector.shape_cast %swap3A_646 : vector<16xf32> to vector<16xf32>
    %swap3A_648 = vector.shape_cast %scan3A_643#0 : vector<16xf32> to vector<16xf32>
    tpu.vector_store %arg8[%swap3A_645], %swap3A_648 {strides = array<i32>} : memref<64xf32, #tpu.memory_space<vmem>>, vector<16xf32>,
    %swap3A_649 = arith.constant 16 : index
    %swap3A_650 = tpu.vector_load %arg8[%swap3A_649] {strides = array<i32>} : memref<64xf32, #tpu.memory_space<vmem>>, vector<16xf32>,
    %swap3A_651 = vector.shape_cast %swap3A_650 : vector<16xf32> to vector<16xf32>
    %swap3A_652 = vector.shape_cast %scan3A_643#1 : vector<16xf32> to vector<16xf32>
    tpu.vector_store %arg8[%swap3A_649], %swap3A_652 {strides = array<i32>} : memref<64xf32, #tpu.memory_space<vmem>>, vector<16xf32>,
    %swap3A_653 = arith.constant 32 : index
    %swap3A_654 = tpu.vector_load %arg8[%swap3A_653] {strides = array<i32>} : memref<64xf32, #tpu.memory_space<vmem>>, vector<16xf32>,
    %swap3A_655 = vector.shape_cast %swap3A_654 : vector<16xf32> to vector<16xf32>
    %swap3A_656 = vector.shape_cast %scan3A_643#2 : vector<16xf32> to vector<16xf32>
    tpu.vector_store %arg8[%swap3A_653], %swap3A_656 {strides = array<i32>} : memref<64xf32, #tpu.memory_space<vmem>>, vector<16xf32>,
    %swap3A_657 = arith.constant 48 : index
    %swap3A_658 = tpu.vector_load %arg8[%swap3A_657] {strides = array<i32>} : memref<64xf32, #tpu.memory_space<vmem>>, vector<16xf32>,
    %swap3A_659 = vector.shape_cast %swap3A_658 : vector<16xf32> to vector<16xf32>
    %swap3A_660 = vector.shape_cast %scan3A_643#3 : vector<16xf32> to vector<16xf32>
    tpu.vector_store %arg8[%swap3A_657], %swap3A_660 {strides = array<i32>} : memref<64xf32, #tpu.memory_space<vmem>>, vector<16xf32>,
    %mul3A_661 = arith.constant 4096 : i32
    %mul3A_662 = arith.muli %select_n3A, %mul3A_661 : i32
    %add3A_663 = arith.constant 3584 : i32
    %add3A_664 = arith.addi %mul3A_662, %add3A_663 : i32
    %mul3A_665 = arith.constant 3 : i32
    %mul3A_666 = arith.muli %add3A_664, %mul3A_665 : i32
    %mul3A_667 = arith.constant 16 : i32
    %mul3A_668 = arith.muli %mul3A_666, %mul3A_667 : i32
    "tpu.region"() ({
      %run_scoped3A = tpu.sem_alloc : memref<!tpu.dma_semaphore, #tpu.memory_space<semaphore_mem>>
      %dma_start3A = tpu.memref_slice %arg2[%mul3A_668] : memref<786432xf32, #tpu.memory_space<hbm>> -> memref<24576xf32, #tpu.memory_space<hbm>>
      %dma_start3A_756 = tpu.memref_slice %arg2[%mul3A_668] : memref<786432xf32, #tpu.memory_space<hbm>> -> memref<24576xf32, #tpu.memory_space<hbm>>
      tpu.enqueue_dma source(%dma_start3A_756 : memref<24576xf32, #tpu.memory_space<hbm>>) target(%arg6 : memref<24576xf32, #tpu.memory_space<vmem>>) target_semaphore(%run_scoped3A : memref<!tpu.dma_semaphore, #tpu.memory_space<semaphore_mem>>)
      %dma_wait3A = tpu.memref_slice %arg2[%mul3A_668] : memref<786432xf32, #tpu.memory_space<hbm>> -> memref<24576xf32, #tpu.memory_space<hbm>>
      %dma_wait3A_757 = tpu.memref_slice %arg2[%mul3A_668] : memref<786432xf32, #tpu.memory_space<hbm>> -> memref<24576xf32, #tpu.memory_space<hbm>>
      tpu.wait_dma2 semaphore(%run_scoped3A : memref<!tpu.dma_semaphore, #tpu.memory_space<semaphore_mem>>) src(%dma_wait3A_757 : memref<24576xf32, #tpu.memory_space<hbm>>) dst(%arg6 : memref<24576xf32, #tpu.memory_space<vmem>>)
      tpu.yield
    }) : () -> ()
    %scan3A_669 = arith.constant 0 : i32
    %scan3A_670 = arith.constant 0 : i32
    %scan3A_671 = arith.constant 512 : i32
    %scan3A_672 = arith.addi %scan3A_670, %scan3A_671 : i32
    %scan3A_673 = arith.constant 1 : i32
    %scan3A_674 = scf.for %scan3A_756 = %scan3A_670 to %scan3A_672 step %scan3A_673 iter_args(%scan3A_757 = %scan3A_669) -> (i32)  : i32 {
      %mul3A_758 = arith.constant 3 : i32
      %mul3A_759 = arith.muli %scan3A_756, %mul3A_758 : i32
      %mul3A_760 = arith.constant 16 : i32
      %mul3A_761 = arith.muli %mul3A_759, %mul3A_760 : i32
      %mul3A_762 = arith.constant 4 : i32
      %mul3A_763 = arith.muli %scan3A_756, %mul3A_762 : i32
      %mul3A_764 = arith.constant 16 : i32
      %mul3A_765 = arith.muli %mul3A_763, %mul3A_764 : i32
      %get3A_766 = arith.index_cast %mul3A_761 : i32 to index
      %get3A_767 = tpu.vector_load %arg6[%get3A_766] {strides = array<i32>} : memref<24576xf32, #tpu.memory_space<vmem>>, vector<16xf32>,
      %get3A_768 = vector.shape_cast %get3A_767 : vector<16xf32> to vector<16xf32>
      %add3A_769 = arith.constant 16 : i32
      %add3A_770 = arith.addi %mul3A_761, %add3A_769 : i32
      %get3A_771 = arith.index_cast %add3A_770 : i32 to index
      %get3A_772 = tpu.vector_load %arg6[%get3A_771] {strides = array<i32>} : memref<24576xf32, #tpu.memory_space<vmem>>, vector<16xf32>,
      %get3A_773 = vector.shape_cast %get3A_772 : vector<16xf32> to vector<16xf32>
      %add3A_774 = arith.constant 32 : i32
      %add3A_775 = arith.addi %mul3A_761, %add3A_774 : i32
      %get3A_776 = arith.index_cast %add3A_775 : i32 to index
      %get3A_777 = tpu.vector_load %arg6[%get3A_776] {strides = array<i32>} : memref<24576xf32, #tpu.memory_space<vmem>>, vector<16xf32>,
      %get3A_778 = vector.shape_cast %get3A_777 : vector<16xf32> to vector<16xf32>
      %mul3A_779 = arith.mulf %get3A_768, %get3A_768 : vector<16xf32>
      %mul3A_780 = arith.mulf %get3A_773, %get3A_773 : vector<16xf32>
      %add3A_781 = arith.addf %mul3A_779, %mul3A_780 : vector<16xf32>
      %mul3A_782 = arith.mulf %get3A_778, %get3A_778 : vector<16xf32>
      %add3A_783 = arith.addf %add3A_781, %mul3A_782 : vector<16xf32>
      %add3A_784 = arith.constant 48 : i32
      %add3A_785 = arith.addi %mul3A_765, %add3A_784 : i32
      %swap3A_786 = arith.index_cast %add3A_785 : i32 to index
      %swap3A_787 = tpu.vector_load %arg7[%swap3A_786] {strides = array<i32>} : memref<32768xf32, #tpu.memory_space<vmem>>, vector<16xf32>,
      %swap3A_788 = vector.shape_cast %swap3A_787 : vector<16xf32> to vector<16xf32>
      %swap3A_789 = vector.shape_cast %add3A_783 : vector<16xf32> to vector<16xf32>
      tpu.vector_store %arg7[%swap3A_786], %swap3A_789 {strides = array<i32>} : memref<32768xf32, #tpu.memory_space<vmem>>, vector<16xf32>,
      %mul3A_790 = arith.constant 6.553700e+04 : f32
      %mul3A_791 = vector.broadcast %mul3A_790 : f32 to vector<16xf32>
      %mul3A_792 = arith.mulf %get3A_768, %mul3A_791 : vector<16xf32>
      %sub3A_793 = arith.subf %mul3A_792, %get3A_768 : vector<16xf32>
      %sub3A_794 = arith.subf %mul3A_792, %sub3A_793 : vector<16xf32>
      %mul3A_795 = arith.constant -2.000000e+00 : f32
      %mul3A_796 = vector.broadcast %mul3A_795 : f32 to vector<16xf32>
      %mul3A_797 = arith.mulf %mul3A_796, %sub3A_794 : vector<16xf32>
      %swap3A_798 = arith.index_cast %mul3A_765 : i32 to index
      %swap3A_799 = tpu.vector_load %arg7[%swap3A_798] {strides = array<i32>} : memref<32768xf32, #tpu.memory_space<vmem>>, vector<16xf32>,
      %swap3A_800 = vector.shape_cast %swap3A_799 : vector<16xf32> to vector<16xf32>
      %swap3A_801 = vector.shape_cast %mul3A_797 : vector<16xf32> to vector<16xf32>
      tpu.vector_store %arg7[%swap3A_798], %swap3A_801 {strides = array<i32>} : memref<32768xf32, #tpu.memory_space<vmem>>, vector<16xf32>,
      %mul3A_802 = arith.constant 6.553700e+04 : f32
      %mul3A_803 = vector.broadcast %mul3A_802 : f32 to vector<16xf32>
      %mul3A_804 = arith.mulf %get3A_773, %mul3A_803 : vector<16xf32>
      %sub3A_805 = arith.subf %mul3A_804, %get3A_773 : vector<16xf32>
      %sub3A_806 = arith.subf %mul3A_804, %sub3A_805 : vector<16xf32>
      %mul3A_807 = arith.constant -2.000000e+00 : f32
      %mul3A_808 = vector.broadcast %mul3A_807 : f32 to vector<16xf32>
      %mul3A_809 = arith.mulf %mul3A_808, %sub3A_806 : vector<16xf32>
      %add3A_810 = arith.constant 16 : i32
      %add3A_811 = arith.addi %mul3A_765, %add3A_810 : i32
      %swap3A_812 = arith.index_cast %add3A_811 : i32 to index
      %swap3A_813 = tpu.vector_load %arg7[%swap3A_812] {strides = array<i32>} : memref<32768xf32, #tpu.memory_space<vmem>>, vector<16xf32>,
      %swap3A_814 = vector.shape_cast %swap3A_813 : vector<16xf32> to vector<16xf32>
      %swap3A_815 = vector.shape_cast %mul3A_809 : vector<16xf32> to vector<16xf32>
      tpu.vector_store %arg7[%swap3A_812], %swap3A_815 {strides = array<i32>} : memref<32768xf32, #tpu.memory_space<vmem>>, vector<16xf32>,
      %mul3A_816 = arith.constant 6.553700e+04 : f32
      %mul3A_817 = vector.broadcast %mul3A_816 : f32 to vector<16xf32>
      %mul3A_818 = arith.mulf %get3A_778, %mul3A_817 : vector<16xf32>
      %sub3A_819 = arith.subf %mul3A_818, %get3A_778 : vector<16xf32>
      %sub3A_820 = arith.subf %mul3A_818, %sub3A_819 : vector<16xf32>
      %mul3A_821 = arith.constant -2.000000e+00 : f32
      %mul3A_822 = vector.broadcast %mul3A_821 : f32 to vector<16xf32>
      %mul3A_823 = arith.mulf %mul3A_822, %sub3A_820 : vector<16xf32>
      %add3A_824 = arith.constant 32 : i32
      %add3A_825 = arith.addi %mul3A_765, %add3A_824 : i32
      %swap3A_826 = arith.index_cast %add3A_825 : i32 to index
      %swap3A_827 = tpu.vector_load %arg7[%swap3A_826] {strides = array<i32>} : memref<32768xf32, #tpu.memory_space<vmem>>, vector<16xf32>,
      %swap3A_828 = vector.shape_cast %swap3A_827 : vector<16xf32> to vector<16xf32>
      %swap3A_829 = vector.shape_cast %mul3A_823 : vector<16xf32> to vector<16xf32>
      tpu.vector_store %arg7[%swap3A_826], %swap3A_829 {strides = array<i32>} : memref<32768xf32, #tpu.memory_space<vmem>>, vector<16xf32>,
      %scan3A_830 = arith.constant 0 : i32
      scf.yield %scan3A_830 : i32
    }
    %scan3A_675 = arith.constant 512 : i32
    %get3A_676 = arith.constant 0 : index
    %get3A_677 = tpu.vector_load %arg5[%get3A_676] {strides = array<i32>} : memref<192xf32, #tpu.memory_space<vmem>>, vector<16xf32>,
    %get3A_678 = vector.shape_cast %get3A_677 : vector<16xf32> to vector<16xf32>
    %get3A_679 = arith.constant 64 : index
    %get3A_680 = tpu.vector_load %arg5[%get3A_679] {strides = array<i32>} : memref<192xf32, #tpu.memory_space<vmem>>, vector<16xf32>,
    %get3A_681 = vector.shape_cast %get3A_680 : vector<16xf32> to vector<16xf32>
    %get3A_682 = arith.constant 128 : index
    %get3A_683 = tpu.vector_load %arg5[%get3A_682] {strides = array<i32>} : memref<192xf32, #tpu.memory_space<vmem>>, vector<16xf32>,
    %get3A_684 = vector.shape_cast %get3A_683 : vector<16xf32> to vector<16xf32>
    %get3A_685 = arith.constant 16 : index
    %get3A_686 = tpu.vector_load %arg5[%get3A_685] {strides = array<i32>} : memref<192xf32, #tpu.memory_space<vmem>>, vector<16xf32>,
    %get3A_687 = vector.shape_cast %get3A_686 : vector<16xf32> to vector<16xf32>
    %get3A_688 = arith.constant 80 : index
    %get3A_689 = tpu.vector_load %arg5[%get3A_688] {strides = array<i32>} : memref<192xf32, #tpu.memory_space<vmem>>, vector<16xf32>,
    %get3A_690 = vector.shape_cast %get3A_689 : vector<16xf32> to vector<16xf32>
    %get3A_691 = arith.constant 144 : index
    %get3A_692 = tpu.vector_load %arg5[%get3A_691] {strides = array<i32>} : memref<192xf32, #tpu.memory_space<vmem>>, vector<16xf32>,
    %get3A_693 = vector.shape_cast %get3A_692 : vector<16xf32> to vector<16xf32>
    %get3A_694 = arith.constant 32 : index
    %get3A_695 = tpu.vector_load %arg5[%get3A_694] {strides = array<i32>} : memref<192xf32, #tpu.memory_space<vmem>>, vector<16xf32>,
    %get3A_696 = vector.shape_cast %get3A_695 : vector<16xf32> to vector<16xf32>
    %get3A_697 = arith.constant 96 : index
    %get3A_698 = tpu.vector_load %arg5[%get3A_697] {strides = array<i32>} : memref<192xf32, #tpu.memory_space<vmem>>, vector<16xf32>,
    %get3A_699 = vector.shape_cast %get3A_698 : vector<16xf32> to vector<16xf32>
    %get3A_700 = arith.constant 160 : index
    %get3A_701 = tpu.vector_load %arg5[%get3A_700] {strides = array<i32>} : memref<192xf32, #tpu.memory_space<vmem>>, vector<16xf32>,
    %get3A_702 = vector.shape_cast %get3A_701 : vector<16xf32> to vector<16xf32>
    %get3A_703 = arith.constant 48 : index
    %get3A_704 = tpu.vector_load %arg5[%get3A_703] {strides = array<i32>} : memref<192xf32, #tpu.memory_space<vmem>>, vector<16xf32>,
    %get3A_705 = vector.shape_cast %get3A_704 : vector<16xf32> to vector<16xf32>
    %get3A_706 = arith.constant 112 : index
    %get3A_707 = tpu.vector_load %arg5[%get3A_706] {strides = array<i32>} : memref<192xf32, #tpu.memory_space<vmem>>, vector<16xf32>,
    %get3A_708 = vector.shape_cast %get3A_707 : vector<16xf32> to vector<16xf32>
    %get3A_709 = arith.constant 176 : index
    %get3A_710 = tpu.vector_load %arg5[%get3A_709] {strides = array<i32>} : memref<192xf32, #tpu.memory_space<vmem>>, vector<16xf32>,
    %get3A_711 = vector.shape_cast %get3A_710 : vector<16xf32> to vector<16xf32>
    %get3A_712 = arith.constant 0 : index
    %get3A_713 = tpu.vector_load %arg8[%get3A_712] {strides = array<i32>} : memref<64xf32, #tpu.memory_space<vmem>>, vector<16xf32>,
    %get3A_714 = vector.shape_cast %get3A_713 : vector<16xf32> to vector<16xf32>
    %get3A_715 = arith.constant 16 : index
    %get3A_716 = tpu.vector_load %arg8[%get3A_715] {strides = array<i32>} : memref<64xf32, #tpu.memory_space<vmem>>, vector<16xf32>,
    %get3A_717 = vector.shape_cast %get3A_716 : vector<16xf32> to vector<16xf32>
    %get3A_718 = arith.constant 32 : index
    %get3A_719 = tpu.vector_load %arg8[%get3A_718] {strides = array<i32>} : memref<64xf32, #tpu.memory_space<vmem>>, vector<16xf32>,
    %get3A_720 = vector.shape_cast %get3A_719 : vector<16xf32> to vector<16xf32>
    %get3A_721 = arith.constant 48 : index
    %get3A_722 = tpu.vector_load %arg8[%get3A_721] {strides = array<i32>} : memref<64xf32, #tpu.memory_space<vmem>>, vector<16xf32>,
    %get3A_723 = vector.shape_cast %get3A_722 : vector<16xf32> to vector<16xf32>
    %scan3A_724 = arith.constant 0 : i32
    %scan3A_725 = arith.constant 512 : i32
    %scan3A_726 = arith.addi %scan3A_724, %scan3A_725 : i32
    %scan3A_727 = arith.constant 1 : i32
    %scan3A_728:4 = scf.for %scan3A_756 = %scan3A_724 to %scan3A_726 step %scan3A_727 iter_args(%scan3A_757 = %get3A_714, %scan3A_758 = %get3A_717, %scan3A_759 = %get3A_720, %scan3A_760 = %get3A_723) -> (vector<16xf32>, vector<16xf32>, vector<16xf32>, vector<16xf32>)  : i32 {
      %mul3A_761 = arith.constant 4 : i32
      %mul3A_762 = arith.muli %scan3A_756, %mul3A_761 : i32
      %mul3A_763 = arith.constant 16 : i32
      %mul3A_764 = arith.muli %mul3A_762, %mul3A_763 : i32
      %get3A_765 = arith.index_cast %mul3A_764 : i32 to index
      %get3A_766 = tpu.vector_load %arg7[%get3A_765] {strides = array<i32>} : memref<32768xf32, #tpu.memory_space<vmem>>, vector<16xf32>,
      %get3A_767 = vector.shape_cast %get3A_766 : vector<16xf32> to vector<16xf32>
      %add3A_768 = arith.constant 16 : i32
      %add3A_769 = arith.addi %mul3A_764, %add3A_768 : i32
      %get3A_770 = arith.index_cast %add3A_769 : i32 to index
      %get3A_771 = tpu.vector_load %arg7[%get3A_770] {strides = array<i32>} : memref<32768xf32, #tpu.memory_space<vmem>>, vector<16xf32>,
      %get3A_772 = vector.shape_cast %get3A_771 : vector<16xf32> to vector<16xf32>
      %add3A_773 = arith.constant 32 : i32
      %add3A_774 = arith.addi %mul3A_764, %add3A_773 : i32
      %get3A_775 = arith.index_cast %add3A_774 : i32 to index
      %get3A_776 = tpu.vector_load %arg7[%get3A_775] {strides = array<i32>} : memref<32768xf32, #tpu.memory_space<vmem>>, vector<16xf32>,
      %get3A_777 = vector.shape_cast %get3A_776 : vector<16xf32> to vector<16xf32>
      %add3A_778 = arith.constant 48 : i32
      %add3A_779 = arith.addi %mul3A_764, %add3A_778 : i32
      %get3A_780 = arith.index_cast %add3A_779 : i32 to index
      %get3A_781 = tpu.vector_load %arg7[%get3A_780] {strides = array<i32>} : memref<32768xf32, #tpu.memory_space<vmem>>, vector<16xf32>,
      %get3A_782 = vector.shape_cast %get3A_781 : vector<16xf32> to vector<16xf32>
      %mul3A_783 = arith.mulf %get3A_767, %get3A_678 : vector<16xf32>
      %add3A_784 = arith.addf %get3A_782, %mul3A_783 : vector<16xf32>
      %mul3A_785 = arith.mulf %get3A_772, %get3A_681 : vector<16xf32>
      %add3A_786 = arith.addf %add3A_784, %mul3A_785 : vector<16xf32>
      %mul3A_787 = arith.mulf %get3A_777, %get3A_684 : vector<16xf32>
      %add3A_788 = arith.addf %add3A_786, %mul3A_787 : vector<16xf32>
      %min3A = arith.minimumf %scan3A_757, %add3A_788 : vector<16xf32>
      %mul3A_789 = arith.mulf %get3A_767, %get3A_687 : vector<16xf32>
      %add3A_790 = arith.addf %get3A_782, %mul3A_789 : vector<16xf32>
      %mul3A_791 = arith.mulf %get3A_772, %get3A_690 : vector<16xf32>
      %add3A_792 = arith.addf %add3A_790, %mul3A_791 : vector<16xf32>
      %mul3A_793 = arith.mulf %get3A_777, %get3A_693 : vector<16xf32>
      %add3A_794 = arith.addf %add3A_792, %mul3A_793 : vector<16xf32>
      %min3A_795 = arith.minimumf %scan3A_758, %add3A_794 : vector<16xf32>
      %mul3A_796 = arith.mulf %get3A_767, %get3A_696 : vector<16xf32>
      %add3A_797 = arith.addf %get3A_782, %mul3A_796 : vector<16xf32>
      %mul3A_798 = arith.mulf %get3A_772, %get3A_699 : vector<16xf32>
      %add3A_799 = arith.addf %add3A_797, %mul3A_798 : vector<16xf32>
      %mul3A_800 = arith.mulf %get3A_777, %get3A_702 : vector<16xf32>
      %add3A_801 = arith.addf %add3A_799, %mul3A_800 : vector<16xf32>
      %min3A_802 = arith.minimumf %scan3A_759, %add3A_801 : vector<16xf32>
      %mul3A_803 = arith.mulf %get3A_767, %get3A_705 : vector<16xf32>
      %add3A_804 = arith.addf %get3A_782, %mul3A_803 : vector<16xf32>
      %mul3A_805 = arith.mulf %get3A_772, %get3A_708 : vector<16xf32>
      %add3A_806 = arith.addf %add3A_804, %mul3A_805 : vector<16xf32>
      %mul3A_807 = arith.mulf %get3A_777, %get3A_711 : vector<16xf32>
      %add3A_808 = arith.addf %add3A_806, %mul3A_807 : vector<16xf32>
      %min3A_809 = arith.minimumf %scan3A_760, %add3A_808 : vector<16xf32>
      scf.yield %min3A, %min3A_795, %min3A_802, %min3A_809 : vector<16xf32>, vector<16xf32>, vector<16xf32>, vector<16xf32>
    }
    %scan3A_729 = arith.constant 512 : i32
    %swap3A_730 = arith.constant 0 : index
    %swap3A_731 = tpu.vector_load %arg8[%swap3A_730] {strides = array<i32>} : memref<64xf32, #tpu.memory_space<vmem>>, vector<16xf32>,
    %swap3A_732 = vector.shape_cast %swap3A_731 : vector<16xf32> to vector<16xf32>
    %swap3A_733 = vector.shape_cast %scan3A_728#0 : vector<16xf32> to vector<16xf32>
    tpu.vector_store %arg8[%swap3A_730], %swap3A_733 {strides = array<i32>} : memref<64xf32, #tpu.memory_space<vmem>>, vector<16xf32>,
    %swap3A_734 = arith.constant 16 : index
    %swap3A_735 = tpu.vector_load %arg8[%swap3A_734] {strides = array<i32>} : memref<64xf32, #tpu.memory_space<vmem>>, vector<16xf32>,
    %swap3A_736 = vector.shape_cast %swap3A_735 : vector<16xf32> to vector<16xf32>
    %swap3A_737 = vector.shape_cast %scan3A_728#1 : vector<16xf32> to vector<16xf32>
    tpu.vector_store %arg8[%swap3A_734], %swap3A_737 {strides = array<i32>} : memref<64xf32, #tpu.memory_space<vmem>>, vector<16xf32>,
    %swap3A_738 = arith.constant 32 : index
    %swap3A_739 = tpu.vector_load %arg8[%swap3A_738] {strides = array<i32>} : memref<64xf32, #tpu.memory_space<vmem>>, vector<16xf32>,
    %swap3A_740 = vector.shape_cast %swap3A_739 : vector<16xf32> to vector<16xf32>
    %swap3A_741 = vector.shape_cast %scan3A_728#2 : vector<16xf32> to vector<16xf32>
    tpu.vector_store %arg8[%swap3A_738], %swap3A_741 {strides = array<i32>} : memref<64xf32, #tpu.memory_space<vmem>>, vector<16xf32>,
    %swap3A_742 = arith.constant 48 : index
    %swap3A_743 = tpu.vector_load %arg8[%swap3A_742] {strides = array<i32>} : memref<64xf32, #tpu.memory_space<vmem>>, vector<16xf32>,
    %swap3A_744 = vector.shape_cast %swap3A_743 : vector<16xf32> to vector<16xf32>
    %swap3A_745 = vector.shape_cast %scan3A_728#3 : vector<16xf32> to vector<16xf32>
    tpu.vector_store %arg8[%swap3A_742], %swap3A_745 {strides = array<i32>} : memref<64xf32, #tpu.memory_space<vmem>>, vector<16xf32>,
    %scan3A_746 = arith.constant 0 : i32
    %scan3A_747 = arith.constant 0 : i32
    %scan3A_748 = arith.constant 4 : i32
    %scan3A_749 = arith.addi %scan3A_747, %scan3A_748 : i32
    %scan3A_750 = arith.constant 1 : i32
    %scan3A_751 = scf.for %scan3A_756 = %scan3A_747 to %scan3A_749 step %scan3A_750 iter_args(%scan3A_757 = %scan3A_746) -> (i32)  : i32 {
      %mul3A_758 = arith.constant 16 : i32
      %mul3A_759 = arith.muli %scan3A_756, %mul3A_758 : i32
      %get3A_760 = arith.index_cast %mul3A_759 : i32 to index
      %get3A_761 = tpu.vector_load %arg8[%get3A_760] {strides = array<i32>} : memref<64xf32, #tpu.memory_space<vmem>>, vector<16xf32>,
      %get3A_762 = vector.shape_cast %get3A_761 : vector<16xf32> to vector<16xf32>
      %get3A_763 = arith.index_cast %mul3A_759 : i32 to index
      %get3A_764 = tpu.vector_load %arg9[%get3A_763] {strides = array<i32>} : memref<64xf32, #tpu.memory_space<vmem>>, vector<16xf32>,
      %get3A_765 = vector.shape_cast %get3A_764 : vector<16xf32> to vector<16xf32>
      %add3A_766 = arith.addf %get3A_762, %get3A_765 : vector<16xf32>
      %max3A = arith.constant 0.000000e+00 : f32
      %max3A_767 = vector.broadcast %max3A : f32 to vector<16xf32>
      %max3A_768 = arith.maximumf %add3A_766, %max3A_767 : vector<16xf32>
      %swap3A_769 = arith.index_cast %mul3A_759 : i32 to index
      %swap3A_770 = tpu.vector_load %arg9[%swap3A_769] {strides = array<i32>} : memref<64xf32, #tpu.memory_space<vmem>>, vector<16xf32>,
      %swap3A_771 = vector.shape_cast %swap3A_770 : vector<16xf32> to vector<16xf32>
      %swap3A_772 = vector.shape_cast %max3A_768 : vector<16xf32> to vector<16xf32>
      tpu.vector_store %arg9[%swap3A_769], %swap3A_772 {strides = array<i32>} : memref<64xf32, #tpu.memory_space<vmem>>, vector<16xf32>,
      %scan3A_773 = arith.constant 0 : i32
      scf.yield %scan3A_773 : i32
    }
    %scan3A_752 = arith.constant 4 : i32
    %mul3A_753 = arith.constant 512 : i32
    %mul3A_754 = arith.muli %select_n3A, %mul3A_753 : i32
    %add3A_755 = arith.addi %mul3A_754, %mul3A_32 : i32
    "tpu.region"() ({
      %run_scoped3A = tpu.sem_alloc : memref<!tpu.dma_semaphore, #tpu.memory_space<semaphore_mem>>
      %dma_start3A = tpu.memref_slice %arg4[%add3A_755] : memref<2048xf32, #tpu.memory_space<hbm>> -> memref<64xf32, #tpu.memory_space<hbm>>
      %dma_start3A_756 = tpu.memref_slice %arg4[%add3A_755] : memref<2048xf32, #tpu.memory_space<hbm>> -> memref<64xf32, #tpu.memory_space<hbm>>
      tpu.enqueue_dma source(%arg9 : memref<64xf32, #tpu.memory_space<vmem>>) target(%dma_start3A_756 : memref<64xf32, #tpu.memory_space<hbm>>) target_semaphore(%run_scoped3A : memref<!tpu.dma_semaphore, #tpu.memory_space<semaphore_mem>>)
      %dma_wait3A = tpu.memref_slice %arg4[%add3A_755] : memref<2048xf32, #tpu.memory_space<hbm>> -> memref<64xf32, #tpu.memory_space<hbm>>
      %dma_wait3A_757 = tpu.memref_slice %arg4[%add3A_755] : memref<2048xf32, #tpu.memory_space<hbm>> -> memref<64xf32, #tpu.memory_space<hbm>>
      tpu.wait_dma2 semaphore(%run_scoped3A : memref<!tpu.dma_semaphore, #tpu.memory_space<semaphore_mem>>) src(%arg9 : memref<64xf32, #tpu.memory_space<vmem>>) dst(%dma_wait3A_757 : memref<64xf32, #tpu.memory_space<hbm>>)
      tpu.yield
    }) : () -> ()
    return
  }
}

module attributes {stable_mosaic.version = 14 : i64} {
  func.func @_dist2_body(%arg0: i32, %arg1: i32, %arg2: memref<1x4096x3xf32, #tpu.memory_space<vmem>>, %arg3: memref<1x4096x8xbf16, #tpu.memory_space<vmem>>, %arg4: memref<1x3x512xf32, #tpu.memory_space<vmem>>, %arg5: memref<1x8x512xbf16, #tpu.memory_space<vmem>>, %arg6: memref<1x1x512xf32, #tpu.memory_space<vmem>>) attributes {dimension_semantics = [#tpu.dimension_semantics<arbitrary>, #tpu.dimension_semantics<arbitrary>], iteration_bounds = array<i64: 4, 7>, scalar_prefetch = 0 : i64, scratch_operands = 0 : i64, tpu.core_type = #tpu.core_type<tc>, window_params = [{transform_indices = @transform_0, window_bounds = array<i64: 1, 4096, 3>}, {transform_indices = @transform_1, window_bounds = array<i64: 1, 4096, 8>}, {transform_indices = @transform_2, window_bounds = array<i64: 1, 3, 512>}, {transform_indices = @transform_3, window_bounds = array<i64: 1, 8, 512>}, {transform_indices = @transform_4, window_bounds = array<i64: 1, 1, 512>}]} {
    %get3A = arith.constant 0 : index
    %get3A_0 = arith.constant 0 : index
    %get3A_1 = arith.constant 0 : index
    %get3A_2 = vector.load %arg2[%get3A, %get3A_0, %get3A_1] : memref<1x4096x3xf32, #tpu.memory_space<vmem>>, vector<1x4096x3xf32>
    %get3A_3 = vector.shape_cast %get3A_2 : vector<1x4096x3xf32> to vector<4096x3xf32>
    %get3A_4 = arith.constant 0 : index
    %get3A_5 = arith.constant 0 : index
    %get3A_6 = arith.constant 0 : index
    %get3A_7 = vector.load %arg4[%get3A_4, %get3A_5, %get3A_6] : memref<1x3x512xf32, #tpu.memory_space<vmem>>, vector<1x3x512xf32>
    %get3A_8 = vector.shape_cast %get3A_7 : vector<1x3x512xf32> to vector<3x512xf32>
    %mul3A = arith.mulf %get3A_3, %get3A_3 : vector<4096x3xf32>
    %reduce_sum3A = arith.constant dense<0.000000e+00> : vector<4096xf32>
    %reduce_sum3A_9 = vector.multi_reduction <add>, %mul3A, %reduce_sum3A [1] : vector<4096x3xf32> to vector<4096xf32>
    %broadcast_in_dim3A = vector.shape_cast %reduce_sum3A_9 : vector<4096xf32> to vector<4096x1xf32>
    %get3A_10 = arith.constant 0 : index
    %get3A_11 = arith.constant 0 : index
    %get3A_12 = arith.constant 0 : index
    %get3A_13 = vector.load %arg3[%get3A_10, %get3A_11, %get3A_12] : memref<1x4096x8xbf16, #tpu.memory_space<vmem>>, vector<1x4096x8xbf16>
    %get3A_14 = vector.shape_cast %get3A_13 : vector<1x4096x8xbf16> to vector<4096x8xbf16>
    %get3A_15 = arith.constant 0 : index
    %get3A_16 = arith.constant 0 : index
    %get3A_17 = arith.constant 0 : index
    %get3A_18 = vector.load %arg5[%get3A_15, %get3A_16, %get3A_17] : memref<1x8x512xbf16, #tpu.memory_space<vmem>>, vector<1x8x512xbf16>
    %get3A_19 = vector.shape_cast %get3A_18 : vector<1x8x512xbf16> to vector<8x512xbf16>
    %dot_general3A = arith.constant dense<0.000000e+00> : vector<4096x512xf32>
    %dot_general3A_20 = tpu.matmul %get3A_14, %get3A_19, %dot_general3A {dimension_numbers = #tpu.dot_dimension_numbers<[1], [0], [0], [1], [0, 0, 1, 1], [], []>, transpose_lhs_hint = false} : vector<4096x8xbf16>, vector<8x512xbf16>, vector<4096x512xf32> -> vector<4096x512xf32>
    %add3A = vector.broadcast %broadcast_in_dim3A : vector<4096x1xf32> to vector<4096x512xf32>
    %add3A_21 = arith.addf %dot_general3A_20, %add3A : vector<4096x512xf32>
    %reduce_min3A = arith.constant dense<0x7F800000> : vector<512xf32>
    %reduce_min3A_22 = vector.multi_reduction <minimumf>, %add3A_21, %reduce_min3A [0] : vector<4096x512xf32> to vector<512xf32>
    %broadcast_in_dim3A_23 = vector.shape_cast %reduce_min3A_22 : vector<512xf32> to vector<1x512xf32>
    %mul3A_24 = arith.mulf %get3A_8, %get3A_8 : vector<3x512xf32>
    %reduce_sum3A_25 = arith.constant dense<0.000000e+00> : vector<512xf32>
    %reduce_sum3A_26 = vector.multi_reduction <add>, %mul3A_24, %reduce_sum3A_25 [0] : vector<3x512xf32> to vector<512xf32>
    %broadcast_in_dim3A_27 = vector.shape_cast %reduce_sum3A_26 : vector<512xf32> to vector<1x512xf32>
    %add3A_28 = arith.addf %broadcast_in_dim3A_23, %broadcast_in_dim3A_27 : vector<1x512xf32>
    %max3A = arith.constant 0.000000e+00 : f32
    %max3A_29 = vector.broadcast %max3A : f32 to vector<1x512xf32>
    %max3A_30 = arith.maximumf %add3A_28, %max3A_29 : vector<1x512xf32>
    %broadcast_in_dim3A_31 = vector.shape_cast %max3A_30 : vector<1x512xf32> to vector<1x1x512xf32>
    %swap3A = arith.constant 0 : index
    %swap3A_32 = arith.constant 0 : index
    %swap3A_33 = arith.constant 0 : index
    %swap3A_34 = vector.load %arg6[%swap3A, %swap3A_32, %swap3A_33] : memref<1x1x512xf32, #tpu.memory_space<vmem>>, vector<1x1x512xf32>
    tpu.vector_store %arg6[%swap3A, %swap3A_32, %swap3A_33], %broadcast_in_dim3A_31 {strides = array<i32>} : memref<1x1x512xf32, #tpu.memory_space<vmem>>, vector<1x1x512xf32>,
    return
  }
  func.func @transform_0(%arg0: i32, %arg1: i32) -> (i32, i32, i32) {
    %c0_i32 = arith.constant 0 : i32
    %c0_i32_0 = arith.constant 0 : i32
    %c0_i32_1 = arith.constant 0 : i32
    return %arg0, %c0_i32, %c0_i32_0 : i32, i32, i32
  }
  func.func @transform_1(%arg0: i32, %arg1: i32) -> (i32, i32, i32) {
    %c0_i32 = arith.constant 0 : i32
    %c0_i32_0 = arith.constant 0 : i32
    %c0_i32_1 = arith.constant 0 : i32
    return %arg0, %c0_i32, %c0_i32_0 : i32, i32, i32
  }
  func.func @transform_2(%arg0: i32, %arg1: i32) -> (i32, i32, i32) {
    %add3A = arith.constant 1 : i32
    %add3A_0 = arith.addi %arg1, %add3A : i32
    %c0_i32 = arith.constant 0 : i32
    %c0_i32_1 = arith.constant 0 : i32
    return %arg0, %c0_i32, %add3A_0 : i32, i32, i32
  }
  func.func @transform_3(%arg0: i32, %arg1: i32) -> (i32, i32, i32) {
    %add3A = arith.constant 1 : i32
    %add3A_0 = arith.addi %arg1, %add3A : i32
    %c0_i32 = arith.constant 0 : i32
    %c0_i32_1 = arith.constant 0 : i32
    return %arg0, %c0_i32, %add3A_0 : i32, i32, i32
  }
  func.func @transform_4(%arg0: i32, %arg1: i32) -> (i32, i32, i32) {
    %c0_i32 = arith.constant 0 : i32
    %c0_i32_0 = arith.constant 0 : i32
    return %arg0, %c0_i32, %arg1 : i32, i32, i32
  }
}

module attributes {stable_mosaic.version = 14 : i64} {
  func.func @_loss_body(%arg0: memref<4x4096xf32, #tpu.memory_space<vmem>>, %arg1: memref<12x4096xf32, #tpu.memory_space<vmem>>, %arg2: memref<12x4096xf32, #tpu.memory_space<vmem>>, %arg3: memref<1x1xf32, #tpu.memory_space<smem>>, %arg4: memref<1x1xf32, #tpu.memory_space<smem>>, %arg5: memref<1x1xf32, #tpu.memory_space<smem>>, %arg6: memref<1x1xf32, #tpu.memory_space<smem>>) attributes {dimension_semantics = [], scalar_prefetch = 0 : i64, scratch_operands = 0 : i64, tpu.core_type = #tpu.core_type<tc>} {
    %get3A = arith.constant 0 : index
    %get3A_0 = arith.constant 0 : index
    %get3A_1 = vector.load %arg0[%get3A, %get3A_0] : memref<4x4096xf32, #tpu.memory_space<vmem>>, vector<4x4096xf32>
    %lt3A = arith.constant 2.000000e-03 : f32
    %lt3A_2 = vector.broadcast %lt3A : f32 to vector<4x4096xf32>
    %lt3A_3 = arith.cmpf olt, %get3A_1, %lt3A_2 : vector<4x4096xf32>
    %gt3A = arith.constant 1.000000e-03 : f32
    %gt3A_4 = vector.broadcast %gt3A : f32 to vector<4x4096xf32>
    %gt3A_5 = arith.cmpf ogt, %get3A_1, %gt3A_4 : vector<4x4096xf32>
    %broadcast_in_dim3A = arith.constant 0.000000e+00 : f32
    %broadcast_in_dim3A_6 = vector.broadcast %broadcast_in_dim3A : f32 to vector<4x4096xf32>
    %get3A_7 = arith.constant 0 : index
    %get3A_8 = arith.constant 0 : index
    %get3A_9 = vector.load %arg2[%get3A_7, %get3A_8] : memref<12x4096xf32, #tpu.memory_space<vmem>>, vector<4x4096xf32>
    %get3A_10 = arith.constant 0 : index
    %get3A_11 = arith.constant 0 : index
    %get3A_12 = vector.load %arg1[%get3A_10, %get3A_11] : memref<12x4096xf32, #tpu.memory_space<vmem>>, vector<4x4096xf32>
    %sub3A = arith.subf %get3A_9, %get3A_12 : vector<4x4096xf32>
    %mul3A = arith.mulf %sub3A, %sub3A : vector<4x4096xf32>
    %add3A = arith.addf %broadcast_in_dim3A_6, %mul3A : vector<4x4096xf32>
    %gt3A_13 = arith.constant 0.000000e+00 : f32
    %gt3A_14 = vector.broadcast %gt3A_13 : f32 to vector<4x4096xf32>
    %gt3A_15 = arith.cmpf ogt, %sub3A, %gt3A_14 : vector<4x4096xf32>
    %and3A = arith.andi %gt3A_5, %gt3A_15 : vector<4x4096xi1>
    %mul3A_16 = arith.mulf %sub3A, %sub3A : vector<4x4096xf32>
    %jit3A = arith.constant 0.000000e+00 : f32
    %broadcast_in_dim3A_17 = vector.broadcast %jit3A : f32 to vector<4x4096xf32>
    %select_n3A = arith.select %and3A, %mul3A_16, %broadcast_in_dim3A_17 : vector<4x4096xi1>, vector<4x4096xf32>
    %reduce_sum3A = vector.shape_cast %select_n3A : vector<4x4096xf32> to vector<1x4x4096xf32>
    %reduce_sum3A_18 = arith.constant dense<0.000000e+00> : vector<1xf32>
    %reduce_sum3A_19 = vector.multi_reduction <add>, %reduce_sum3A, %reduce_sum3A_18 [1, 2] : vector<1x4x4096xf32> to vector<1xf32>
    %reduce_sum3A_20 = vector.shape_cast %reduce_sum3A_19 : vector<1xf32> to vector<1x1x1xf32>
    %reduce_sum3A_21 = vector.extract %reduce_sum3A_20[0, 0, 0] : f32 from vector<1x1x1xf32>
    %add3A_22 = arith.constant 0.000000e+00 : f32
    %add3A_23 = arith.addf %add3A_22, %reduce_sum3A_21 : f32
    %convert_element_type3A = arith.extui %and3A : vector<4x4096xi1> to vector<4x4096xi32>
    %convert_element_type3A_24 = arith.sitofp %convert_element_type3A : vector<4x4096xi32> to vector<4x4096xf32>
    %reduce_sum3A_25 = vector.shape_cast %convert_element_type3A_24 : vector<4x4096xf32> to vector<1x4x4096xf32>
    %reduce_sum3A_26 = arith.constant dense<0.000000e+00> : vector<1xf32>
    %reduce_sum3A_27 = vector.multi_reduction <add>, %reduce_sum3A_25, %reduce_sum3A_26 [1, 2] : vector<1x4x4096xf32> to vector<1xf32>
    %reduce_sum3A_28 = vector.shape_cast %reduce_sum3A_27 : vector<1xf32> to vector<1x1x1xf32>
    %reduce_sum3A_29 = vector.extract %reduce_sum3A_28[0, 0, 0] : f32 from vector<1x1x1xf32>
    %add3A_30 = arith.constant 0.000000e+00 : f32
    %add3A_31 = arith.addf %add3A_30, %reduce_sum3A_29 : f32
    %get3A_32 = arith.constant 4 : index
    %get3A_33 = arith.constant 0 : index
    %get3A_34 = vector.load %arg2[%get3A_32, %get3A_33] : memref<12x4096xf32, #tpu.memory_space<vmem>>, vector<4x4096xf32>
    %get3A_35 = arith.constant 4 : index
    %get3A_36 = arith.constant 0 : index
    %get3A_37 = vector.load %arg1[%get3A_35, %get3A_36] : memref<12x4096xf32, #tpu.memory_space<vmem>>, vector<4x4096xf32>
    %sub3A_38 = arith.subf %get3A_34, %get3A_37 : vector<4x4096xf32>
    %mul3A_39 = arith.mulf %sub3A_38, %sub3A_38 : vector<4x4096xf32>
    %add3A_40 = arith.addf %add3A, %mul3A_39 : vector<4x4096xf32>
    %gt3A_41 = arith.constant 0.000000e+00 : f32
    %gt3A_42 = vector.broadcast %gt3A_41 : f32 to vector<4x4096xf32>
    %gt3A_43 = arith.cmpf ogt, %sub3A_38, %gt3A_42 : vector<4x4096xf32>
    %and3A_44 = arith.andi %gt3A_5, %gt3A_43 : vector<4x4096xi1>
    %mul3A_45 = arith.mulf %sub3A_38, %sub3A_38 : vector<4x4096xf32>
    %jit3A_46 = arith.constant 0.000000e+00 : f32
    %broadcast_in_dim3A_47 = vector.broadcast %jit3A_46 : f32 to vector<4x4096xf32>
    %select_n3A_48 = arith.select %and3A_44, %mul3A_45, %broadcast_in_dim3A_47 : vector<4x4096xi1>, vector<4x4096xf32>
    %reduce_sum3A_49 = vector.shape_cast %select_n3A_48 : vector<4x4096xf32> to vector<1x4x4096xf32>
    %reduce_sum3A_50 = arith.constant dense<0.000000e+00> : vector<1xf32>
    %reduce_sum3A_51 = vector.multi_reduction <add>, %reduce_sum3A_49, %reduce_sum3A_50 [1, 2] : vector<1x4x4096xf32> to vector<1xf32>
    %reduce_sum3A_52 = vector.shape_cast %reduce_sum3A_51 : vector<1xf32> to vector<1x1x1xf32>
    %reduce_sum3A_53 = vector.extract %reduce_sum3A_52[0, 0, 0] : f32 from vector<1x1x1xf32>
    %add3A_54 = arith.addf %add3A_23, %reduce_sum3A_53 : f32
    %convert_element_type3A_55 = arith.extui %and3A_44 : vector<4x4096xi1> to vector<4x4096xi32>
    %convert_element_type3A_56 = arith.sitofp %convert_element_type3A_55 : vector<4x4096xi32> to vector<4x4096xf32>
    %reduce_sum3A_57 = vector.shape_cast %convert_element_type3A_56 : vector<4x4096xf32> to vector<1x4x4096xf32>
    %reduce_sum3A_58 = arith.constant dense<0.000000e+00> : vector<1xf32>
    %reduce_sum3A_59 = vector.multi_reduction <add>, %reduce_sum3A_57, %reduce_sum3A_58 [1, 2] : vector<1x4x4096xf32> to vector<1xf32>
    %reduce_sum3A_60 = vector.shape_cast %reduce_sum3A_59 : vector<1xf32> to vector<1x1x1xf32>
    %reduce_sum3A_61 = vector.extract %reduce_sum3A_60[0, 0, 0] : f32 from vector<1x1x1xf32>
    %add3A_62 = arith.addf %add3A_31, %reduce_sum3A_61 : f32
    %get3A_63 = arith.constant 8 : index
    %get3A_64 = arith.constant 0 : index
    %get3A_65 = vector.load %arg2[%get3A_63, %get3A_64] : memref<12x4096xf32, #tpu.memory_space<vmem>>, vector<4x4096xf32>
    %get3A_66 = arith.constant 8 : index
    %get3A_67 = arith.constant 0 : index
    %get3A_68 = vector.load %arg1[%get3A_66, %get3A_67] : memref<12x4096xf32, #tpu.memory_space<vmem>>, vector<4x4096xf32>
    %sub3A_69 = arith.subf %get3A_65, %get3A_68 : vector<4x4096xf32>
    %mul3A_70 = arith.mulf %sub3A_69, %sub3A_69 : vector<4x4096xf32>
    %add3A_71 = arith.addf %add3A_40, %mul3A_70 : vector<4x4096xf32>
    %gt3A_72 = arith.constant 0.000000e+00 : f32
    %gt3A_73 = vector.broadcast %gt3A_72 : f32 to vector<4x4096xf32>
    %gt3A_74 = arith.cmpf ogt, %sub3A_69, %gt3A_73 : vector<4x4096xf32>
    %and3A_75 = arith.andi %gt3A_5, %gt3A_74 : vector<4x4096xi1>
    %mul3A_76 = arith.mulf %sub3A_69, %sub3A_69 : vector<4x4096xf32>
    %jit3A_77 = arith.constant 0.000000e+00 : f32
    %broadcast_in_dim3A_78 = vector.broadcast %jit3A_77 : f32 to vector<4x4096xf32>
    %select_n3A_79 = arith.select %and3A_75, %mul3A_76, %broadcast_in_dim3A_78 : vector<4x4096xi1>, vector<4x4096xf32>
    %reduce_sum3A_80 = vector.shape_cast %select_n3A_79 : vector<4x4096xf32> to vector<1x4x4096xf32>
    %reduce_sum3A_81 = arith.constant dense<0.000000e+00> : vector<1xf32>
    %reduce_sum3A_82 = vector.multi_reduction <add>, %reduce_sum3A_80, %reduce_sum3A_81 [1, 2] : vector<1x4x4096xf32> to vector<1xf32>
    %reduce_sum3A_83 = vector.shape_cast %reduce_sum3A_82 : vector<1xf32> to vector<1x1x1xf32>
    %reduce_sum3A_84 = vector.extract %reduce_sum3A_83[0, 0, 0] : f32 from vector<1x1x1xf32>
    %add3A_85 = arith.addf %add3A_54, %reduce_sum3A_84 : f32
    %convert_element_type3A_86 = arith.extui %and3A_75 : vector<4x4096xi1> to vector<4x4096xi32>
    %convert_element_type3A_87 = arith.sitofp %convert_element_type3A_86 : vector<4x4096xi32> to vector<4x4096xf32>
    %reduce_sum3A_88 = vector.shape_cast %convert_element_type3A_87 : vector<4x4096xf32> to vector<1x4x4096xf32>
    %reduce_sum3A_89 = arith.constant dense<0.000000e+00> : vector<1xf32>
    %reduce_sum3A_90 = vector.multi_reduction <add>, %reduce_sum3A_88, %reduce_sum3A_89 [1, 2] : vector<1x4x4096xf32> to vector<1xf32>
    %reduce_sum3A_91 = vector.shape_cast %reduce_sum3A_90 : vector<1xf32> to vector<1x1x1xf32>
    %reduce_sum3A_92 = vector.extract %reduce_sum3A_91[0, 0, 0] : f32 from vector<1x1x1xf32>
    %add3A_93 = arith.addf %add3A_62, %reduce_sum3A_92 : f32
    %gt3A_94 = arith.constant 0.000000e+00 : f32
    %gt3A_95 = vector.broadcast %gt3A_94 : f32 to vector<4x4096xf32>
    %gt3A_96 = arith.cmpf ogt, %add3A_71, %gt3A_95 : vector<4x4096xf32>
    %and3A_97 = arith.andi %lt3A_3, %gt3A_96 : vector<4x4096xi1>
    %jit3A_98 = arith.constant 1.000000e+00 : f32
    %broadcast_in_dim3A_99 = vector.broadcast %jit3A_98 : f32 to vector<4x4096xf32>
    %select_n3A_100 = arith.select %and3A_97, %add3A_71, %broadcast_in_dim3A_99 : vector<4x4096xi1>, vector<4x4096xf32>
    %sqrt3A = math.sqrt %select_n3A_100 : vector<4x4096xf32>
    %sub3A_101 = arith.constant 1.000000e-01 : f32
    %sub3A_102 = vector.broadcast %sub3A_101 : f32 to vector<4x4096xf32>
    %sub3A_103 = arith.subf %sub3A_102, %sqrt3A : vector<4x4096xf32>
    %max3A = arith.constant 0.000000e+00 : f32
    %max3A_104 = vector.broadcast %max3A : f32 to vector<4x4096xf32>
    %max3A_105 = arith.maximumf %sub3A_103, %max3A_104 : vector<4x4096xf32>
    %abs3A = math.absf %sub3A_103 : vector<4x4096xf32>
    %neg3A = arith.constant 0.000000e+00 : f32
    %neg3A_106 = vector.broadcast %neg3A : f32 to vector<4x4096xf32>
    %neg3A_107 = arith.subf %neg3A_106, %abs3A : vector<4x4096xf32>
    %exp3A = math.exp %neg3A_107 : vector<4x4096xf32>
    %log1p3A = math.log1p %exp3A : vector<4x4096xf32>
    %add3A_108 = arith.addf %max3A_105, %log1p3A : vector<4x4096xf32>
    %jit3A_109 = arith.constant 0.000000e+00 : f32
    %broadcast_in_dim3A_110 = vector.broadcast %jit3A_109 : f32 to vector<4x4096xf32>
    %select_n3A_111 = arith.select %and3A_97, %add3A_108, %broadcast_in_dim3A_110 : vector<4x4096xi1>, vector<4x4096xf32>
    %reduce_sum3A_112 = vector.shape_cast %select_n3A_111 : vector<4x4096xf32> to vector<1x4x4096xf32>
    %reduce_sum3A_113 = arith.constant dense<0.000000e+00> : vector<1xf32>
    %reduce_sum3A_114 = vector.multi_reduction <add>, %reduce_sum3A_112, %reduce_sum3A_113 [1, 2] : vector<1x4x4096xf32> to vector<1xf32>
    %reduce_sum3A_115 = vector.shape_cast %reduce_sum3A_114 : vector<1xf32> to vector<1x1x1xf32>
    %reduce_sum3A_116 = vector.extract %reduce_sum3A_115[0, 0, 0] : f32 from vector<1x1x1xf32>
    %swap3A = arith.constant 0 : index
    %swap3A_117 = arith.constant 0 : index
    %swap3A_118 = memref.load %arg3[%swap3A, %swap3A_117] : memref<1x1xf32, #tpu.memory_space<smem>>
    memref.store %reduce_sum3A_116, %arg3[%swap3A, %swap3A_117] : memref<1x1xf32, #tpu.memory_space<smem>>
    %convert_element_type3A_119 = arith.extui %and3A_97 : vector<4x4096xi1> to vector<4x4096xi32>
    %convert_element_type3A_120 = arith.sitofp %convert_element_type3A_119 : vector<4x4096xi32> to vector<4x4096xf32>
    %reduce_sum3A_121 = vector.shape_cast %convert_element_type3A_120 : vector<4x4096xf32> to vector<1x4x4096xf32>
    %reduce_sum3A_122 = arith.constant dense<0.000000e+00> : vector<1xf32>
    %reduce_sum3A_123 = vector.multi_reduction <add>, %reduce_sum3A_121, %reduce_sum3A_122 [1, 2] : vector<1x4x4096xf32> to vector<1xf32>
    %reduce_sum3A_124 = vector.shape_cast %reduce_sum3A_123 : vector<1xf32> to vector<1x1x1xf32>
    %reduce_sum3A_125 = vector.extract %reduce_sum3A_124[0, 0, 0] : f32 from vector<1x1x1xf32>
    %swap3A_126 = arith.constant 0 : index
    %swap3A_127 = arith.constant 0 : index
    %swap3A_128 = memref.load %arg4[%swap3A_126, %swap3A_127] : memref<1x1xf32, #tpu.memory_space<smem>>
    memref.store %reduce_sum3A_125, %arg4[%swap3A_126, %swap3A_127] : memref<1x1xf32, #tpu.memory_space<smem>>
    %swap3A_129 = arith.constant 0 : index
    %swap3A_130 = arith.constant 0 : index
    %swap3A_131 = memref.load %arg5[%swap3A_129, %swap3A_130] : memref<1x1xf32, #tpu.memory_space<smem>>
    memref.store %add3A_85, %arg5[%swap3A_129, %swap3A_130] : memref<1x1xf32, #tpu.memory_space<smem>>
    %swap3A_132 = arith.constant 0 : index
    %swap3A_133 = arith.constant 0 : index
    %swap3A_134 = memref.load %arg6[%swap3A_132, %swap3A_133] : memref<1x1xf32, #tpu.memory_space<smem>>
    memref.store %add3A_93, %arg6[%swap3A_132, %swap3A_133] : memref<1x1xf32, #tpu.memory_space<smem>>
    return
  }
}

</mosaic_0001>

<sc_bundles>
// kernel: kernel.5.cloned.1.call-start
scs
__scs_entry_jumppad:
0x0: {  	(pc) =	sbr.rel $0x88, $3  }
0x1: {  	(tag) =	ssettag $0x0;
	lr =	simm.s32 $0x1  }
0x2: {  	[smem:$0x3F9E] =	sst lr;
	_ =	strace $0xD0000000  }
0x3: {  	_ = 	snop  }
0x4: {  	_ = 	snop  }
0x5: {  	_ = 	snop  }
0x6: {  	_ = 	snop  }
0x7: {  	_ = 	snop  }
__scs_overlays_trampoline_lowered:
0x8: {  	[smem:$0x3FAD] =	sst s0  }
0x9: {  	[smem:$0x3FAE] =	sst s1  }
0xa: {  	[smem:$0x3FAF] =	sst s2  }
0xb: {  	[smem:$0x3FB0] =	sst s3  }
0xc: {  	[smem:$0x3FB1] =	sst s4  }
0xd: {  	[smem:$0x3FB2] =	sst s5  }
0xe: {  	[smem:$0x3FB3] =	sst s6  }
0xf: {  	[smem:$0x3FB4] =	sst s7  }
0x10: {  	[smem:$0x3FB5] =	sst s8  }
0x11: {  	[smem:$0x3FB6] =	sst s9;
	s0 =	simm.s32 @!p0 $0x0  }
0x12: {  	s1 =	sld [smem:$0x3F9C];
	s0 =	simm.s32 @p0 $0x1  }
0x13: {  	[smem:$0x3FB7] =	sst s0;
	s0 =	simm.s32 @!p1 $0x0  }
0x14: {  	s2 =	sld [smem:$0x3F9B];
	s0 =	simm.s32 @p1 $0x1  }
0x15: {  	[smem:$0x3FB8] =	sst s0;
	s0 =	simm.s32 @!p2 $0x0  }
0x16: {  	s3 =	sld [smem:$0x3FDB];
	s0 =	simm.s32 @p2 $0x1  }
0x17: {  	s4 =	simm.s32 $0x1BF5;
	[smem:$0x3FBA] =	sst s0  }
0x18: {  	s0 =	sld [smem:$0x3F9D];
	_ =	swait.ge [sflag:s4], $0x0  }
0x19: {  	s7 =	sld [smem:$0x3F9E]  }
0x1a: {  	s8 =	sadd.s32 $0xFFFFE003, lr  }
0x1b: {  	s9 =	sadd.s32 $0xFFFFFEF7, lr;
	s5 =	simm.s32 $0xFFFFFFFF;
	p2 =	slt.u32 s8, $0xFFFFF086  }
0x1c: {  	p1 =	slt.u32 s9, $0xF7A;
	s5 =	simm.s32 @!p2 $0x0  }
0x1d: {  	s5 =	simm.s32 @p1 $0x1;
	p0 =	seq.s32 s7, s2  }
0x1e: {  	s7 =	smul.u32 @!p0 $0xF7A, s2;
	p2 =	seq.s32 @!p0 s5, $0x0  }
0x1f: {  	s9 =	smul.u32 $0xF7A, s1;
	s8 =	simm.s32 @!p0 $0x1BF5;
	p2 =	por !p2, p0  }
0x20: {  	[sflag:s8] =	ssyncset.s32 @!p0 $0xFFFFF086;
	s6 =	sadd.s32 @!p0 s3, s7;
	s7 =	simm.s32 @!p0 $0x108  }
0x21: {  	s3 =	sadd.s32 s3, s9;
	s6 =	sadd.s32 @!p0 $0x88, s6;
	s7 =	simm.s32 @p2 $0x1082  }
0x22: {  	[simem:s7], [sflag:s8] =	dma.local @!p0 [hbm:s6], $0xF7A  }
0x23: {  	s9 =	sor.u32 $0xD0000000, s2;
	s6 =	simm.s32 $0x108;
	_ =	swait.ge @!p0 [sflag:s8], $0x0  }
0x24: {  	s3 =	sadd.s32 $0x88, s3;
	s6 =	simm.s32 @!p1 $0x1082;
	[sflag:s4] =	ssyncset.s32 $0xFFFFF086  }
0x25: {  	[simem:s6], [sflag:s4] =	dma.local [hbm:s3], $0xF7A  }
0x26: {  	[smem:$0x3F9E] =	sst s1;
	(tag) =	ssettag s2;
	_ =	strace s9  }
0x27: {  	s1 =	sld [smem:$0x3FAE]  }
0x28: {  	s2 =	sld [smem:$0x3FAF]  }
0x29: {  	s4 =	sld [smem:$0x3FB1]  }
0x2a: {  	p0 =	seq.s32 s5, $0x0;
	s5 =	sld [smem:$0x3FB2]  }
0x2b: {  	s6 =	sld [smem:$0x3FB3]  }
0x2c: {  	s7 =	sld [smem:$0x3FB4]  }
0x2d: {  	s3 =	simm.s32 $0x108;
	s8 =	sld [smem:$0x3FB5]  }
0x2e: {  	s3 =	simm.s32 @!p0 $0x1082;
	s9 =	sld [smem:$0x3FB6]  }
0x2f: {  	lr =	sadd.s32 s0, s3;
	s0 =	sld [smem:$0x3FAD]  }
0x30: {  	s3 =	sld [smem:$0x3FB0]  }
0x31: {  	[smem:$0x3FB9] =	sst s10  }
0x32: {  	s10 =	sld [smem:$0x3FB7];
	_ =	sdelay $0x3  }
0x33: {  	p0 =	seq.s32 s10, $0x1;
	s10 =	sld [smem:$0x3FB9];
	_ =	sdelay $0x3  }
0x34: {  	[smem:$0x3FB9] =	sst s10  }
0x35: {  	s10 =	sld [smem:$0x3FB8];
	_ =	sdelay $0x3  }
0x36: {  	p1 =	seq.s32 s10, $0x1;
	s10 =	sld [smem:$0x3FB9];
	_ =	sdelay $0x3  }
0x37: {  	[smem:$0x3FB9] =	sst s10  }
0x38: {  	s10 =	sld [smem:$0x3FBA]  }
0x39: {  	_ = 	snop;
	(pc) =	sbr.ind lr, $3  }
0x3a: {  	_ = 	snop  }
0x3b: {  	_ = 	snop  }
0x3c: {  	p2 =	seq.s32 s10, $0x1;
	s10 =	sld [smem:$0x3FB9]  }
0x3d: {  	_ =	shalt  }
0x3e: {  	_ =	shalt  }
0x3f: {  	_ =	shalt  }
0x40: {  	_ =	shalt  }
0x41: {  	_ =	shalt  }
0x42: {  	_ =	shalt  }
0x43: {  	_ =	shalt  }
0x44: {  	_ =	shalt  }
0x45: {  	_ =	shalt  }
0x46: {  	_ =	shalt  }
0x47: {  	_ =	shalt  }
0x48: {  	_ =	shalt  }
0x49: {  	_ =	shalt  }
0x4a: {  	_ =	shalt  }
0x4b: {  	_ =	shalt  }
0x4c: {  	_ =	shalt  }
0x4d: {  	_ =	shalt  }
0x4e: {  	_ =	shalt  }
0x4f: {  	_ =	shalt  }
0x50: {  	_ =	shalt  }
0x51: {  	_ =	shalt  }
0x52: {  	_ =	shalt  }
0x53: {  	_ =	shalt  }
0x54: {  	_ =	shalt  }
0x55: {  	_ =	shalt  }
0x56: {  	_ =	shalt  }
0x57: {  	_ =	shalt  }
0x58: {  	_ =	shalt  }
0x59: {  	_ =	shalt  }
0x5a: {  	_ =	shalt  }
0x5b: {  	_ =	shalt  }
0x5c: {  	_ =	shalt  }
0x5d: {  	_ =	shalt  }
0x5e: {  	_ =	shalt  }
0x5f: {  	_ =	shalt  }
0x60: {  	_ =	shalt  }
0x61: {  	_ =	shalt  }
0x62: {  	_ =	shalt  }
0x63: {  	_ =	shalt  }
0x64: {  	_ =	shalt  }
0x65: {  	_ =	shalt  }
0x66: {  	_ =	shalt  }
0x67: {  	_ =	shalt  }
0x68: {  	_ =	shalt  }
0x69: {  	_ =	shalt  }
0x6a: {  	_ =	shalt  }
0x6b: {  	_ =	shalt  }
0x6c: {  	_ =	shalt  }
0x6d: {  	_ =	shalt  }
0x6e: {  	_ =	shalt  }
0x6f: {  	_ =	shalt  }
0x70: {  	_ =	shalt  }
0x71: {  	_ =	shalt  }
0x72: {  	_ =	shalt  }
0x73: {  	_ =	shalt  }
0x74: {  	_ =	shalt  }
0x75: {  	_ =	shalt  }
0x76: {  	_ =	shalt  }
0x77: {  	_ =	shalt  }
0x78: {  	_ =	shalt  }
0x79: {  	_ =	shalt  }
0x7a: {  	_ =	shalt  }
0x7b: {  	_ =	shalt  }
0x7c: {  	_ =	shalt  }
0x7d: {  	_ =	shalt  }
0x7e: {  	_ =	shalt  }
0x7f: {  	_ =	shalt  }
0x80: {  	_ =	shalt  }
0x81: {  	_ =	shalt  }
0x82: {  	_ =	shalt  }
0x83: {  	_ =	shalt  }
0x84: {  	_ =	shalt  }
0x85: {  	_ =	shalt  }
0x86: {  	_ =	shalt  }
0x87: {  	_ =	shalt  }
.Lfunc_end0:
.L_simem_size_0:
called_computation_lowered:
.L_overlay_start_0:
0x88: {  	s2 =	sld [smem:$0x3FD9]  }
0x89: {  	s3 =	sld [smem:$0x3FFE];
	_ =	sdelay $0x1  }
0x8a: {  	s1 =	srdreg.scid  }
0x8b: {  	s0 =	sand.u32 $0x1, s1  }
0x8c: {  	s16 =	sshll.u32 s0, $0xA;
	s2 =	sadd.s32 s3, s2  }
0x8d: {  	s2 =	sadd.s32 s2, s16  }
0x8e: {  	[smem:$0x3FC5] =	sst s2  }
0x8f: {  	_ = 	snop  }
0x90: {  	(tm) =	ssettm $0x1  }
0x91: {  	s17 =	sld [smem:$0x3FFB];
	_ =	sdelay $0x3  }
0x92: {  	_ =	strace s17  }
0x93: {  	s2 =	sld [smem:$0x3FFC];
	_ =	sdelay $0x3  }
0x94: {  	_ =	strace s2  }
0x95: {  	s2 =	sld [smem:$0x3FFD];
	_ =	sdelay $0x3  }
0x96: {  	_ =	strace s2  }
0x97: {  	_ =	strace $0x8FFFFFFF  }
0x98: {  	s18 =	sld [smem:$0x3FDB];
	_ =	sdelay $0x1  }
0x99: {  	s19 =	simm.s32 $_scs_section_size  }
0x9a: {  	s4 =	simm.s32 $_size__tile_overlayer_lowered;
	s5 =	simm.s32 $_tile_overlayer_lowered  }
0x9b: {  	s22 =	simm.s32 $0x1BFF;
	s21 =	sshll.u32 s5, $0x1;
	s2 =	sadd.s32 s19, s18  }
0x9c: {  	s6 =	simm.s32 $0x0;
	s20 =	sshll.u32 s4, $0x1;
	s4 =	sadd.s32 s21, s2  }
0x9d: {  	[timem:s6], [sflag:s22] =	dma.local [hbm:s4], s20  }
0x9e: {  	_ =	swait.ge [sflag:s22], s20  }
0x9f: {  	s3 =	ssub.s32 $0x0, s20;
	[sflag:s22] =	ssyncset.done $0x0  }
0xa0: {  	[sflag:s22] =	ssyncadd.s32 s3;
	_ =	sdelay $0x1  }
0xa1: {  	s23 =	simm.s32 $0x1B8B  }
0xa2: {  	_ =	swait.ge [sflag:s23], $0x1  }
0xa3: {  	[sflag:s23] =	ssyncset.done $0x0  }
0xa4: {  	s25 =	simm.s32 $0x1B8E;
	s24 =	sld [smem:$0x3FFE];
	[sflag:s23] =	ssyncadd.s32 $0xFFFFFFFF  }
0xa5: {  	s26 =	simm.s32 $execute0_lowered;
	[smem:$0x3FD2] =	sst s25  }
0xa6: {  	s4 =	sshll.u32 s26, $0x1;
	_ =	strace $0x80000046;
	[dreg:$0x1] =	wrdreg $0xFFFFFFFF  }
0xa7: {  	s28 =	simm.s32 $_size_execute0_lowered;
	s2 =	sadd.s32 s2, s4;
	[dreg:$0x0] =	wrdreg $0x0  }
0xa8: {  	s4 =	sshll.u32 s28, $0x1;
	[dreg:$0x2] =	wrdreg s2  }
0xa9: {  	[dreg:$0x3] =	wrdreg s4  }
0xaa: {  	[dreg:$0x4] =	wrdreg $0xC0  }
0xab: {  	_ =	task [dreg:s6], $0x5FFFF  }
0xac: {  	[dreg:$0x1] =	wrdreg $0xFFFFFFFF  }
0xad: {  	[dreg:$0x0] =	wrdreg $0x60  }
0xae: {  	[dreg:$0x2] =	wrdreg s24  }
0xaf: {  	[dreg:$0x3] =	wrdreg $0x9  }
0xb0: {  	_ =	task.clear_ibuf [dreg:s6], $0x4FFFF;
	_ =	strace $0x90000046  }
0xb1: {  	s29 =	simm.s32 $0x9;
	_ =	strace $0x80000048  }
0xb2: {  	_ =	swait.ge [sflag:s29], $0x1  }
0xb3: {  	[sflag:s29] =	ssyncadd.s32 $0xFFFFFFFF  }
0xb4: {  	_ =	strace $0x90000048  }
0xb5: {  	_ =	sfence  }
0xb6: {  	s30 =	sld [smem:$0x0];
	_ =	sdelay $0x2  }
0xb7: {  	s31 =	sshll.u32 s1, $0xD;
	s1 =	sshrl.u32 s1, $0x2  }
0xb8: {  	s3 =	sand.u32 $0x4000, s31;
	s1 =	sadd.s32 s1, s30  }
0xb9: {  	s0 =	sor.u32 s3, s0;
	s1 =	sshll.u32 s1, $0x11  }
0xba: {  	s0 =	sor.u32 s1, s0  }
0xbb: {  	s0 =	sadd.s32 $0x8F2B, s0  }
0xbc: {  	[sflag:s0] =	ssyncadd.remote.s32 $0x1  }
0xbd: {  	_ =	sfence.sel $0xFFFF  }
0xbe: {  	[dreg:$0x0] =	wrdreg $0xFFFFFFFF;
	(pc) =	sbr.abs _section_cstart, $3  }
0xbf: {  	[dreg:$0x1] =	wrdreg $0xFFFFFFFF  }
0xc0: {  	_ =	task.clear_ibuf [dreg:s6], $0x2FFFF;
	_ =	strace $0x9FFFFFFF  }
0xc1: {  	(tm) =	ssettm $0x7FFFFFFF  }
tec
execute0_lowered:
.L_overlay_start_1:
0x0: {  	(tag) =	ssettag $0x1  }
0x1: {  	s3 =	rddreg [dreg:$0x0]  }
0x2: {  	s0 =	rddreg [dreg:$0x1];
	s1 =	stileid.u32  }
0x3: {  	s2 =	simm.s32 $0x0;
	s4 =	srdreg.scid;
	s16 =	simm.s32 $0x1  }
0x4: {  	s17 =	simm.s32 $0x40;
	s18 =	simm.s32 $0x100;
	s19 =	simm.s32 $0xE180  }
0x5: {  	s20 =	simm.s32 $0x0;
	s5 =	sshll.u32 s1, $0x1;
	[smem:$0x7FF] =	sst s2  }
0x6: {  	s4 =	sand.u32 $0x1, s4;
	s6 =	sshrl.u32 s1, $0x2;
	s9 =	sadd.s32 $0x100A00, s3  }
0x7: {  	s10 =	sadd.s32 $0xA00, s3;
	s5 =	sand.u32 $0x6, s5;
	s8 =	smul.u32 $0x3000, s6  }
0x8: {  	_ =	strace $0x80000047;
	s7 =	sshll.u32 s6, $0x9;
	s28 =	smul.u32 $0x6000, s6  }
0x9: {  	s29 =	smul.u32 $0x30000, s6;
	s5 =	sor.u32 s4, s5;
	s4 =	ssub.s32 $0x2, s4  }
0xa: {  	s5 =	sshll.u32 s5, $0x6;
	s11 =	sshrl.u32 s4, $0x1;
	s6 =	sadd.s32 s9, s28  }
0xb: {  	s31 =	sshrl.u32 s29, $0x3;
	s7 =	sor.u32 s7, s5;
	s15 =	ssub.s32 s4, s11  }
0xc: {  	s25 =	sor.u32 s8, s5;
	s13 =	sadd.s32 s9, s31;
	s7 =	sshrl.u32 s7, $0x3  }
0xd: {  	s26 =	sshrl.u32 s25, $0x3;
	s5 =	sadd.s32 $0x1000, s25;
	s8 =	sadd.s32 $0x2000, s25  }
0xe: {  	s9 =	sadd.s32 $0x2400, s13;
	s11 =	sadd.s32 $0x3C00, s13;
	s12 =	sadd.s32 $0x4800, s13  }
0xf: {  	s15 =	smax.u32 s15, $0x1;
	s14 =	sadd.s32 s7, s3;
	s5 =	sshrl.u32 s5, $0x3  }
0x10: {  	s3 =	sadd.s32 s10, s26;
	s30 =	sshrl.u32 s8, $0x3;
	s7 =	sadd.s32 $0xC00, s6  }
0x11: {  	s8 =	sadd.s32 $0x1800, s6;
	s4 =	sadd.s32 s10, s5;
	s5 =	sadd.s32 s10, s30  }
0x12: {  	v0 =	vimm.f32 $+Inf;
	s10 =	sadd.s32 $0x3000, s13;
	s13 =	sadd.s32 $0x5400, s13;
	s14 =	sadd.s32 $0x2200, s14  }
.LBB2_1:
0x13: {  	[tilespmem:s2], [sflag:$0x1] =	stream.linear.gather [hbm4b:s3+s2], $0x40, $0x38;
	[tilespmem:$0xE200] =	vst v63  }
0x14: {  	_ =	swait.ge [sflag:s16], $0x40  }
0x15: {  	[sflag:s16] =	ssyncset.done $0x0  }
0x16: {  	[sflag:s16] =	ssyncadd.s32 $0xFFFFFFC0  }
0x17: {  	[tilespmem:s17], [sflag:$0x1] =	stream.linear.gather [hbm4b:s4+s2], $0x40, $0x38;
	[tilespmem:$0xE200] =	vst v63  }
0x18: {  	_ =	swait.ge [sflag:s16], $0x40  }
0x19: {  	[sflag:s16] =	ssyncset.done $0x0  }
0x1a: {  	s21 =	simm.s32 $0x80;
	[sflag:s16] =	ssyncadd.s32 $0xFFFFFFC0  }
0x1b: {  	[tilespmem:s21], [sflag:$0x1] =	stream.linear.gather [hbm4b:s5+s2], $0x40, $0x38;
	[tilespmem:$0xE200] =	vst v63  }
0x1c: {  	_ =	swait.ge [sflag:s16], $0x40  }
0x1d: {  	[sflag:s16] =	ssyncset.done $0x0  }
0x1e: {  	[sflag:s16] =	ssyncadd.s32 $0xFFFFFFC0  }
0x1f: {  	v1 =	vld [tilespmem:$0x0]  }
0x20: {  	v2 =	vld [tilespmem:$0x40]  }
0x21: {  	v3 =	vld [tilespmem:$0x80]  }
0x22: {  	v4 =	vld [tilespmem:$0x10]  }
0x23: {  	v7 =	vld [tilespmem:$0x50]  }
0x24: {  	v10 =	vld [tilespmem:$0x90]  }
0x25: {  	v5 =	vmul.f32 v1, v1;
	v6 =	vmul.f32 v2, v2  }
0x26: {  	v8 =	vmul.f32 $6.553700000e+04, v1;
	v44 =	vmul.f32 v3, v3  }
0x27: {  	v13 =	vld [tilespmem:$0x60];
	v9 =	vmul.f32 $6.553700000e+04, v2;
	v45 =	vmul.f32 $6.553700000e+04, v3  }
0x28: {  	v11 =	vld [tilespmem:$0x20];
	v46 =	vmul.f32 v4, v4;
	v12 =	vmul.f32 v7, v7  }
0x29: {  	[tilespmem:$0xE100] =	vst v0;
	v47 =	vmul.f32 $6.553700000e+04, v4;
	v48 =	vmul.f32 v10, v10;
	v5 =	vadd.f32 v6, v5  }
0x2a: {  	[tilespmem:$0xE110] =	vst v0;
	v14 =	vmul.f32 $6.553700000e+04, v7;
	v1 =	vsub.f32 v8, v1;
	v2 =	vsub.f32 v9, v2  }
0x2b: {  	v15 =	vld [tilespmem:$0xA0];
	[tilespmem:$0xE120] =	vst v0;
	v50 =	vmul.f32 $6.553700000e+04, v10;
	v3 =	vsub.f32 v45, v3;
	v5 =	vadd.f32 v44, v5  }
0x2c: {  	v51 =	vld [tilespmem:$0x30];
	[tilespmem:$0xE130] =	vst v0;
	v52 =	vmul.f32 v13, v13;
	v4 =	vsub.f32 v47, v4;
	v1 =	vsub.f32 v8, v1  }
0x2d: {  	v55 =	vmul.f32 $6.553700000e+04, v11;
	v2 =	vsub.f32 v9, v2;
	v8 =	vadd.f32 v12, v46;
	[tilespmem:$0xE180] =	vst v5  }
0x2e: {  	v53 =	vld [tilespmem:$0x70];
	v3 =	vsub.f32 v45, v3;
	[tilespmem:$0x0] =	vst v1;
	v1 =	vsub.f32 v47, v4;
	v4 =	vmul.f32 v11, v11  }
0x2f: {  	v57 =	vld [tilespmem:$0xB0];
	v56 =	vmul.f32 $6.553700000e+04, v13;
	v49 =	vsub.f32 v14, v7;
	v5 =	vadd.f32 v48, v8;
	[tilespmem:$0x40] =	vst v2  }
0x30: {  	v54 =	vsub.f32 v50, v10;
	[tilespmem:$0x80] =	vst v3;
	v3 =	vadd.f32 v52, v4;
	v4 =	vmul.f32 v15, v15  }
0x31: {  	v59 =	vmul.f32 v51, v51;
	v58 =	vsub.f32 v55, v11;
	v2 =	vsub.f32 v14, v49;
	[tilespmem:$0xE190] =	vst v5  }
0x32: {  	v5 =	vsub.f32 v50, v54;
	[tilespmem:$0x10] =	vst v1;
	v1 =	vadd.f32 v4, v3;
	v4 =	vmul.f32 $6.553700000e+04, v15  }
0x33: {  	v60 =	vmul.f32 v53, v53;
	v61 =	vmul.f32 $6.553700000e+04, v51;
	[tilespmem:$0x50] =	vst v2;
	v3 =	vsub.f32 v56, v13  }
0x34: {  	v62 =	vmul.f32 v57, v57;
	v2 =	vsub.f32 v55, v58;
	[tilespmem:$0x90] =	vst v5;
	v5 =	vsub.f32 v4, v15  }
0x35: {  	v63 =	vmul.f32 $6.553700000e+04, v53;
	v3 =	vsub.f32 v56, v3;
	[tilespmem:$0xE1A0] =	vst v1;
	v1 =	vadd.f32 v60, v59  }
0x36: {  	[tilespmem:$0x20] =	vst v2;
	v2 =	vsub.f32 v4, v5;
	v4 =	vsub.f32 v61, v51;
	v5 =	vmul.f32 $6.553700000e+04, v57  }
0x37: {  	[tilespmem:$0x60] =	vst v3;
	v1 =	vadd.f32 v62, v1;
	v3 =	vsub.f32 v63, v53  }
0x38: {  	[tilespmem:$0xA0] =	vst v2;
	v2 =	vsub.f32 v61, v4;
	v4 =	vsub.f32 v5, v57  }
0x39: {  	[tilespmem:$0xE1B0] =	vst v1;
	v1 =	vsub.f32 v63, v3  }
0x3a: {  	[tilespmem:$0x30] =	vst v2;
	v2 =	vsub.f32 v5, v4  }
0x3b: {  	[tilespmem:$0x70] =	vst v1  }
0x3c: {  	[tilespmem:$0xB0] =	vst v2  }
0x3d: {  	[tilespmem:s18], [sflag:$0x1] =	stream.linear.gather [hbm4b:s6+s2], $0x6000, $0x38;
	[tilespmem:$0xE200] =	vst v63  }
0x3e: {  	_ =	swait.ge [sflag:s16], $0x6000  }
0x3f: {  	[sflag:s16] =	ssyncset.done $0x0  }
0x40: {  	s31 =	simm.s32 $0x20;
	[sflag:s16] =	ssyncadd.s32 $0xFFFFA000  }
0x41: {  	v3 =	vld [tilespmem:s31+$0xF0]  }
0x42: {  	v1 =	vld [tilespmem:s31+$0xE0]  }
0x43: {  	s22 =	simm.s32 $0x6120;
	s23 =	simm.s32 $0x140;
	s21 =	simm.s32 $0x6120;
	v2 =	vld [tilespmem:s31+$0x100]  }
.LBB2_2:
0x44: {  	p0 =	sne.s32 s23, $0x17FC0  }
0x45: {  	s22 =	sadd.s32 $0x40, s22;
	s24 =	smov.u32 s23;
	s23 =	sadd.s32 $0xC0, s23  }
0x46: {  	v4 =	vmul.f32 v3, v3;
	v5 =	vmul.f32 $6.553700000e+04, v3  }
0x47: {  	s24 =	sshra.s32 s24, $0x2;
	v6 =	vmul.f32 v1, v1;
	v7 =	vmul.f32 $6.553700000e+04, v1  }
0x48: {  	v3 =	vsub.f32 v5, v3;
	v8 =	vmul.f32 $6.553700000e+04, v2  }
0x49: {  	v4 =	vadd.f32 v4, v6;
	v6 =	vmul.f32 v2, v2;
	v1 =	vsub.f32 v7, v1  }
0x4a: {  	v3 =	vsub.f32 v5, v3;
	v2 =	vsub.f32 v8, v2  }
0x4b: {  	v4 =	vadd.f32 v6, v4;
	v1 =	vsub.f32 v7, v1  }
0x4c: {  	v3 =	vmul.f32 $-2.000000000e+00, v3;
	v2 =	vsub.f32 v8, v2  }
0x4d: {  	[tilespmem:s21+$0x10] =	vst v4;
	v1 =	vmul.f32 $-2.000000000e+00, v1  }
0x4e: {  	[tilespmem:s21+$0xFFFFFFF0] =	vst v3;
	v2 =	vmul.f32 $-2.000000000e+00, v2  }
.Ltmp0:
0x4f: {  	[tilespmem:s21+$0xFFFFFFE0] =	vst v1;
	(pc) =	sbr.rel @p0 .LBB2_2-.Ltmp0, $4  }
0x50: {  	[tilespmem:s21+$0x0] =	vst v2;
	s21 =	smov.u32 s22  }
0x51: {  	v3 =	vld [tilespmem:s24+$0xF0]  }
0x52: {  	v1 =	vld [tilespmem:s24+$0xE0]  }
0x53: {  	v2 =	vld [tilespmem:s24+$0x100]  }
0x54: {  	_ =	sdelay $0x1  }
0x55: {  	v4 =	vmul.f32 v3, v3;
	v5 =	vmul.f32 $6.553700000e+04, v3  }
0x56: {  	v6 =	vmul.f32 v1, v1;
	v7 =	vmul.f32 $6.553700000e+04, v1  }
0x57: {  	v3 =	vsub.f32 v5, v3;
	v8 =	vmul.f32 $6.553700000e+04, v2  }
0x58: {  	v4 =	vadd.f32 v4, v6;
	v6 =	vmul.f32 v2, v2;
	v1 =	vsub.f32 v7, v1  }
0x59: {  	v3 =	vsub.f32 v5, v3;
	v2 =	vsub.f32 v8, v2  }
0x5a: {  	v4 =	vadd.f32 v6, v4;
	v1 =	vsub.f32 v7, v1  }
0x5b: {  	v3 =	vmul.f32 $-2.000000000e+00, v3;
	v2 =	vsub.f32 v8, v2  }
0x5c: {  	[tilespmem:s21+$0x10] =	vst v4;
	v1 =	vmul.f32 $-2.000000000e+00, v1  }
0x5d: {  	[tilespmem:s21+$0xFFFFFFF0] =	vst v3;
	v2 =	vmul.f32 $-2.000000000e+00, v2  }
0x5e: {  	[tilespmem:s21+$0xFFFFFFE0] =	vst v1  }
0x5f: {  	[tilespmem:s21+$0x0] =	vst v2  }
0x60: {  	v10 =	vld [tilespmem:$0x0]  }
0x61: {  	v4 =	vld [tilespmem:$0x40]  }
0x62: {  	v2 =	vld [tilespmem:$0x80]  }
0x63: {  	v11 =	vld [tilespmem:$0x10]  }
0x64: {  	v5 =	vld [tilespmem:$0x50]  }
0x65: {  	v1 =	vld [tilespmem:$0x90]  }
0x66: {  	v14 =	vld [tilespmem:$0x20]  }
0x67: {  	v6 =	vld [tilespmem:$0x60]  }
0x68: {  	v15 =	vld [tilespmem:$0x30]  }
0x69: {  	s31 =	simm.s32 $0x0;
	v7 =	vld [tilespmem:$0x70]  }
0x6a: {  	v9 =	vld [tilespmem:s31+$0x6100]  }
0x6b: {  	v18 =	vld [tilespmem:s31+$0x6110]  }
0x6c: {  	v12 =	vld [tilespmem:s31+$0x6130]  }
0x6d: {  	v3 =	vld [tilespmem:$0xB0]  }
0x6e: {  	v17 =	vld [tilespmem:s31+$0x6120]  }
0x6f: {  	v8 =	vld [tilespmem:$0xA0];
	v13 =	vmul.f32 v9, v10;
	v19 =	vmul.f32 v9, v15  }
0x70: {  	v16 =	vld [tilespmem:$0xE100];
	v21 =	vmul.f32 v9, v11;
	v23 =	vmul.f32 v9, v14  }
0x71: {  	v9 =	vld [tilespmem:$0xE110];
	v26 =	vmul.f32 v18, v7;
	v20 =	vadd.f32 v12, v13;
	v24 =	vadd.f32 v12, v19  }
0x72: {  	v22 =	vmul.f32 v18, v4;
	v21 =	vadd.f32 v12, v21;
	v19 =	vadd.f32 v12, v23;
	v12 =	vld [tilespmem:$0xE130]  }
0x73: {  	s22 =	simm.s32 $0x40;
	s21 =	simm.s32 $0x200;
	v25 =	vmul.f32 v18, v5;
	v13 =	vld [tilespmem:$0xE120];
	v23 =	vadd.f32 v24, v26;
	v24 =	vmul.f32 v17, v3  }
.LBB2_4:
0x74: {  	p0 =	sne.s32 s21, $0x1FF00;
	v26 =	vld [tilespmem:s22+$0x6100];
	v20 =	vadd.f32 v20, v22;
	v22 =	vmul.f32 v17, v2;
	v27 =	vmul.f32 v18, v6  }
0x75: {  	v18 =	vld [tilespmem:s22+$0x6110];
	v21 =	vadd.f32 v21, v25;
	v25 =	vmul.f32 v17, v1;
	v23 =	vadd.f32 v23, v24  }
0x76: {  	v24 =	vld [tilespmem:s22+$0x6130];
	v20 =	vadd.f32 v20, v22;
	v19 =	vadd.f32 v19, v27;
	v22 =	vmul.f32 v17, v8  }
0x77: {  	v21 =	vadd.f32 v21, v25;
	v12 =	vmin.f32 v12, v23  }
0x78: {  	v17 =	vld [tilespmem:s22+$0x6120];
	v16 =	vmin.f32 v16, v20;
	v19 =	vadd.f32 v19, v22  }
.Ltmp1:
0x79: {  	v20 =	vmul.f32 v26, v10;
	v22 =	vmul.f32 v26, v15;
	v9 =	vmin.f32 v9, v21;
	(pc) =	sbr.rel @p0 .LBB2_4-.Ltmp1, $4  }
0x7a: {  	v21 =	vmul.f32 v26, v11;
	v23 =	vmul.f32 v26, v14;
	v13 =	vmin.f32 v13, v19  }
0x7b: {  	v27 =	vmul.f32 v18, v7;
	v20 =	vadd.f32 v24, v20;
	v26 =	vadd.f32 v24, v22  }
0x7c: {  	v22 =	vmul.f32 v18, v4;
	v21 =	vadd.f32 v24, v21;
	v19 =	vadd.f32 v24, v23  }
0x7d: {  	s22 =	sshra.s32 s21, $0x2;
	s21 =	sadd.s32 $0x100, s21;
	v25 =	vmul.f32 v18, v5;
	v23 =	vadd.f32 v26, v27;
	v24 =	vmul.f32 v17, v3  }
0x7e: {  	v26 =	vld [tilespmem:s22+$0x6100]  }
0x7f: {  	v20 =	vadd.f32 v20, v22;
	v56 =	vmul.f32 v17, v2;
	v27 =	vld [tilespmem:s22+$0x6110]  }
0x80: {  	v18 =	vmul.f32 v18, v6;
	v57 =	vmul.f32 v17, v1;
	v28 =	vld [tilespmem:s22+$0x6130];
	v21 =	vadd.f32 v21, v25  }
0x81: {  	v60 =	vld [tilespmem:s22+$0x6120];
	v23 =	vadd.f32 v23, v24;
	v20 =	vadd.f32 v20, v56  }
0x82: {  	v58 =	vmul.f32 v17, v8;
	v18 =	vadd.f32 v19, v18;
	v59 =	vadd.f32 v21, v57  }
0x83: {  	v16 =	vmin.f32 v16, v20;
	v10 =	vmul.f32 v26, v10;
	v15 =	vmul.f32 v26, v15  }
0x84: {  	v17 =	vadd.f32 v18, v58;
	v11 =	vmul.f32 v26, v11;
	v14 =	vmul.f32 v26, v14  }
0x85: {  	v4 =	vmul.f32 v27, v4;
	v5 =	vmul.f32 v27, v5;
	v10 =	vadd.f32 v28, v10  }
0x86: {  	v2 =	vmul.f32 v60, v2;
	v61 =	vmul.f32 v27, v6;
	v11 =	vadd.f32 v28, v11  }
0x87: {  	v7 =	vmul.f32 v27, v7;
	v14 =	vadd.f32 v28, v14;
	v4 =	vadd.f32 v10, v4  }
0x88: {  	v1 =	vmul.f32 v60, v1;
	v15 =	vadd.f32 v28, v15;
	v5 =	vadd.f32 v11, v5  }
0x89: {  	v62 =	vmul.f32 v60, v8;
	v2 =	vadd.f32 v4, v2;
	v4 =	vadd.f32 v14, v61  }
0x8a: {  	v3 =	vmul.f32 v60, v3;
	v7 =	vadd.f32 v15, v7;
	v1 =	vadd.f32 v5, v1  }
0x8b: {  	v5 =	vmin.f32 v9, v59;
	v2 =	vmin.f32 v16, v2;
	v4 =	vadd.f32 v4, v62  }
0x8c: {  	v63 =	vmin.f32 v13, v17;
	v3 =	vadd.f32 v7, v3;
	v1 =	vmin.f32 v5, v1;
	[tilespmem:$0xE100] =	vst v2  }
0x8d: {  	v2 =	vmin.f32 v12, v23;
	[tilespmem:$0xE110] =	vst v1;
	v4 =	vmin.f32 v63, v4  }
0x8e: {  	v1 =	vmin.f32 v2, v3;
	[tilespmem:$0xE120] =	vst v4  }
0x8f: {  	[tilespmem:$0xE130] =	vst v1  }
0x90: {  	[tilespmem:s18], [sflag:$0x1] =	stream.linear.gather [hbm4b:s7+s2], $0x6000, $0x38;
	[tilespmem:$0xE200] =	vst v63  }
0x91: {  	_ =	swait.ge [sflag:s16], $0x6000  }
0x92: {  	[sflag:s16] =	ssyncset.done $0x0  }
0x93: {  	s21 =	simm.s32 $0x20;
	[sflag:s16] =	ssyncadd.s32 $0xFFFFA000  }
0x94: {  	v3 =	vld [tilespmem:s21+$0xF0]  }
0x95: {  	v1 =	vld [tilespmem:s21+$0xE0]  }
0x96: {  	s22 =	simm.s32 $0x6120;
	s23 =	simm.s32 $0x140;
	v2 =	vld [tilespmem:s21+$0x100];
	s21 =	simm.s32 $0x6120  }
.LBB2_6:
0x97: {  	p0 =	sne.s32 s23, $0x17FC0  }
0x98: {  	s22 =	sadd.s32 $0x40, s22;
	s24 =	smov.u32 s23;
	s23 =	sadd.s32 $0xC0, s23  }
0x99: {  	v4 =	vmul.f32 v3, v3;
	v5 =	vmul.f32 $6.553700000e+04, v3  }
0x9a: {  	s24 =	sshra.s32 s24, $0x2;
	v6 =	vmul.f32 v1, v1;
	v7 =	vmul.f32 $6.553700000e+04, v1  }
0x9b: {  	v3 =	vsub.f32 v5, v3;
	v8 =	vmul.f32 $6.553700000e+04, v2  }
0x9c: {  	v4 =	vadd.f32 v4, v6;
	v6 =	vmul.f32 v2, v2;
	v1 =	vsub.f32 v7, v1  }
0x9d: {  	v3 =	vsub.f32 v5, v3;
	v2 =	vsub.f32 v8, v2  }
0x9e: {  	v4 =	vadd.f32 v6, v4;
	v1 =	vsub.f32 v7, v1  }
0x9f: {  	v3 =	vmul.f32 $-2.000000000e+00, v3;
	v2 =	vsub.f32 v8, v2  }
0xa0: {  	[tilespmem:s21+$0x10] =	vst v4;
	v1 =	vmul.f32 $-2.000000000e+00, v1  }
0xa1: {  	[tilespmem:s21+$0xFFFFFFF0] =	vst v3;
	v2 =	vmul.f32 $-2.000000000e+00, v2  }
.Ltmp2:
0xa2: {  	[tilespmem:s21+$0xFFFFFFE0] =	vst v1;
	(pc) =	sbr.rel @p0 .LBB2_6-.Ltmp2, $4  }
0xa3: {  	[tilespmem:s21+$0x0] =	vst v2;
	s21 =	smov.u32 s22  }
0xa4: {  	v3 =	vld [tilespmem:s24+$0xF0]  }
0xa5: {  	v1 =	vld [tilespmem:s24+$0xE0]  }
0xa6: {  	v2 =	vld [tilespmem:s24+$0x100]  }
0xa7: {  	_ =	sdelay $0x1  }
0xa8: {  	v4 =	vmul.f32 v3, v3;
	v5 =	vmul.f32 $6.553700000e+04, v3  }
0xa9: {  	v6 =	vmul.f32 v1, v1;
	v7 =	vmul.f32 $6.553700000e+04, v1  }
0xaa: {  	v3 =	vsub.f32 v5, v3;
	v8 =	vmul.f32 $6.553700000e+04, v2  }
0xab: {  	v4 =	vadd.f32 v4, v6;
	v6 =	vmul.f32 v2, v2;
	v1 =	vsub.f32 v7, v1  }
0xac: {  	v3 =	vsub.f32 v5, v3;
	v2 =	vsub.f32 v8, v2  }
0xad: {  	v4 =	vadd.f32 v6, v4;
	v1 =	vsub.f32 v7, v1  }
0xae: {  	v3 =	vmul.f32 $-2.000000000e+00, v3;
	v2 =	vsub.f32 v8, v2  }
0xaf: {  	[tilespmem:s21+$0x10] =	vst v4;
	v1 =	vmul.f32 $-2.000000000e+00, v1  }
0xb0: {  	[tilespmem:s21+$0xFFFFFFF0] =	vst v3;
	v2 =	vmul.f32 $-2.000000000e+00, v2  }
0xb1: {  	[tilespmem:s21+$0xFFFFFFE0] =	vst v1  }
0xb2: {  	[tilespmem:s21+$0x0] =	vst v2  }
0xb3: {  	v10 =	vld [tilespmem:$0x0]  }
0xb4: {  	v4 =	vld [tilespmem:$0x40]  }
0xb5: {  	v2 =	vld [tilespmem:$0x80]  }
0xb6: {  	v11 =	vld [tilespmem:$0x10]  }
0xb7: {  	v5 =	vld [tilespmem:$0x50]  }
0xb8: {  	v1 =	vld [tilespmem:$0x90]  }
0xb9: {  	v14 =	vld [tilespmem:$0x20]  }
0xba: {  	v6 =	vld [tilespmem:$0x60]  }
0xbb: {  	v15 =	vld [tilespmem:$0x30]  }
0xbc: {  	s31 =	simm.s32 $0x0;
	v7 =	vld [tilespmem:$0x70]  }
0xbd: {  	v9 =	vld [tilespmem:s31+$0x6100]  }
0xbe: {  	v18 =	vld [tilespmem:s31+$0x6110]  }
0xbf: {  	v12 =	vld [tilespmem:s31+$0x6130]  }
0xc0: {  	v3 =	vld [tilespmem:$0xB0]  }
0xc1: {  	v17 =	vld [tilespmem:s31+$0x6120]  }
0xc2: {  	v8 =	vld [tilespmem:$0xA0];
	v13 =	vmul.f32 v9, v10;
	v19 =	vmul.f32 v9, v15  }
0xc3: {  	v16 =	vld [tilespmem:$0xE100];
	v21 =	vmul.f32 v9, v11;
	v23 =	vmul.f32 v9, v14  }
0xc4: {  	v9 =	vld [tilespmem:$0xE110];
	v26 =	vmul.f32 v18, v7;
	v20 =	vadd.f32 v12, v13;
	v24 =	vadd.f32 v12, v19  }
0xc5: {  	v22 =	vmul.f32 v18, v4;
	v21 =	vadd.f32 v12, v21;
	v19 =	vadd.f32 v12, v23;
	v12 =	vld [tilespmem:$0xE130]  }
0xc6: {  	s22 =	simm.s32 $0x40;
	s21 =	simm.s32 $0x200;
	v25 =	vmul.f32 v18, v5;
	v13 =	vld [tilespmem:$0xE120];
	v23 =	vadd.f32 v24, v26;
	v24 =	vmul.f32 v17, v3  }
.LBB2_8:
0xc7: {  	p0 =	sne.s32 s21, $0x1FF00;
	v26 =	vld [tilespmem:s22+$0x6100];
	v20 =	vadd.f32 v20, v22;
	v22 =	vmul.f32 v17, v2;
	v27 =	vmul.f32 v18, v6  }
0xc8: {  	v18 =	vld [tilespmem:s22+$0x6110];
	v21 =	vadd.f32 v21, v25;
	v25 =	vmul.f32 v17, v1;
	v23 =	vadd.f32 v23, v24  }
0xc9: {  	v24 =	vld [tilespmem:s22+$0x6130];
	v20 =	vadd.f32 v20, v22;
	v19 =	vadd.f32 v19, v27;
	v22 =	vmul.f32 v17, v8  }
0xca: {  	v21 =	vadd.f32 v21, v25;
	v12 =	vmin.f32 v12, v23  }
0xcb: {  	v17 =	vld [tilespmem:s22+$0x6120];
	v16 =	vmin.f32 v16, v20;
	v19 =	vadd.f32 v19, v22  }
.Ltmp3:
0xcc: {  	v20 =	vmul.f32 v26, v10;
	v22 =	vmul.f32 v26, v15;
	v9 =	vmin.f32 v9, v21;
	(pc) =	sbr.rel @p0 .LBB2_8-.Ltmp3, $4  }
0xcd: {  	v21 =	vmul.f32 v26, v11;
	v23 =	vmul.f32 v26, v14;
	v13 =	vmin.f32 v13, v19  }
0xce: {  	v27 =	vmul.f32 v18, v7;
	v20 =	vadd.f32 v24, v20;
	v26 =	vadd.f32 v24, v22  }
0xcf: {  	v22 =	vmul.f32 v18, v4;
	v21 =	vadd.f32 v24, v21;
	v19 =	vadd.f32 v24, v23  }
0xd0: {  	s22 =	sshra.s32 s21, $0x2;
	s21 =	sadd.s32 $0x100, s21;
	v25 =	vmul.f32 v18, v5;
	v23 =	vadd.f32 v26, v27;
	v24 =	vmul.f32 v17, v3  }
0xd1: {  	v26 =	vld [tilespmem:s22+$0x6100]  }
0xd2: {  	v20 =	vadd.f32 v20, v22;
	v56 =	vmul.f32 v17, v2;
	v27 =	vld [tilespmem:s22+$0x6110]  }
0xd3: {  	v18 =	vmul.f32 v18, v6;
	v57 =	vmul.f32 v17, v1;
	v28 =	vld [tilespmem:s22+$0x6130];
	v21 =	vadd.f32 v21, v25  }
0xd4: {  	v60 =	vld [tilespmem:s22+$0x6120];
	v23 =	vadd.f32 v23, v24;
	v20 =	vadd.f32 v20, v56  }
0xd5: {  	v58 =	vmul.f32 v17, v8;
	v18 =	vadd.f32 v19, v18;
	v59 =	vadd.f32 v21, v57  }
0xd6: {  	v16 =	vmin.f32 v16, v20;
	v10 =	vmul.f32 v26, v10;
	v15 =	vmul.f32 v26, v15  }
0xd7: {  	v17 =	vadd.f32 v18, v58;
	v11 =	vmul.f32 v26, v11;
	v14 =	vmul.f32 v26, v14  }
0xd8: {  	v4 =	vmul.f32 v27, v4;
	v5 =	vmul.f32 v27, v5;
	v10 =	vadd.f32 v28, v10  }
0xd9: {  	v2 =	vmul.f32 v60, v2;
	v61 =	vmul.f32 v27, v6;
	v11 =	vadd.f32 v28, v11  }
0xda: {  	v7 =	vmul.f32 v27, v7;
	v14 =	vadd.f32 v28, v14;
	v4 =	vadd.f32 v10, v4  }
0xdb: {  	v1 =	vmul.f32 v60, v1;
	v15 =	vadd.f32 v28, v15;
	v5 =	vadd.f32 v11, v5  }
0xdc: {  	v62 =	vmul.f32 v60, v8;
	v2 =	vadd.f32 v4, v2;
	v4 =	vadd.f32 v14, v61  }
0xdd: {  	v3 =	vmul.f32 v60, v3;
	v7 =	vadd.f32 v15, v7;
	v1 =	vadd.f32 v5, v1  }
0xde: {  	v5 =	vmin.f32 v9, v59;
	v2 =	vmin.f32 v16, v2;
	v4 =	vadd.f32 v4, v62  }
0xdf: {  	v63 =	vmin.f32 v13, v17;
	v3 =	vadd.f32 v7, v3;
	v1 =	vmin.f32 v5, v1;
	[tilespmem:$0xE100] =	vst v2  }
0xe0: {  	v2 =	vmin.f32 v12, v23;
	[tilespmem:$0xE110] =	vst v1;
	v4 =	vmin.f32 v63, v4  }
0xe1: {  	v1 =	vmin.f32 v2, v3;
	[tilespmem:$0xE120] =	vst v4  }
0xe2: {  	[tilespmem:$0xE130] =	vst v1  }
0xe3: {  	[tilespmem:s18], [sflag:$0x1] =	stream.linear.gather [hbm4b:s8+s2], $0x6000, $0x38;
	[tilespmem:$0xE200] =	vst v63  }
0xe4: {  	_ =	swait.ge [sflag:s16], $0x6000  }
0xe5: {  	[sflag:s16] =	ssyncset.done $0x0  }
0xe6: {  	s21 =	simm.s32 $0x20;
	[sflag:s16] =	ssyncadd.s32 $0xFFFFA000  }
0xe7: {  	v3 =	vld [tilespmem:s21+$0xF0]  }
0xe8: {  	v1 =	vld [tilespmem:s21+$0xE0]  }
0xe9: {  	s22 =	simm.s32 $0x6120;
	s23 =	simm.s32 $0x140;
	v2 =	vld [tilespmem:s21+$0x100];
	s21 =	simm.s32 $0x6120  }
.LBB2_10:
0xea: {  	p0 =	sne.s32 s23, $0x17FC0  }
0xeb: {  	s22 =	sadd.s32 $0x40, s22;
	s24 =	smov.u32 s23;
	s23 =	sadd.s32 $0xC0, s23  }
0xec: {  	v4 =	vmul.f32 v3, v3;
	v5 =	vmul.f32 $6.553700000e+04, v3  }
0xed: {  	s24 =	sshra.s32 s24, $0x2;
	v6 =	vmul.f32 v1, v1;
	v7 =	vmul.f32 $6.553700000e+04, v1  }
0xee: {  	v3 =	vsub.f32 v5, v3;
	v8 =	vmul.f32 $6.553700000e+04, v2  }
0xef: {  	v4 =	vadd.f32 v4, v6;
	v6 =	vmul.f32 v2, v2;
	v1 =	vsub.f32 v7, v1  }
0xf0: {  	v3 =	vsub.f32 v5, v3;
	v2 =	vsub.f32 v8, v2  }
0xf1: {  	v4 =	vadd.f32 v6, v4;
	v1 =	vsub.f32 v7, v1  }
0xf2: {  	v3 =	vmul.f32 $-2.000000000e+00, v3;
	v2 =	vsub.f32 v8, v2  }
0xf3: {  	[tilespmem:s21+$0x10] =	vst v4;
	v1 =	vmul.f32 $-2.000000000e+00, v1  }
0xf4: {  	[tilespmem:s21+$0xFFFFFFF0] =	vst v3;
	v2 =	vmul.f32 $-2.000000000e+00, v2  }
.Ltmp4:
0xf5: {  	[tilespmem:s21+$0xFFFFFFE0] =	vst v1;
	(pc) =	sbr.rel @p0 .LBB2_10-.Ltmp4, $4  }
0xf6: {  	[tilespmem:s21+$0x0] =	vst v2;
	s21 =	smov.u32 s22  }
0xf7: {  	v3 =	vld [tilespmem:s24+$0xF0]  }
0xf8: {  	v1 =	vld [tilespmem:s24+$0xE0]  }
0xf9: {  	v2 =	vld [tilespmem:s24+$0x100]  }
0xfa: {  	_ =	sdelay $0x1  }
0xfb: {  	v4 =	vmul.f32 v3, v3;
	v5 =	vmul.f32 $6.553700000e+04, v3  }
0xfc: {  	v6 =	vmul.f32 v1, v1;
	v7 =	vmul.f32 $6.553700000e+04, v1  }
0xfd: {  	v3 =	vsub.f32 v5, v3;
	v8 =	vmul.f32 $6.553700000e+04, v2  }
0xfe: {  	v4 =	vadd.f32 v4, v6;
	v6 =	vmul.f32 v2, v2;
	v1 =	vsub.f32 v7, v1  }
0xff: {  	v3 =	vsub.f32 v5, v3;
	v2 =	vsub.f32 v8, v2  }
0x100: {  	v4 =	vadd.f32 v6, v4;
	v1 =	vsub.f32 v7, v1  }
0x101: {  	v3 =	vmul.f32 $-2.000000000e+00, v3;
	v2 =	vsub.f32 v8, v2  }
0x102: {  	[tilespmem:s21+$0x10] =	vst v4;
	v1 =	vmul.f32 $-2.000000000e+00, v1  }
0x103: {  	[tilespmem:s21+$0xFFFFFFF0] =	vst v3;
	v2 =	vmul.f32 $-2.000000000e+00, v2  }
0x104: {  	[tilespmem:s21+$0xFFFFFFE0] =	vst v1  }
0x105: {  	[tilespmem:s21+$0x0] =	vst v2  }
0x106: {  	v10 =	vld [tilespmem:$0x0]  }
0x107: {  	v4 =	vld [tilespmem:$0x40]  }
0x108: {  	v2 =	vld [tilespmem:$0x80]  }
0x109: {  	v11 =	vld [tilespmem:$0x10]  }
0x10a: {  	v5 =	vld [tilespmem:$0x50]  }
0x10b: {  	v1 =	vld [tilespmem:$0x90]  }
0x10c: {  	v14 =	vld [tilespmem:$0x20]  }
0x10d: {  	v6 =	vld [tilespmem:$0x60]  }
0x10e: {  	v15 =	vld [tilespmem:$0x30]  }
0x10f: {  	s31 =	simm.s32 $0x0;
	v7 =	vld [tilespmem:$0x70]  }
0x110: {  	v9 =	vld [tilespmem:s31+$0x6100]  }
0x111: {  	v18 =	vld [tilespmem:s31+$0x6110]  }
0x112: {  	v12 =	vld [tilespmem:s31+$0x6130]  }
0x113: {  	v3 =	vld [tilespmem:$0xB0]  }
0x114: {  	v17 =	vld [tilespmem:s31+$0x6120]  }
0x115: {  	v8 =	vld [tilespmem:$0xA0];
	v13 =	vmul.f32 v9, v10;
	v19 =	vmul.f32 v9, v15  }
0x116: {  	v16 =	vld [tilespmem:$0xE100];
	v21 =	vmul.f32 v9, v11;
	v23 =	vmul.f32 v9, v14  }
0x117: {  	v9 =	vld [tilespmem:$0xE110];
	v26 =	vmul.f32 v18, v7;
	v20 =	vadd.f32 v12, v13;
	v24 =	vadd.f32 v12, v19  }
0x118: {  	v22 =	vmul.f32 v18, v4;
	v21 =	vadd.f32 v12, v21;
	v19 =	vadd.f32 v12, v23;
	v12 =	vld [tilespmem:$0xE130]  }
0x119: {  	s22 =	simm.s32 $0x40;
	s21 =	simm.s32 $0x200;
	v25 =	vmul.f32 v18, v5;
	v13 =	vld [tilespmem:$0xE120];
	v23 =	vadd.f32 v24, v26;
	v24 =	vmul.f32 v17, v3  }
.LBB2_12:
0x11a: {  	p0 =	sne.s32 s21, $0x1FF00;
	v26 =	vld [tilespmem:s22+$0x6100];
	v20 =	vadd.f32 v20, v22;
	v22 =	vmul.f32 v17, v2;
	v27 =	vmul.f32 v18, v6  }
0x11b: {  	v18 =	vld [tilespmem:s22+$0x6110];
	v21 =	vadd.f32 v21, v25;
	v25 =	vmul.f32 v17, v1;
	v23 =	vadd.f32 v23, v24  }
0x11c: {  	v24 =	vld [tilespmem:s22+$0x6130];
	v20 =	vadd.f32 v20, v22;
	v19 =	vadd.f32 v19, v27;
	v22 =	vmul.f32 v17, v8  }
0x11d: {  	v21 =	vadd.f32 v21, v25;
	v12 =	vmin.f32 v12, v23  }
0x11e: {  	v17 =	vld [tilespmem:s22+$0x6120];
	v16 =	vmin.f32 v16, v20;
	v19 =	vadd.f32 v19, v22  }
.Ltmp5:
0x11f: {  	v20 =	vmul.f32 v26, v10;
	v22 =	vmul.f32 v26, v15;
	v9 =	vmin.f32 v9, v21;
	(pc) =	sbr.rel @p0 .LBB2_12-.Ltmp5, $4  }
0x120: {  	v21 =	vmul.f32 v26, v11;
	v23 =	vmul.f32 v26, v14;
	v13 =	vmin.f32 v13, v19  }
0x121: {  	v27 =	vmul.f32 v18, v7;
	v20 =	vadd.f32 v24, v20;
	v26 =	vadd.f32 v24, v22  }
0x122: {  	v22 =	vmul.f32 v18, v4;
	v21 =	vadd.f32 v24, v21;
	v19 =	vadd.f32 v24, v23  }
0x123: {  	s22 =	sshra.s32 s21, $0x2;
	s21 =	sadd.s32 $0x100, s21;
	v25 =	vmul.f32 v18, v5;
	v23 =	vadd.f32 v26, v27;
	v24 =	vmul.f32 v17, v3  }
0x124: {  	v26 =	vld [tilespmem:s22+$0x6100]  }
0x125: {  	v20 =	vadd.f32 v20, v22;
	v56 =	vmul.f32 v17, v2;
	v27 =	vld [tilespmem:s22+$0x6110]  }
0x126: {  	v18 =	vmul.f32 v18, v6;
	v57 =	vmul.f32 v17, v1;
	v28 =	vld [tilespmem:s22+$0x6130];
	v21 =	vadd.f32 v21, v25  }
0x127: {  	v60 =	vld [tilespmem:s22+$0x6120];
	v23 =	vadd.f32 v23, v24;
	v20 =	vadd.f32 v20, v56  }
0x128: {  	v58 =	vmul.f32 v17, v8;
	v18 =	vadd.f32 v19, v18;
	v59 =	vadd.f32 v21, v57  }
0x129: {  	v16 =	vmin.f32 v16, v20;
	v10 =	vmul.f32 v26, v10;
	v15 =	vmul.f32 v26, v15  }
0x12a: {  	v17 =	vadd.f32 v18, v58;
	v11 =	vmul.f32 v26, v11;
	v14 =	vmul.f32 v26, v14  }
0x12b: {  	v4 =	vmul.f32 v27, v4;
	v5 =	vmul.f32 v27, v5;
	v10 =	vadd.f32 v28, v10  }
0x12c: {  	v2 =	vmul.f32 v60, v2;
	v61 =	vmul.f32 v27, v6;
	v11 =	vadd.f32 v28, v11  }
0x12d: {  	v7 =	vmul.f32 v27, v7;
	v14 =	vadd.f32 v28, v14;
	v4 =	vadd.f32 v10, v4  }
0x12e: {  	v1 =	vmul.f32 v60, v1;
	v15 =	vadd.f32 v28, v15;
	v5 =	vadd.f32 v11, v5  }
0x12f: {  	v62 =	vmul.f32 v60, v8;
	v2 =	vadd.f32 v4, v2;
	v4 =	vadd.f32 v14, v61  }
0x130: {  	v3 =	vmul.f32 v60, v3;
	v7 =	vadd.f32 v15, v7;
	v1 =	vadd.f32 v5, v1  }
0x131: {  	v5 =	vmin.f32 v9, v59;
	v2 =	vmin.f32 v16, v2;
	v4 =	vadd.f32 v4, v62  }
0x132: {  	v63 =	vmin.f32 v13, v17;
	v3 =	vadd.f32 v7, v3;
	v1 =	vmin.f32 v5, v1;
	[tilespmem:$0xE100] =	vst v2  }
0x133: {  	v2 =	vmin.f32 v12, v23;
	[tilespmem:$0xE110] =	vst v1;
	v4 =	vmin.f32 v63, v4  }
0x134: {  	v1 =	vmin.f32 v2, v3;
	[tilespmem:$0xE120] =	vst v4  }
0x135: {  	[tilespmem:$0xE130] =	vst v1  }
0x136: {  	[tilespmem:s18], [sflag:$0x1] =	stream.linear.gather [hbm4b:s9+s2], $0x6000, $0x38;
	[tilespmem:$0xE200] =	vst v63  }
0x137: {  	_ =	swait.ge [sflag:s16], $0x6000  }
0x138: {  	[sflag:s16] =	ssyncset.done $0x0  }
0x139: {  	s21 =	simm.s32 $0x20;
	[sflag:s16] =	ssyncadd.s32 $0xFFFFA000  }
0x13a: {  	v3 =	vld [tilespmem:s21+$0xF0]  }
0x13b: {  	v1 =	vld [tilespmem:s21+$0xE0]  }
0x13c: {  	s22 =	simm.s32 $0x6120;
	s23 =	simm.s32 $0x140;
	v2 =	vld [tilespmem:s21+$0x100];
	s21 =	simm.s32 $0x6120  }
.LBB2_14:
0x13d: {  	p0 =	sne.s32 s23, $0x17FC0  }
0x13e: {  	s22 =	sadd.s32 $0x40, s22;
	s24 =	smov.u32 s23;
	s23 =	sadd.s32 $0xC0, s23  }
0x13f: {  	v4 =	vmul.f32 v3, v3;
	v5 =	vmul.f32 $6.553700000e+04, v3  }
0x140: {  	s24 =	sshra.s32 s24, $0x2;
	v6 =	vmul.f32 v1, v1;
	v7 =	vmul.f32 $6.553700000e+04, v1  }
0x141: {  	v3 =	vsub.f32 v5, v3;
	v8 =	vmul.f32 $6.553700000e+04, v2  }
0x142: {  	v4 =	vadd.f32 v4, v6;
	v6 =	vmul.f32 v2, v2;
	v1 =	vsub.f32 v7, v1  }
0x143: {  	v3 =	vsub.f32 v5, v3;
	v2 =	vsub.f32 v8, v2  }
0x144: {  	v4 =	vadd.f32 v6, v4;
	v1 =	vsub.f32 v7, v1  }
0x145: {  	v3 =	vmul.f32 $-2.000000000e+00, v3;
	v2 =	vsub.f32 v8, v2  }
0x146: {  	[tilespmem:s21+$0x10] =	vst v4;
	v1 =	vmul.f32 $-2.000000000e+00, v1  }
0x147: {  	[tilespmem:s21+$0xFFFFFFF0] =	vst v3;
	v2 =	vmul.f32 $-2.000000000e+00, v2  }
.Ltmp6:
0x148: {  	[tilespmem:s21+$0xFFFFFFE0] =	vst v1;
	(pc) =	sbr.rel @p0 .LBB2_14-.Ltmp6, $4  }
0x149: {  	[tilespmem:s21+$0x0] =	vst v2;
	s21 =	smov.u32 s22  }
0x14a: {  	v3 =	vld [tilespmem:s24+$0xF0]  }
0x14b: {  	v1 =	vld [tilespmem:s24+$0xE0]  }
0x14c: {  	v2 =	vld [tilespmem:s24+$0x100]  }
0x14d: {  	_ =	sdelay $0x1  }
0x14e: {  	v4 =	vmul.f32 v3, v3;
	v5 =	vmul.f32 $6.553700000e+04, v3  }
0x14f: {  	v6 =	vmul.f32 v1, v1;
	v7 =	vmul.f32 $6.553700000e+04, v1  }
0x150: {  	v3 =	vsub.f32 v5, v3;
	v8 =	vmul.f32 $6.553700000e+04, v2  }
0x151: {  	v4 =	vadd.f32 v4, v6;
	v6 =	vmul.f32 v2, v2;
	v1 =	vsub.f32 v7, v1  }
0x152: {  	v3 =	vsub.f32 v5, v3;
	v2 =	vsub.f32 v8, v2  }
0x153: {  	v4 =	vadd.f32 v6, v4;
	v1 =	vsub.f32 v7, v1  }
0x154: {  	v3 =	vmul.f32 $-2.000000000e+00, v3;
	v2 =	vsub.f32 v8, v2  }
0x155: {  	[tilespmem:s21+$0x10] =	vst v4;
	v1 =	vmul.f32 $-2.000000000e+00, v1  }
0x156: {  	[tilespmem:s21+$0xFFFFFFF0] =	vst v3;
	v2 =	vmul.f32 $-2.000000000e+00, v2  }
0x157: {  	[tilespmem:s21+$0xFFFFFFE0] =	vst v1  }
0x158: {  	[tilespmem:s21+$0x0] =	vst v2  }
0x159: {  	v10 =	vld [tilespmem:$0x0]  }
0x15a: {  	v4 =	vld [tilespmem:$0x40]  }
0x15b: {  	v2 =	vld [tilespmem:$0x80]  }
0x15c: {  	v11 =	vld [tilespmem:$0x10]  }
0x15d: {  	v5 =	vld [tilespmem:$0x50]  }
0x15e: {  	v1 =	vld [tilespmem:$0x90]  }
0x15f: {  	v14 =	vld [tilespmem:$0x20]  }
0x160: {  	v6 =	vld [tilespmem:$0x60]  }
0x161: {  	v15 =	vld [tilespmem:$0x30]  }
0x162: {  	s31 =	simm.s32 $0x0;
	v7 =	vld [tilespmem:$0x70]  }
0x163: {  	v9 =	vld [tilespmem:s31+$0x6100]  }
0x164: {  	v18 =	vld [tilespmem:s31+$0x6110]  }
0x165: {  	v12 =	vld [tilespmem:s31+$0x6130]  }
0x166: {  	v3 =	vld [tilespmem:$0xB0]  }
0x167: {  	v17 =	vld [tilespmem:s31+$0x6120]  }
0x168: {  	v8 =	vld [tilespmem:$0xA0];
	v13 =	vmul.f32 v9, v10;
	v19 =	vmul.f32 v9, v15  }
0x169: {  	v16 =	vld [tilespmem:$0xE100];
	v21 =	vmul.f32 v9, v11;
	v23 =	vmul.f32 v9, v14  }
0x16a: {  	v9 =	vld [tilespmem:$0xE110];
	v26 =	vmul.f32 v18, v7;
	v20 =	vadd.f32 v12, v13;
	v24 =	vadd.f32 v12, v19  }
0x16b: {  	v22 =	vmul.f32 v18, v4;
	v21 =	vadd.f32 v12, v21;
	v19 =	vadd.f32 v12, v23;
	v12 =	vld [tilespmem:$0xE130]  }
0x16c: {  	s22 =	simm.s32 $0x40;
	s21 =	simm.s32 $0x200;
	v25 =	vmul.f32 v18, v5;
	v13 =	vld [tilespmem:$0xE120];
	v23 =	vadd.f32 v24, v26;
	v24 =	vmul.f32 v17, v3  }
.LBB2_16:
0x16d: {  	p0 =	sne.s32 s21, $0x1FF00;
	v26 =	vld [tilespmem:s22+$0x6100];
	v20 =	vadd.f32 v20, v22;
	v22 =	vmul.f32 v17, v2;
	v27 =	vmul.f32 v18, v6  }
0x16e: {  	v18 =	vld [tilespmem:s22+$0x6110];
	v21 =	vadd.f32 v21, v25;
	v25 =	vmul.f32 v17, v1;
	v23 =	vadd.f32 v23, v24  }
0x16f: {  	v24 =	vld [tilespmem:s22+$0x6130];
	v20 =	vadd.f32 v20, v22;
	v19 =	vadd.f32 v19, v27;
	v22 =	vmul.f32 v17, v8  }
0x170: {  	v21 =	vadd.f32 v21, v25;
	v12 =	vmin.f32 v12, v23  }
0x171: {  	v17 =	vld [tilespmem:s22+$0x6120];
	v16 =	vmin.f32 v16, v20;
	v19 =	vadd.f32 v19, v22  }
.Ltmp7:
0x172: {  	v20 =	vmul.f32 v26, v10;
	v22 =	vmul.f32 v26, v15;
	v9 =	vmin.f32 v9, v21;
	(pc) =	sbr.rel @p0 .LBB2_16-.Ltmp7, $4  }
0x173: {  	v21 =	vmul.f32 v26, v11;
	v23 =	vmul.f32 v26, v14;
	v13 =	vmin.f32 v13, v19  }
0x174: {  	v27 =	vmul.f32 v18, v7;
	v20 =	vadd.f32 v24, v20;
	v26 =	vadd.f32 v24, v22  }
0x175: {  	v22 =	vmul.f32 v18, v4;
	v21 =	vadd.f32 v24, v21;
	v19 =	vadd.f32 v24, v23  }
0x176: {  	s22 =	sshra.s32 s21, $0x2;
	s21 =	sadd.s32 $0x100, s21;
	v25 =	vmul.f32 v18, v5;
	v23 =	vadd.f32 v26, v27;
	v24 =	vmul.f32 v17, v3  }
0x177: {  	v26 =	vld [tilespmem:s22+$0x6100]  }
0x178: {  	v20 =	vadd.f32 v20, v22;
	v56 =	vmul.f32 v17, v2;
	v27 =	vld [tilespmem:s22+$0x6110]  }
0x179: {  	v18 =	vmul.f32 v18, v6;
	v57 =	vmul.f32 v17, v1;
	v28 =	vld [tilespmem:s22+$0x6130];
	v21 =	vadd.f32 v21, v25  }
0x17a: {  	v60 =	vld [tilespmem:s22+$0x6120];
	v23 =	vadd.f32 v23, v24;
	v20 =	vadd.f32 v20, v56  }
0x17b: {  	v58 =	vmul.f32 v17, v8;
	v18 =	vadd.f32 v19, v18;
	v59 =	vadd.f32 v21, v57  }
0x17c: {  	v16 =	vmin.f32 v16, v20;
	v10 =	vmul.f32 v26, v10;
	v15 =	vmul.f32 v26, v15  }
0x17d: {  	v17 =	vadd.f32 v18, v58;
	v11 =	vmul.f32 v26, v11;
	v14 =	vmul.f32 v26, v14  }
0x17e: {  	v4 =	vmul.f32 v27, v4;
	v5 =	vmul.f32 v27, v5;
	v10 =	vadd.f32 v28, v10  }
0x17f: {  	v2 =	vmul.f32 v60, v2;
	v61 =	vmul.f32 v27, v6;
	v11 =	vadd.f32 v28, v11  }
0x180: {  	v7 =	vmul.f32 v27, v7;
	v14 =	vadd.f32 v28, v14;
	v4 =	vadd.f32 v10, v4  }
0x181: {  	v1 =	vmul.f32 v60, v1;
	v15 =	vadd.f32 v28, v15;
	v5 =	vadd.f32 v11, v5  }
0x182: {  	v62 =	vmul.f32 v60, v8;
	v2 =	vadd.f32 v4, v2;
	v4 =	vadd.f32 v14, v61  }
0x183: {  	v3 =	vmul.f32 v60, v3;
	v7 =	vadd.f32 v15, v7;
	v1 =	vadd.f32 v5, v1  }
0x184: {  	v5 =	vmin.f32 v9, v59;
	v2 =	vmin.f32 v16, v2;
	v4 =	vadd.f32 v4, v62  }
0x185: {  	v63 =	vmin.f32 v13, v17;
	v3 =	vadd.f32 v7, v3;
	v1 =	vmin.f32 v5, v1;
	[tilespmem:$0xE100] =	vst v2  }
0x186: {  	v2 =	vmin.f32 v12, v23;
	[tilespmem:$0xE110] =	vst v1;
	v4 =	vmin.f32 v63, v4  }
0x187: {  	v1 =	vmin.f32 v2, v3;
	[tilespmem:$0xE120] =	vst v4  }
0x188: {  	[tilespmem:$0xE130] =	vst v1  }
0x189: {  	[tilespmem:s18], [sflag:$0x1] =	stream.linear.gather [hbm4b:s10+s2], $0x6000, $0x38;
	[tilespmem:$0xE200] =	vst v63  }
0x18a: {  	_ =	swait.ge [sflag:s16], $0x6000  }
0x18b: {  	[sflag:s16] =	ssyncset.done $0x0  }
0x18c: {  	s21 =	simm.s32 $0x20;
	[sflag:s16] =	ssyncadd.s32 $0xFFFFA000  }
0x18d: {  	v3 =	vld [tilespmem:s21+$0xF0]  }
0x18e: {  	v1 =	vld [tilespmem:s21+$0xE0]  }
0x18f: {  	s22 =	simm.s32 $0x6120;
	s23 =	simm.s32 $0x140;
	v2 =	vld [tilespmem:s21+$0x100];
	s21 =	simm.s32 $0x6120  }
.LBB2_18:
0x190: {  	p0 =	sne.s32 s23, $0x17FC0  }
0x191: {  	s22 =	sadd.s32 $0x40, s22;
	s24 =	smov.u32 s23;
	s23 =	sadd.s32 $0xC0, s23  }
0x192: {  	v4 =	vmul.f32 v3, v3;
	v5 =	vmul.f32 $6.553700000e+04, v3  }
0x193: {  	s24 =	sshra.s32 s24, $0x2;
	v6 =	vmul.f32 v1, v1;
	v7 =	vmul.f32 $6.553700000e+04, v1  }
0x194: {  	v3 =	vsub.f32 v5, v3;
	v8 =	vmul.f32 $6.553700000e+04, v2  }
0x195: {  	v4 =	vadd.f32 v4, v6;
	v6 =	vmul.f32 v2, v2;
	v1 =	vsub.f32 v7, v1  }
0x196: {  	v3 =	vsub.f32 v5, v3;
	v2 =	vsub.f32 v8, v2  }
0x197: {  	v4 =	vadd.f32 v6, v4;
	v1 =	vsub.f32 v7, v1  }
0x198: {  	v3 =	vmul.f32 $-2.000000000e+00, v3;
	v2 =	vsub.f32 v8, v2  }
0x199: {  	[tilespmem:s21+$0x10] =	vst v4;
	v1 =	vmul.f32 $-2.000000000e+00, v1  }
0x19a: {  	[tilespmem:s21+$0xFFFFFFF0] =	vst v3;
	v2 =	vmul.f32 $-2.000000000e+00, v2  }
.Ltmp8:
0x19b: {  	[tilespmem:s21+$0xFFFFFFE0] =	vst v1;
	(pc) =	sbr.rel @p0 .LBB2_18-.Ltmp8, $4  }
0x19c: {  	[tilespmem:s21+$0x0] =	vst v2;
	s21 =	smov.u32 s22  }
0x19d: {  	v3 =	vld [tilespmem:s24+$0xF0]  }
0x19e: {  	v1 =	vld [tilespmem:s24+$0xE0]  }
0x19f: {  	v2 =	vld [tilespmem:s24+$0x100]  }
0x1a0: {  	_ =	sdelay $0x1  }
0x1a1: {  	v4 =	vmul.f32 v3, v3;
	v5 =	vmul.f32 $6.553700000e+04, v3  }
0x1a2: {  	v6 =	vmul.f32 v1, v1;
	v7 =	vmul.f32 $6.553700000e+04, v1  }
0x1a3: {  	v3 =	vsub.f32 v5, v3;
	v8 =	vmul.f32 $6.553700000e+04, v2  }
0x1a4: {  	v4 =	vadd.f32 v4, v6;
	v6 =	vmul.f32 v2, v2;
	v1 =	vsub.f32 v7, v1  }
0x1a5: {  	v3 =	vsub.f32 v5, v3;
	v2 =	vsub.f32 v8, v2  }
0x1a6: {  	v4 =	vadd.f32 v6, v4;
	v1 =	vsub.f32 v7, v1  }
0x1a7: {  	v3 =	vmul.f32 $-2.000000000e+00, v3;
	v2 =	vsub.f32 v8, v2  }
0x1a8: {  	[tilespmem:s21+$0x10] =	vst v4;
	v1 =	vmul.f32 $-2.000000000e+00, v1  }
0x1a9: {  	[tilespmem:s21+$0xFFFFFFF0] =	vst v3;
	v2 =	vmul.f32 $-2.000000000e+00, v2  }
0x1aa: {  	[tilespmem:s21+$0xFFFFFFE0] =	vst v1  }
0x1ab: {  	[tilespmem:s21+$0x0] =	vst v2  }
0x1ac: {  	v10 =	vld [tilespmem:$0x0]  }
0x1ad: {  	v4 =	vld [tilespmem:$0x40]  }
0x1ae: {  	v2 =	vld [tilespmem:$0x80]  }
0x1af: {  	v11 =	vld [tilespmem:$0x10]  }
0x1b0: {  	v5 =	vld [tilespmem:$0x50]  }
0x1b1: {  	v1 =	vld [tilespmem:$0x90]  }
0x1b2: {  	v14 =	vld [tilespmem:$0x20]  }
0x1b3: {  	v6 =	vld [tilespmem:$0x60]  }
0x1b4: {  	v15 =	vld [tilespmem:$0x30]  }
0x1b5: {  	s31 =	simm.s32 $0x0;
	v7 =	vld [tilespmem:$0x70]  }
0x1b6: {  	v9 =	vld [tilespmem:s31+$0x6100]  }
0x1b7: {  	v18 =	vld [tilespmem:s31+$0x6110]  }
0x1b8: {  	v12 =	vld [tilespmem:s31+$0x6130]  }
0x1b9: {  	v3 =	vld [tilespmem:$0xB0]  }
0x1ba: {  	v17 =	vld [tilespmem:s31+$0x6120]  }
0x1bb: {  	v8 =	vld [tilespmem:$0xA0];
	v13 =	vmul.f32 v9, v10;
	v19 =	vmul.f32 v9, v15  }
0x1bc: {  	v16 =	vld [tilespmem:$0xE100];
	v21 =	vmul.f32 v9, v11;
	v23 =	vmul.f32 v9, v14  }
0x1bd: {  	v9 =	vld [tilespmem:$0xE110];
	v26 =	vmul.f32 v18, v7;
	v20 =	vadd.f32 v12, v13;
	v24 =	vadd.f32 v12, v19  }
0x1be: {  	v22 =	vmul.f32 v18, v4;
	v21 =	vadd.f32 v12, v21;
	v19 =	vadd.f32 v12, v23;
	v12 =	vld [tilespmem:$0xE130]  }
0x1bf: {  	s22 =	simm.s32 $0x40;
	s21 =	simm.s32 $0x200;
	v25 =	vmul.f32 v18, v5;
	v13 =	vld [tilespmem:$0xE120];
	v23 =	vadd.f32 v24, v26;
	v24 =	vmul.f32 v17, v3  }
.LBB2_20:
0x1c0: {  	p0 =	sne.s32 s21, $0x1FF00;
	v26 =	vld [tilespmem:s22+$0x6100];
	v20 =	vadd.f32 v20, v22;
	v22 =	vmul.f32 v17, v2;
	v27 =	vmul.f32 v18, v6  }
0x1c1: {  	v18 =	vld [tilespmem:s22+$0x6110];
	v21 =	vadd.f32 v21, v25;
	v25 =	vmul.f32 v17, v1;
	v23 =	vadd.f32 v23, v24  }
0x1c2: {  	v24 =	vld [tilespmem:s22+$0x6130];
	v20 =	vadd.f32 v20, v22;
	v19 =	vadd.f32 v19, v27;
	v22 =	vmul.f32 v17, v8  }
0x1c3: {  	v21 =	vadd.f32 v21, v25;
	v12 =	vmin.f32 v12, v23  }
0x1c4: {  	v17 =	vld [tilespmem:s22+$0x6120];
	v16 =	vmin.f32 v16, v20;
	v19 =	vadd.f32 v19, v22  }
.Ltmp9:
0x1c5: {  	v20 =	vmul.f32 v26, v10;
	v22 =	vmul.f32 v26, v15;
	v9 =	vmin.f32 v9, v21;
	(pc) =	sbr.rel @p0 .LBB2_20-.Ltmp9, $4  }
0x1c6: {  	v21 =	vmul.f32 v26, v11;
	v23 =	vmul.f32 v26, v14;
	v13 =	vmin.f32 v13, v19  }
0x1c7: {  	v27 =	vmul.f32 v18, v7;
	v20 =	vadd.f32 v24, v20;
	v26 =	vadd.f32 v24, v22  }
0x1c8: {  	v22 =	vmul.f32 v18, v4;
	v21 =	vadd.f32 v24, v21;
	v19 =	vadd.f32 v24, v23  }
0x1c9: {  	s22 =	sshra.s32 s21, $0x2;
	s21 =	sadd.s32 $0x100, s21;
	v25 =	vmul.f32 v18, v5;
	v23 =	vadd.f32 v26, v27;
	v24 =	vmul.f32 v17, v3  }
0x1ca: {  	v26 =	vld [tilespmem:s22+$0x6100]  }
0x1cb: {  	v20 =	vadd.f32 v20, v22;
	v56 =	vmul.f32 v17, v2;
	v27 =	vld [tilespmem:s22+$0x6110]  }
0x1cc: {  	v18 =	vmul.f32 v18, v6;
	v57 =	vmul.f32 v17, v1;
	v28 =	vld [tilespmem:s22+$0x6130];
	v21 =	vadd.f32 v21, v25  }
0x1cd: {  	v60 =	vld [tilespmem:s22+$0x6120];
	v23 =	vadd.f32 v23, v24;
	v20 =	vadd.f32 v20, v56  }
0x1ce: {  	v58 =	vmul.f32 v17, v8;
	v18 =	vadd.f32 v19, v18;
	v59 =	vadd.f32 v21, v57  }
0x1cf: {  	v16 =	vmin.f32 v16, v20;
	v10 =	vmul.f32 v26, v10;
	v15 =	vmul.f32 v26, v15  }
0x1d0: {  	v17 =	vadd.f32 v18, v58;
	v11 =	vmul.f32 v26, v11;
	v14 =	vmul.f32 v26, v14  }
0x1d1: {  	v4 =	vmul.f32 v27, v4;
	v5 =	vmul.f32 v27, v5;
	v10 =	vadd.f32 v28, v10  }
0x1d2: {  	v2 =	vmul.f32 v60, v2;
	v61 =	vmul.f32 v27, v6;
	v11 =	vadd.f32 v28, v11  }
0x1d3: {  	v7 =	vmul.f32 v27, v7;
	v14 =	vadd.f32 v28, v14;
	v4 =	vadd.f32 v10, v4  }
0x1d4: {  	v1 =	vmul.f32 v60, v1;
	v15 =	vadd.f32 v28, v15;
	v5 =	vadd.f32 v11, v5  }
0x1d5: {  	v62 =	vmul.f32 v60, v8;
	v2 =	vadd.f32 v4, v2;
	v4 =	vadd.f32 v14, v61  }
0x1d6: {  	v3 =	vmul.f32 v60, v3;
	v7 =	vadd.f32 v15, v7;
	v1 =	vadd.f32 v5, v1  }
0x1d7: {  	v5 =	vmin.f32 v9, v59;
	v2 =	vmin.f32 v16, v2;
	v4 =	vadd.f32 v4, v62  }
0x1d8: {  	v63 =	vmin.f32 v13, v17;
	v3 =	vadd.f32 v7, v3;
	v1 =	vmin.f32 v5, v1;
	[tilespmem:$0xE100] =	vst v2  }
0x1d9: {  	v2 =	vmin.f32 v12, v23;
	[tilespmem:$0xE110] =	vst v1;
	v4 =	vmin.f32 v63, v4  }
0x1da: {  	v1 =	vmin.f32 v2, v3;
	[tilespmem:$0xE120] =	vst v4  }
0x1db: {  	[tilespmem:$0xE130] =	vst v1  }
0x1dc: {  	[tilespmem:s18], [sflag:$0x1] =	stream.linear.gather [hbm4b:s11+s2], $0x6000, $0x38;
	[tilespmem:$0xE200] =	vst v63  }
0x1dd: {  	_ =	swait.ge [sflag:s16], $0x6000  }
0x1de: {  	[sflag:s16] =	ssyncset.done $0x0  }
0x1df: {  	s21 =	simm.s32 $0x20;
	[sflag:s16] =	ssyncadd.s32 $0xFFFFA000  }
0x1e0: {  	v3 =	vld [tilespmem:s21+$0xF0]  }
0x1e1: {  	v1 =	vld [tilespmem:s21+$0xE0]  }
0x1e2: {  	s22 =	simm.s32 $0x6120;
	s23 =	simm.s32 $0x140;
	v2 =	vld [tilespmem:s21+$0x100];
	s21 =	simm.s32 $0x6120  }
.LBB2_22:
0x1e3: {  	p0 =	sne.s32 s23, $0x17FC0  }
0x1e4: {  	s22 =	sadd.s32 $0x40, s22;
	s24 =	smov.u32 s23;
	s23 =	sadd.s32 $0xC0, s23  }
0x1e5: {  	v4 =	vmul.f32 v3, v3;
	v5 =	vmul.f32 $6.553700000e+04, v3  }
0x1e6: {  	s24 =	sshra.s32 s24, $0x2;
	v6 =	vmul.f32 v1, v1;
	v7 =	vmul.f32 $6.553700000e+04, v1  }
0x1e7: {  	v3 =	vsub.f32 v5, v3;
	v8 =	vmul.f32 $6.553700000e+04, v2  }
0x1e8: {  	v4 =	vadd.f32 v4, v6;
	v6 =	vmul.f32 v2, v2;
	v1 =	vsub.f32 v7, v1  }
0x1e9: {  	v3 =	vsub.f32 v5, v3;
	v2 =	vsub.f32 v8, v2  }
0x1ea: {  	v4 =	vadd.f32 v6, v4;
	v1 =	vsub.f32 v7, v1  }
0x1eb: {  	v3 =	vmul.f32 $-2.000000000e+00, v3;
	v2 =	vsub.f32 v8, v2  }
0x1ec: {  	[tilespmem:s21+$0x10] =	vst v4;
	v1 =	vmul.f32 $-2.000000000e+00, v1  }
0x1ed: {  	[tilespmem:s21+$0xFFFFFFF0] =	vst v3;
	v2 =	vmul.f32 $-2.000000000e+00, v2  }
.Ltmp10:
0x1ee: {  	[tilespmem:s21+$0xFFFFFFE0] =	vst v1;
	(pc) =	sbr.rel @p0 .LBB2_22-.Ltmp10, $4  }
0x1ef: {  	[tilespmem:s21+$0x0] =	vst v2;
	s21 =	smov.u32 s22  }
0x1f0: {  	v3 =	vld [tilespmem:s24+$0xF0]  }
0x1f1: {  	v1 =	vld [tilespmem:s24+$0xE0]  }
0x1f2: {  	v2 =	vld [tilespmem:s24+$0x100]  }
0x1f3: {  	_ =	sdelay $0x1  }
0x1f4: {  	v4 =	vmul.f32 v3, v3;
	v5 =	vmul.f32 $6.553700000e+04, v3  }
0x1f5: {  	v6 =	vmul.f32 v1, v1;
	v7 =	vmul.f32 $6.553700000e+04, v1  }
0x1f6: {  	v3 =	vsub.f32 v5, v3;
	v8 =	vmul.f32 $6.553700000e+04, v2  }
0x1f7: {  	v4 =	vadd.f32 v4, v6;
	v6 =	vmul.f32 v2, v2;
	v1 =	vsub.f32 v7, v1  }
0x1f8: {  	v3 =	vsub.f32 v5, v3;
	v2 =	vsub.f32 v8, v2  }
0x1f9: {  	v4 =	vadd.f32 v6, v4;
	v1 =	vsub.f32 v7, v1  }
0x1fa: {  	v3 =	vmul.f32 $-2.000000000e+00, v3;
	v2 =	vsub.f32 v8, v2  }
0x1fb: {  	[tilespmem:s21+$0x10] =	vst v4;
	v1 =	vmul.f32 $-2.000000000e+00, v1  }
0x1fc: {  	[tilespmem:s21+$0xFFFFFFF0] =	vst v3;
	v2 =	vmul.f32 $-2.000000000e+00, v2  }
0x1fd: {  	[tilespmem:s21+$0xFFFFFFE0] =	vst v1  }
0x1fe: {  	[tilespmem:s21+$0x0] =	vst v2  }
0x1ff: {  	v10 =	vld [tilespmem:$0x0]  }
0x200: {  	v4 =	vld [tilespmem:$0x40]  }
0x201: {  	v2 =	vld [tilespmem:$0x80]  }
0x202: {  	v11 =	vld [tilespmem:$0x10]  }
0x203: {  	v5 =	vld [tilespmem:$0x50]  }
0x204: {  	v1 =	vld [tilespmem:$0x90]  }
0x205: {  	v14 =	vld [tilespmem:$0x20]  }
0x206: {  	v6 =	vld [tilespmem:$0x60]  }
0x207: {  	v15 =	vld [tilespmem:$0x30]  }
0x208: {  	s31 =	simm.s32 $0x0;
	v7 =	vld [tilespmem:$0x70]  }
0x209: {  	v9 =	vld [tilespmem:s31+$0x6100]  }
0x20a: {  	v18 =	vld [tilespmem:s31+$0x6110]  }
0x20b: {  	v12 =	vld [tilespmem:s31+$0x6130]  }
0x20c: {  	v3 =	vld [tilespmem:$0xB0]  }
0x20d: {  	v17 =	vld [tilespmem:s31+$0x6120]  }
0x20e: {  	v8 =	vld [tilespmem:$0xA0];
	v13 =	vmul.f32 v9, v10;
	v19 =	vmul.f32 v9, v15  }
0x20f: {  	v16 =	vld [tilespmem:$0xE100];
	v21 =	vmul.f32 v9, v11;
	v23 =	vmul.f32 v9, v14  }
0x210: {  	v9 =	vld [tilespmem:$0xE110];
	v26 =	vmul.f32 v18, v7;
	v20 =	vadd.f32 v12, v13;
	v24 =	vadd.f32 v12, v19  }
0x211: {  	v22 =	vmul.f32 v18, v4;
	v21 =	vadd.f32 v12, v21;
	v19 =	vadd.f32 v12, v23;
	v12 =	vld [tilespmem:$0xE130]  }
0x212: {  	s22 =	simm.s32 $0x40;
	s21 =	simm.s32 $0x200;
	v25 =	vmul.f32 v18, v5;
	v13 =	vld [tilespmem:$0xE120];
	v23 =	vadd.f32 v24, v26;
	v24 =	vmul.f32 v17, v3  }
.LBB2_24:
0x213: {  	p0 =	sne.s32 s21, $0x1FF00;
	v26 =	vld [tilespmem:s22+$0x6100];
	v20 =	vadd.f32 v20, v22;
	v22 =	vmul.f32 v17, v2;
	v27 =	vmul.f32 v18, v6  }
0x214: {  	v18 =	vld [tilespmem:s22+$0x6110];
	v21 =	vadd.f32 v21, v25;
	v25 =	vmul.f32 v17, v1;
	v23 =	vadd.f32 v23, v24  }
0x215: {  	v24 =	vld [tilespmem:s22+$0x6130];
	v20 =	vadd.f32 v20, v22;
	v19 =	vadd.f32 v19, v27;
	v22 =	vmul.f32 v17, v8  }
0x216: {  	v21 =	vadd.f32 v21, v25;
	v12 =	vmin.f32 v12, v23  }
0x217: {  	v17 =	vld [tilespmem:s22+$0x6120];
	v16 =	vmin.f32 v16, v20;
	v19 =	vadd.f32 v19, v22  }
.Ltmp11:
0x218: {  	v20 =	vmul.f32 v26, v10;
	v22 =	vmul.f32 v26, v15;
	v9 =	vmin.f32 v9, v21;
	(pc) =	sbr.rel @p0 .LBB2_24-.Ltmp11, $4  }
0x219: {  	v21 =	vmul.f32 v26, v11;
	v23 =	vmul.f32 v26, v14;
	v13 =	vmin.f32 v13, v19  }
0x21a: {  	v27 =	vmul.f32 v18, v7;
	v20 =	vadd.f32 v24, v20;
	v26 =	vadd.f32 v24, v22  }
0x21b: {  	v22 =	vmul.f32 v18, v4;
	v21 =	vadd.f32 v24, v21;
	v19 =	vadd.f32 v24, v23  }
0x21c: {  	s22 =	sshra.s32 s21, $0x2;
	s21 =	sadd.s32 $0x100, s21;
	v25 =	vmul.f32 v18, v5;
	v23 =	vadd.f32 v26, v27;
	v24 =	vmul.f32 v17, v3  }
0x21d: {  	v26 =	vld [tilespmem:s22+$0x6100]  }
0x21e: {  	v20 =	vadd.f32 v20, v22;
	v56 =	vmul.f32 v17, v2;
	v27 =	vld [tilespmem:s22+$0x6110]  }
0x21f: {  	v18 =	vmul.f32 v18, v6;
	v57 =	vmul.f32 v17, v1;
	v28 =	vld [tilespmem:s22+$0x6130];
	v21 =	vadd.f32 v21, v25  }
0x220: {  	v60 =	vld [tilespmem:s22+$0x6120];
	v23 =	vadd.f32 v23, v24;
	v20 =	vadd.f32 v20, v56  }
0x221: {  	v58 =	vmul.f32 v17, v8;
	v18 =	vadd.f32 v19, v18;
	v59 =	vadd.f32 v21, v57  }
0x222: {  	v16 =	vmin.f32 v16, v20;
	v10 =	vmul.f32 v26, v10;
	v15 =	vmul.f32 v26, v15  }
0x223: {  	v17 =	vadd.f32 v18, v58;
	v11 =	vmul.f32 v26, v11;
	v14 =	vmul.f32 v26, v14  }
0x224: {  	v4 =	vmul.f32 v27, v4;
	v5 =	vmul.f32 v27, v5;
	v10 =	vadd.f32 v28, v10  }
0x225: {  	v2 =	vmul.f32 v60, v2;
	v61 =	vmul.f32 v27, v6;
	v11 =	vadd.f32 v28, v11  }
0x226: {  	v7 =	vmul.f32 v27, v7;
	v14 =	vadd.f32 v28, v14;
	v4 =	vadd.f32 v10, v4  }
0x227: {  	v1 =	vmul.f32 v60, v1;
	v15 =	vadd.f32 v28, v15;
	v5 =	vadd.f32 v11, v5  }
0x228: {  	v62 =	vmul.f32 v60, v8;
	v2 =	vadd.f32 v4, v2;
	v4 =	vadd.f32 v14, v61  }
0x229: {  	v3 =	vmul.f32 v60, v3;
	v7 =	vadd.f32 v15, v7;
	v1 =	vadd.f32 v5, v1  }
0x22a: {  	v5 =	vmin.f32 v9, v59;
	v2 =	vmin.f32 v16, v2;
	v4 =	vadd.f32 v4, v62  }
0x22b: {  	v63 =	vmin.f32 v13, v17;
	v3 =	vadd.f32 v7, v3;
	v1 =	vmin.f32 v5, v1;
	[tilespmem:$0xE100] =	vst v2  }
0x22c: {  	v2 =	vmin.f32 v12, v23;
	[tilespmem:$0xE110] =	vst v1;
	v4 =	vmin.f32 v63, v4  }
0x22d: {  	v1 =	vmin.f32 v2, v3;
	[tilespmem:$0xE120] =	vst v4  }
0x22e: {  	[tilespmem:$0xE130] =	vst v1  }
0x22f: {  	[tilespmem:s18], [sflag:$0x1] =	stream.linear.gather [hbm4b:s12+s2], $0x6000, $0x38;
	[tilespmem:$0xE200] =	vst v63  }
0x230: {  	_ =	swait.ge [sflag:s16], $0x6000  }
0x231: {  	[sflag:s16] =	ssyncset.done $0x0  }
0x232: {  	s21 =	simm.s32 $0x20;
	[sflag:s16] =	ssyncadd.s32 $0xFFFFA000  }
0x233: {  	v3 =	vld [tilespmem:s21+$0xF0]  }
0x234: {  	v1 =	vld [tilespmem:s21+$0xE0]  }
0x235: {  	s22 =	simm.s32 $0x6120;
	s23 =	simm.s32 $0x140;
	v2 =	vld [tilespmem:s21+$0x100];
	s21 =	simm.s32 $0x6120  }
.LBB2_26:
0x236: {  	p0 =	sne.s32 s23, $0x17FC0  }
0x237: {  	s22 =	sadd.s32 $0x40, s22;
	s24 =	smov.u32 s23;
	s23 =	sadd.s32 $0xC0, s23  }
0x238: {  	v4 =	vmul.f32 v3, v3;
	v5 =	vmul.f32 $6.553700000e+04, v3  }
0x239: {  	s24 =	sshra.s32 s24, $0x2;
	v6 =	vmul.f32 v1, v1;
	v7 =	vmul.f32 $6.553700000e+04, v1  }
0x23a: {  	v3 =	vsub.f32 v5, v3;
	v8 =	vmul.f32 $6.553700000e+04, v2  }
0x23b: {  	v4 =	vadd.f32 v4, v6;
	v6 =	vmul.f32 v2, v2;
	v1 =	vsub.f32 v7, v1  }
0x23c: {  	v3 =	vsub.f32 v5, v3;
	v2 =	vsub.f32 v8, v2  }
0x23d: {  	v4 =	vadd.f32 v6, v4;
	v1 =	vsub.f32 v7, v1  }
0x23e: {  	v3 =	vmul.f32 $-2.000000000e+00, v3;
	v2 =	vsub.f32 v8, v2  }
0x23f: {  	[tilespmem:s21+$0x10] =	vst v4;
	v1 =	vmul.f32 $-2.000000000e+00, v1  }
0x240: {  	[tilespmem:s21+$0xFFFFFFF0] =	vst v3;
	v2 =	vmul.f32 $-2.000000000e+00, v2  }
.Ltmp12:
0x241: {  	[tilespmem:s21+$0xFFFFFFE0] =	vst v1;
	(pc) =	sbr.rel @p0 .LBB2_26-.Ltmp12, $4  }
0x242: {  	[tilespmem:s21+$0x0] =	vst v2;
	s21 =	smov.u32 s22  }
0x243: {  	v3 =	vld [tilespmem:s24+$0xF0]  }
0x244: {  	v1 =	vld [tilespmem:s24+$0xE0]  }
0x245: {  	v2 =	vld [tilespmem:s24+$0x100]  }
0x246: {  	_ =	sdelay $0x1  }
0x247: {  	v4 =	vmul.f32 v3, v3;
	v5 =	vmul.f32 $6.553700000e+04, v3  }
0x248: {  	v6 =	vmul.f32 v1, v1;
	v7 =	vmul.f32 $6.553700000e+04, v1  }
0x249: {  	v3 =	vsub.f32 v5, v3;
	v8 =	vmul.f32 $6.553700000e+04, v2  }
0x24a: {  	v4 =	vadd.f32 v4, v6;
	v6 =	vmul.f32 v2, v2;
	v1 =	vsub.f32 v7, v1  }
0x24b: {  	v3 =	vsub.f32 v5, v3;
	v2 =	vsub.f32 v8, v2  }
0x24c: {  	v4 =	vadd.f32 v6, v4;
	v1 =	vsub.f32 v7, v1  }
0x24d: {  	v3 =	vmul.f32 $-2.000000000e+00, v3;
	v2 =	vsub.f32 v8, v2  }
0x24e: {  	[tilespmem:s21+$0x10] =	vst v4;
	v1 =	vmul.f32 $-2.000000000e+00, v1  }
0x24f: {  	[tilespmem:s21+$0xFFFFFFF0] =	vst v3;
	v2 =	vmul.f32 $-2.000000000e+00, v2  }
0x250: {  	[tilespmem:s21+$0xFFFFFFE0] =	vst v1  }
0x251: {  	[tilespmem:s21+$0x0] =	vst v2  }
0x252: {  	v10 =	vld [tilespmem:$0x0]  }
0x253: {  	v4 =	vld [tilespmem:$0x40]  }
0x254: {  	v2 =	vld [tilespmem:$0x80]  }
0x255: {  	v11 =	vld [tilespmem:$0x10]  }
0x256: {  	v5 =	vld [tilespmem:$0x50]  }
0x257: {  	v1 =	vld [tilespmem:$0x90]  }
0x258: {  	v14 =	vld [tilespmem:$0x20]  }
0x259: {  	v6 =	vld [tilespmem:$0x60]  }
0x25a: {  	v15 =	vld [tilespmem:$0x30]  }
0x25b: {  	s31 =	simm.s32 $0x0;
	v7 =	vld [tilespmem:$0x70]  }
0x25c: {  	v9 =	vld [tilespmem:s31+$0x6100]  }
0x25d: {  	v18 =	vld [tilespmem:s31+$0x6110]  }
0x25e: {  	v12 =	vld [tilespmem:s31+$0x6130]  }
0x25f: {  	v3 =	vld [tilespmem:$0xB0]  }
0x260: {  	v17 =	vld [tilespmem:s31+$0x6120]  }
0x261: {  	v8 =	vld [tilespmem:$0xA0];
	v13 =	vmul.f32 v9, v10;
	v19 =	vmul.f32 v9, v15  }
0x262: {  	v16 =	vld [tilespmem:$0xE100];
	v21 =	vmul.f32 v9, v11;
	v23 =	vmul.f32 v9, v14  }
0x263: {  	v9 =	vld [tilespmem:$0xE110];
	v26 =	vmul.f32 v18, v7;
	v20 =	vadd.f32 v12, v13;
	v24 =	vadd.f32 v12, v19  }
0x264: {  	v22 =	vmul.f32 v18, v4;
	v21 =	vadd.f32 v12, v21;
	v19 =	vadd.f32 v12, v23;
	v12 =	vld [tilespmem:$0xE130]  }
0x265: {  	s22 =	simm.s32 $0x40;
	s21 =	simm.s32 $0x200;
	v25 =	vmul.f32 v18, v5;
	v13 =	vld [tilespmem:$0xE120];
	v23 =	vadd.f32 v24, v26;
	v24 =	vmul.f32 v17, v3  }
.LBB2_28:
0x266: {  	p0 =	sne.s32 s21, $0x1FF00;
	v26 =	vld [tilespmem:s22+$0x6100];
	v20 =	vadd.f32 v20, v22;
	v22 =	vmul.f32 v17, v2;
	v27 =	vmul.f32 v18, v6  }
0x267: {  	v18 =	vld [tilespmem:s22+$0x6110];
	v21 =	vadd.f32 v21, v25;
	v25 =	vmul.f32 v17, v1;
	v23 =	vadd.f32 v23, v24  }
0x268: {  	v24 =	vld [tilespmem:s22+$0x6130];
	v20 =	vadd.f32 v20, v22;
	v19 =	vadd.f32 v19, v27;
	v22 =	vmul.f32 v17, v8  }
0x269: {  	v21 =	vadd.f32 v21, v25;
	v12 =	vmin.f32 v12, v23  }
0x26a: {  	v17 =	vld [tilespmem:s22+$0x6120];
	v16 =	vmin.f32 v16, v20;
	v19 =	vadd.f32 v19, v22  }
.Ltmp13:
0x26b: {  	v20 =	vmul.f32 v26, v10;
	v22 =	vmul.f32 v26, v15;
	v9 =	vmin.f32 v9, v21;
	(pc) =	sbr.rel @p0 .LBB2_28-.Ltmp13, $4  }
0x26c: {  	v21 =	vmul.f32 v26, v11;
	v23 =	vmul.f32 v26, v14;
	v13 =	vmin.f32 v13, v19  }
0x26d: {  	v27 =	vmul.f32 v18, v7;
	v20 =	vadd.f32 v24, v20;
	v26 =	vadd.f32 v24, v22  }
0x26e: {  	v22 =	vmul.f32 v18, v4;
	v21 =	vadd.f32 v24, v21;
	v19 =	vadd.f32 v24, v23  }
0x26f: {  	s22 =	sshra.s32 s21, $0x2;
	s21 =	sadd.s32 $0x100, s21;
	v25 =	vmul.f32 v18, v5;
	v23 =	vadd.f32 v26, v27;
	v24 =	vmul.f32 v17, v3  }
0x270: {  	v26 =	vld [tilespmem:s22+$0x6100]  }
0x271: {  	v20 =	vadd.f32 v20, v22;
	v56 =	vmul.f32 v17, v2;
	v27 =	vld [tilespmem:s22+$0x6110]  }
0x272: {  	v18 =	vmul.f32 v18, v6;
	v57 =	vmul.f32 v17, v1;
	v28 =	vld [tilespmem:s22+$0x6130];
	v21 =	vadd.f32 v21, v25  }
0x273: {  	v60 =	vld [tilespmem:s22+$0x6120];
	v23 =	vadd.f32 v23, v24;
	v20 =	vadd.f32 v20, v56  }
0x274: {  	v58 =	vmul.f32 v17, v8;
	v18 =	vadd.f32 v19, v18;
	v59 =	vadd.f32 v21, v57  }
0x275: {  	v16 =	vmin.f32 v16, v20;
	v10 =	vmul.f32 v26, v10;
	v15 =	vmul.f32 v26, v15  }
0x276: {  	v17 =	vadd.f32 v18, v58;
	v11 =	vmul.f32 v26, v11;
	v14 =	vmul.f32 v26, v14  }
0x277: {  	v4 =	vmul.f32 v27, v4;
	v5 =	vmul.f32 v27, v5;
	v10 =	vadd.f32 v28, v10  }
0x278: {  	v2 =	vmul.f32 v60, v2;
	v61 =	vmul.f32 v27, v6;
	v11 =	vadd.f32 v28, v11  }
0x279: {  	v7 =	vmul.f32 v27, v7;
	v14 =	vadd.f32 v28, v14;
	v4 =	vadd.f32 v10, v4  }
0x27a: {  	v1 =	vmul.f32 v60, v1;
	v15 =	vadd.f32 v28, v15;
	v5 =	vadd.f32 v11, v5  }
0x27b: {  	v62 =	vmul.f32 v60, v8;
	v2 =	vadd.f32 v4, v2;
	v4 =	vadd.f32 v14, v61  }
0x27c: {  	v3 =	vmul.f32 v60, v3;
	v7 =	vadd.f32 v15, v7;
	v1 =	vadd.f32 v5, v1  }
0x27d: {  	v5 =	vmin.f32 v9, v59;
	v2 =	vmin.f32 v16, v2;
	v4 =	vadd.f32 v4, v62  }
0x27e: {  	v63 =	vmin.f32 v13, v17;
	v3 =	vadd.f32 v7, v3;
	v1 =	vmin.f32 v5, v1;
	[tilespmem:$0xE100] =	vst v2  }
0x27f: {  	v2 =	vmin.f32 v12, v23;
	[tilespmem:$0xE110] =	vst v1;
	v4 =	vmin.f32 v63, v4  }
0x280: {  	v1 =	vmin.f32 v2, v3;
	[tilespmem:$0xE120] =	vst v4  }
0x281: {  	[tilespmem:$0xE130] =	vst v1  }
0x282: {  	[tilespmem:s18], [sflag:$0x1] =	stream.linear.gather [hbm4b:s13+s2], $0x6000, $0x38;
	[tilespmem:$0xE200] =	vst v63  }
0x283: {  	_ =	swait.ge [sflag:s16], $0x6000  }
0x284: {  	[sflag:s16] =	ssyncset.done $0x0  }
0x285: {  	s21 =	simm.s32 $0x20;
	[sflag:s16] =	ssyncadd.s32 $0xFFFFA000  }
0x286: {  	v3 =	vld [tilespmem:s21+$0xF0]  }
0x287: {  	v1 =	vld [tilespmem:s21+$0xE0]  }
0x288: {  	s22 =	simm.s32 $0x6120;
	s23 =	simm.s32 $0x140;
	v2 =	vld [tilespmem:s21+$0x100];
	s21 =	simm.s32 $0x6120  }
.LBB2_30:
0x289: {  	p0 =	sne.s32 s23, $0x17FC0  }
0x28a: {  	s22 =	sadd.s32 $0x40, s22;
	s24 =	smov.u32 s23;
	s23 =	sadd.s32 $0xC0, s23  }
0x28b: {  	v4 =	vmul.f32 v3, v3;
	v5 =	vmul.f32 $6.553700000e+04, v3  }
0x28c: {  	s24 =	sshra.s32 s24, $0x2;
	v6 =	vmul.f32 v1, v1;
	v7 =	vmul.f32 $6.553700000e+04, v1  }
0x28d: {  	v3 =	vsub.f32 v5, v3;
	v8 =	vmul.f32 $6.553700000e+04, v2  }
0x28e: {  	v4 =	vadd.f32 v4, v6;
	v6 =	vmul.f32 v2, v2;
	v1 =	vsub.f32 v7, v1  }
0x28f: {  	v3 =	vsub.f32 v5, v3;
	v2 =	vsub.f32 v8, v2  }
0x290: {  	v4 =	vadd.f32 v6, v4;
	v1 =	vsub.f32 v7, v1  }
0x291: {  	v3 =	vmul.f32 $-2.000000000e+00, v3;
	v2 =	vsub.f32 v8, v2  }
0x292: {  	[tilespmem:s21+$0x10] =	vst v4;
	v1 =	vmul.f32 $-2.000000000e+00, v1  }
0x293: {  	[tilespmem:s21+$0xFFFFFFF0] =	vst v3;
	v2 =	vmul.f32 $-2.000000000e+00, v2  }
.Ltmp14:
0x294: {  	[tilespmem:s21+$0xFFFFFFE0] =	vst v1;
	(pc) =	sbr.rel @p0 .LBB2_30-.Ltmp14, $4  }
0x295: {  	[tilespmem:s21+$0x0] =	vst v2;
	s21 =	smov.u32 s22  }
0x296: {  	v3 =	vld [tilespmem:s24+$0xF0]  }
0x297: {  	v1 =	vld [tilespmem:s24+$0xE0]  }
0x298: {  	v2 =	vld [tilespmem:s24+$0x100]  }
0x299: {  	_ =	sdelay $0x1  }
0x29a: {  	v4 =	vmul.f32 v3, v3;
	v5 =	vmul.f32 $6.553700000e+04, v3  }
0x29b: {  	v6 =	vmul.f32 v1, v1;
	v7 =	vmul.f32 $6.553700000e+04, v1  }
0x29c: {  	v3 =	vsub.f32 v5, v3;
	v8 =	vmul.f32 $6.553700000e+04, v2  }
0x29d: {  	v4 =	vadd.f32 v4, v6;
	v6 =	vmul.f32 v2, v2;
	v1 =	vsub.f32 v7, v1  }
0x29e: {  	v3 =	vsub.f32 v5, v3;
	v2 =	vsub.f32 v8, v2  }
0x29f: {  	v4 =	vadd.f32 v6, v4;
	v1 =	vsub.f32 v7, v1  }
0x2a0: {  	v3 =	vmul.f32 $-2.000000000e+00, v3;
	v2 =	vsub.f32 v8, v2  }
0x2a1: {  	[tilespmem:s21+$0x10] =	vst v4;
	v1 =	vmul.f32 $-2.000000000e+00, v1  }
0x2a2: {  	[tilespmem:s21+$0xFFFFFFF0] =	vst v3;
	v2 =	vmul.f32 $-2.000000000e+00, v2  }
0x2a3: {  	[tilespmem:s21+$0xFFFFFFE0] =	vst v1  }
0x2a4: {  	[tilespmem:s21+$0x0] =	vst v2  }
0x2a5: {  	v4 =	vld [tilespmem:$0x0]  }
0x2a6: {  	v2 =	vld [tilespmem:$0x40]  }
0x2a7: {  	v1 =	vld [tilespmem:$0x80]  }
0x2a8: {  	v17 =	vld [tilespmem:$0x10]  }
0x2a9: {  	v15 =	vld [tilespmem:$0x50]  }
0x2aa: {  	v7 =	vld [tilespmem:$0x90]  }
0x2ab: {  	v13 =	vld [tilespmem:$0x20]  }
0x2ac: {  	v10 =	vld [tilespmem:$0x60]  }
0x2ad: {  	v12 =	vld [tilespmem:$0x30]  }
0x2ae: {  	s31 =	simm.s32 $0x0;
	v8 =	vld [tilespmem:$0x70]  }
0x2af: {  	v9 =	vld [tilespmem:s31+$0x6100]  }
0x2b0: {  	v18 =	vld [tilespmem:s31+$0x6110]  }
0x2b1: {  	v21 =	vld [tilespmem:s31+$0x6130]  }
0x2b2: {  	v6 =	vld [tilespmem:$0xB0]  }
0x2b3: {  	v5 =	vld [tilespmem:s31+$0x6120]  }
0x2b4: {  	v11 =	vld [tilespmem:$0xA0];
	v14 =	vmul.f32 v9, v4;
	v20 =	vmul.f32 v9, v12  }
0x2b5: {  	v3 =	vld [tilespmem:$0xE100];
	v22 =	vmul.f32 v9, v17;
	v9 =	vmul.f32 v9, v13  }
0x2b6: {  	v16 =	vld [tilespmem:$0xE110];
	v27 =	vmul.f32 v18, v8;
	v25 =	vmul.f32 v18, v15;
	v26 =	vadd.f32 v21, v20  }
0x2b7: {  	v19 =	vadd.f32 v21, v14;
	v20 =	vmul.f32 v18, v2;
	v23 =	vadd.f32 v21, v9;
	v9 =	vld [tilespmem:$0xE130]  }
0x2b8: {  	s22 =	simm.s32 $0x40;
	s21 =	simm.s32 $0x200;
	v14 =	vld [tilespmem:$0xE120];
	v24 =	vadd.f32 v21, v22;
	v22 =	vmul.f32 v5, v6;
	v21 =	vadd.f32 v26, v27  }
.LBB2_32:
0x2b9: {  	p0 =	sne.s32 s21, $0x1FF00;
	v26 =	vld [tilespmem:s22+$0x6100];
	v19 =	vadd.f32 v19, v20;
	v20 =	vmul.f32 v5, v1;
	v27 =	vmul.f32 v18, v10  }
0x2ba: {  	v18 =	vld [tilespmem:s22+$0x6110];
	v24 =	vadd.f32 v24, v25;
	v25 =	vmul.f32 v5, v7;
	v21 =	vadd.f32 v21, v22  }
0x2bb: {  	v22 =	vld [tilespmem:s22+$0x6130];
	v19 =	vadd.f32 v19, v20;
	v20 =	vadd.f32 v23, v27;
	v23 =	vmul.f32 v5, v11  }
0x2bc: {  	v24 =	vadd.f32 v24, v25;
	v9 =	vmin.f32 v9, v21  }
0x2bd: {  	v5 =	vld [tilespmem:s22+$0x6120];
	v3 =	vmin.f32 v3, v19;
	v19 =	vadd.f32 v20, v23  }
.Ltmp15:
0x2be: {  	v20 =	vmul.f32 v26, v4;
	v21 =	vmul.f32 v26, v12;
	v16 =	vmin.f32 v16, v24;
	(pc) =	sbr.rel @p0 .LBB2_32-.Ltmp15, $4  }
0x2bf: {  	v23 =	vmul.f32 v26, v17;
	v25 =	vmul.f32 v26, v13;
	v14 =	vmin.f32 v14, v19  }
0x2c0: {  	v26 =	vmul.f32 v18, v8;
	v19 =	vadd.f32 v22, v20;
	v21 =	vadd.f32 v22, v21  }
0x2c1: {  	v20 =	vmul.f32 v18, v2;
	v24 =	vadd.f32 v22, v23;
	v23 =	vadd.f32 v22, v25  }
0x2c2: {  	s22 =	sshra.s32 s21, $0x2;
	s21 =	sadd.s32 $0x100, s21;
	v25 =	vmul.f32 v18, v15;
	v21 =	vadd.f32 v21, v26;
	v22 =	vmul.f32 v5, v6  }
0x2c3: {  	v26 =	vld [tilespmem:s22+$0x6100]  }
0x2c4: {  	v27 =	vld [tilespmem:s22+$0x6110]  }
0x2c5: {  	v28 =	vld [tilespmem:s22+$0x6130]  }
0x2c6: {  	v29 =	vld [tilespmem:s22+$0x6120];
	v18 =	vmul.f32 v18, v10;
	v44 =	vmul.f32 v5, v7  }
0x2c7: {  	v46 =	vmul.f32 v5, v11;
	v56 =	vadd.f32 v19, v20;
	v24 =	vadd.f32 v24, v25  }
0x2c8: {  	v57 =	vmul.f32 v5, v1;
	v51 =	vadd.f32 v21, v22;
	v18 =	vadd.f32 v23, v18  }
0x2c9: {  	v45 =	vadd.f32 v24, v44;
	v17 =	vmul.f32 v26, v17;
	v15 =	vmul.f32 v27, v15  }
0x2ca: {  	v9 =	vmin.f32 v9, v51;
	v13 =	vmul.f32 v26, v13;
	v12 =	vmul.f32 v26, v12  }
0x2cb: {  	v47 =	vmul.f32 v27, v10;
	v48 =	vmul.f32 v29, v7;
	v17 =	vadd.f32 v28, v17  }
0x2cc: {  	v8 =	vmul.f32 v27, v8;
	v49 =	vmul.f32 v29, v11;
	v13 =	vadd.f32 v28, v13  }
0x2cd: {  	v4 =	vmul.f32 v26, v4;
	v12 =	vadd.f32 v28, v12;
	v15 =	vadd.f32 v17, v15  }
0x2ce: {  	v50 =	vmin.f32 v16, v45;
	v17 =	vadd.f32 v18, v46;
	v10 =	vadd.f32 v13, v47  }
0x2cf: {  	v53 =	vld [tilespmem:$0xE180];
	v6 =	vmul.f32 v29, v6;
	v8 =	vadd.f32 v12, v8;
	v7 =	vadd.f32 v15, v48  }
0x2d0: {  	v58 =	vld [tilespmem:$0xE190];
	v2 =	vmul.f32 v27, v2;
	v4 =	vadd.f32 v28, v4;
	v10 =	vadd.f32 v10, v49  }
0x2d1: {  	v61 =	vld [tilespmem:$0xE1A0];
	v52 =	vmin.f32 v14, v17;
	v6 =	vadd.f32 v8, v6;
	v7 =	vmin.f32 v50, v7  }
0x2d2: {  	v62 =	vld [tilespmem:$0xE1B0];
	v1 =	vmul.f32 v29, v1;
	v2 =	vadd.f32 v4, v2;
	v54 =	vmin.f32 v52, v10;
	[tilespmem:$0xE110] =	vst v7  }
0x2d3: {  	v5 =	vadd.f32 v56, v57;
	v59 =	vmin.f32 v9, v6;
	[tilespmem:$0xE120] =	vst v54;
	v55 =	vld [tilespmem:$0xE110]  }
0x2d4: {  	v1 =	vadd.f32 v2, v1;
	[tilespmem:$0xE130] =	vst v59;
	v60 =	vld [tilespmem:$0xE120]  }
0x2d5: {  	v3 =	vmin.f32 v3, v5;
	v2 =	vld [tilespmem:$0xE130]  }
0x2d6: {  	v1 =	vmin.f32 v3, v1  }
0x2d7: {  	v3 =	vadd.f32 v53, v1  }
0x2d8: {  	v63 =	vadd.f32 v58, v55  }
0x2d9: {  	[tilespmem:$0xE100] =	vst v1;
	v1 =	vmax.f32 v3, $0.0e+00;
	v3 =	vadd.f32 v61, v60  }
0x2da: {  	[tilespmem:$0xE180] =	vst v1;
	v2 =	vadd.f32 v62, v2;
	v1 =	vmax.f32 v63, $0.0e+00  }
0x2db: {  	s20 =	sadd.s32 $0x1, s20;
	[tilespmem:$0xE190] =	vst v1;
	v1 =	vmax.f32 v3, $0.0e+00  }
0x2dc: {  	p0 =	sne.s32 s20, s15;
	[tilespmem:$0xE1A0] =	vst v1;
	v1 =	vmax.f32 v2, $0.0e+00  }
.Ltmp16:
0x2dd: {  	[tilespmem:$0xE1B0] =	vst v1;
	(pc) =	sbr.rel @p0 .LBB2_1-.Ltmp16, $4  }
0x2de: {  	[hbm4b:s14+s2] =	stream.linear.scatter [tilespmem:s19], [sflag:$0x1], $0x40, $0x38;
	[tilespmem:$0xE200] =	vst v63  }
0x2df: {  	_ =	swait.ge [sflag:s16], $0x40  }
0x2e0: {  	[sflag:s16] =	ssyncset.done $0x0  }
0x2e1: {  	[sflag:s16] =	ssyncadd.s32 $0xFFFFFFC0  }
0x2e2: {  	_ =	sfence.sel $0x180000  }
0x2e3: {  	[bflag:$0x0] =	sbarrier.arrive $0xFFFF  }
0x2e4: {  	p0 =	sne.s32 s1, $0x0;
	_ =	strace $0x90000047  }
0x2e5: {  	s0 =	sadd.s32 @!p0 $0x100000, s0;
	[bflag:$0x2] =	sbarrier.arrive $0xFFFF  }
0x2e6: {  	[sflag:s0] =	ssyncadd.tile.s32 @!p0 $0x1;
	_ =	shalt  }
.Lfunc_end2:
_tile_overlayer_lowered:
.L_overlay_start_2:
0x2e7: {  	(tag) =	ssettag $0x2  }
0x2e8: {  	s0 =	rddreg [dreg:$0x0];
	s2 =	stileid.u32  }
0x2e9: {  	s1 =	rddreg [dreg:$0x1];
	p0 =	sne.s32 s2, $0x0  }
0x2ea: {  	s3 =	rddreg [dreg:$0x2];
	[bflag:$0x3] =	sbarrier.arrive $0xFFFF;
	s2 =	simm.s32 @!p0 $0x1C01  }
0x2eb: {  	[timem:s3], [sflag:s2] =	dma.local @!p0 [hbm:s0], s1  }
0x2ec: {  	s0 =	simm.s32 @!p0 $0x1  }
0x2ed: {  	_ =	swait.ge @!p0 [sflag:s0], s1  }
0x2ee: {  	s1 =	ssub.s32 @!p0 $0x0, s1;
	[sflag:s0] =	ssyncset.done @!p0 $0x0  }
0x2ef: {  	[sflag:s0] =	ssyncadd.s32 @!p0 s1  }
0x2f0: {  	[bflag:$0x3] =	sbarrier.arrive $0xFFFF  }
0x2f1: {  	_ =	shalt  }

</sc_bundles>
